<compile_context>
chip_gen: v7x
topology: tpu7x:2x2x1
jax: 0.10.2.dev20260603
libtpu: 0.0.44.dev20260713+nightly
codegen_flags: <defaults>
</compile_context>

<pallas_src>
import functools

import jax
import jax.numpy as jnp
from jax import lax
from jax.experimental import pallas as pl
from jax.experimental.pallas import tpu as pltpu
from jax.experimental.pallas import tpu_sc as plsc

N = 10000
E = 320000
D = 128
DH = D // 2
PAD = 8
NC = 2
NS = 16
NW = NC * NS
E_PER = E // NW
CH = 125
E_TILE = E // NS
NIT = E_TILE // CH
NBUF = 5
RP = 624
TAIL0 = NS * RP
TAILN = N - TAIL0


def _deg_body(row_hbm, col_hbm, out_hbm, row_v, col_v, deg_v):
    c = lax.axis_index("c")
    s = lax.axis_index("s")
    wid = s * NC + c
    base = wid * E_PER
    pltpu.sync_copy(row_hbm.at[pl.ds(base, E_PER)], row_v)
    pltpu.sync_copy(col_hbm.at[pl.ds(base, E_PER)], col_v)

    zeros16 = jnp.zeros((16,), jnp.float32)

    def zero_body(i, carry):
        deg_v[pl.ds(i * 16, 16)] = zeros16
        return carry

    lax.fori_loop(0, N // 16, zero_body, 0)

    ones16 = jnp.ones((16,), jnp.float32)

    def body(i, carry):
        r = row_v[pl.ds(i * 16, 16)]
        cc = col_v[pl.ds(i * 16, 16)]
        plsc.addupdate_scatter(deg_v, [r], ones16, mask=r != cc)
        return carry

    lax.fori_loop(0, E_PER // 16, body, 0)
    pltpu.sync_copy(deg_v, out_hbm.at[wid])


def _prop_body(xs_hbm, row_hbm, col_hbm, zeros_hbm, out_hbm,
               row_v, col_v, gbufs, accum, gsems, ssems):
    c = lax.axis_index("c")
    s = lax.axis_index("s")
    pltpu.sync_copy(zeros_hbm.at[pl.ds(s * RP, RP)],
                    accum.at[pl.ds(s * RP, RP)])

    @pl.when(s == 0)
    def _zero_tail():
        pltpu.sync_copy(zeros_hbm.at[pl.ds(TAIL0, TAILN)],
                        accum.at[pl.ds(TAIL0, TAILN)])

    pltpu.sync_copy(row_hbm.at[s], row_v)
    pltpu.sync_copy(col_hbm.at[s], col_v)
    plsc.subcore_barrier()

    xs_c = xs_hbm.at[c]

    for b in range(NBUF):
        pltpu.async_copy(xs_c.at[row_v.at[b]], gbufs[b], gsems[b])

    def body(j, carry):
        for b in range(NBUF):
            i = NBUF * j + b
            pltpu.make_async_copy(xs_c.at[row_v.at[i]],
                                  gbufs[b], gsems[b]).wait()
            pltpu.async_copy(gbufs[b], accum.at[col_v.at[i]],
                             ssems[b], add=True)
        for b in range(NBUF):
            i = NBUF * j + b

            @pl.when(i + NBUF < NIT)
            def _next():
                pltpu.make_async_copy(gbufs[b], accum.at[col_v.at[i]],
                                      ssems[b]).wait()
                pltpu.async_copy(xs_c.at[row_v.at[i + NBUF]],
                                 gbufs[b], gsems[b])

        return carry

    lax.fori_loop(0, NIT // NBUF, body, 0)
    for b in range(NBUF):
        i = NIT - NBUF + b
        pltpu.make_async_copy(gbufs[b], accum.at[col_v.at[i]],
                              ssems[b]).wait()
    plsc.subcore_barrier()
    pltpu.sync_copy(accum.at[pl.ds(s * RP, RP)],
                    out_hbm.at[c, pl.ds(s * RP, RP)])

    @pl.when(s == 0)
    def _read_tail():
        pltpu.sync_copy(accum.at[pl.ds(TAIL0, TAILN)],
                        out_hbm.at[c, pl.ds(TAIL0, TAILN)])


@functools.lru_cache(maxsize=None)
def _sc_kernels():
    mesh = plsc.VectorSubcoreMesh(core_axis_name="c", subcore_axis_name="s",
                                  num_cores=NC, num_subcores=NS)
    deg = pl.kernel(
        _deg_body,
        out_type=jax.ShapeDtypeStruct((NW, N), jnp.float32),
        mesh=mesh,
        compiler_params=pltpu.CompilerParams(needs_layout_passes=False),
        scratch_types=[
            pltpu.VMEM((E_PER,), jnp.int32),
            pltpu.VMEM((E_PER,), jnp.int32),
            pltpu.VMEM((N,), jnp.float32),
        ],
    )
    prop = pl.kernel(
        _prop_body,
        out_type=jax.ShapeDtypeStruct((NC, N, DH), jnp.float32),
        mesh=mesh,
        compiler_params=pltpu.CompilerParams(use_tc_tiling_on_sc=False),
        scratch_types=[
            pltpu.VMEM((NIT, CH), jnp.int32),
            pltpu.VMEM((NIT, CH), jnp.int32),
            [pltpu.VMEM((CH, DH), jnp.float32)] * NBUF,
            pltpu.VMEM_SHARED((N, DH), jnp.float32),
            [pltpu.SemaphoreType.DMA] * NBUF,
            [pltpu.SemaphoreType.DMA] * NBUF,
        ],
    )
    return deg, prop


def _scale_body(degp, x, xs, dinv, m, sdeg):
    deg = jnp.sum(degp[...], axis=0)
    di = jnp.where(deg > 0, lax.rsqrt(deg), 0.0)
    dinv[...] = di[:, None]
    m[...] = -(di * di)[:, None]
    sdeg[...] = jnp.sqrt(deg)[:, None]
    scaled = x[...] * di[:, None]
    xs[0, :N, :] = scaled[:, :DH]
    xs[1, :N, :] = scaled[:, DH:]
    xs[0, N:, :] = jnp.zeros((PAD, DH), jnp.float32)
    xs[1, N:, :] = jnp.zeros((PAD, DH), jnp.float32)


_scale_call = pl.pallas_call(
    _scale_body,
    out_shape=[
        jax.ShapeDtypeStruct((NC, N + PAD, DH), jnp.float32),
        jax.ShapeDtypeStruct((N, 1), jnp.float32),
        jax.ShapeDtypeStruct((N, 1), jnp.float32),
        jax.ShapeDtypeStruct((N, 1), jnp.float32),
    ],
)


def _radj_body(r, cc, radj):
    rr = r[...]
    radj[...] = jnp.where(rr == cc[...], N, rr)


_radj_call = pl.pallas_call(
    _radj_body, out_shape=jax.ShapeDtypeStruct((2500, 128), jnp.int32))


def _mid_body(p, m, xs1):
    mv = m[...]
    xs1[0, :N, :] = p[0] * mv
    xs1[1, :N, :] = p[1] * mv
    xs1[0, N:, :] = jnp.zeros((PAD, DH), jnp.float32)
    xs1[1, N:, :] = jnp.zeros((PAD, DH), jnp.float32)


_mid_call = pl.pallas_call(
    _mid_body,
    out_shape=jax.ShapeDtypeStruct((NC, N + PAD, DH), jnp.float32),
)


def _mm0_body(x, w0, z0):
    z0[...] = jnp.dot(x[...], w0[...], preferred_element_type=jnp.float32)


_mm0_call = pl.pallas_call(
    _mm0_body, out_shape=jax.ShapeDtypeStruct((N, D), jnp.float32))


def _mm1_body(xs1, sdeg, w1, z0, z01):
    tx1 = jnp.concatenate((xs1[0, :N, :], xs1[1, :N, :]), axis=1) * sdeg[...]
    z01[...] = z0[...] + jnp.dot(tx1, w1[...],
                                 preferred_element_type=jnp.float32)


_mm1_call = pl.pallas_call(
    _mm1_body, out_shape=jax.ShapeDtypeStruct((N, D), jnp.float32))


def _final_body(x, z01, p2, dinv, w2, b, a, g, be, out):
    xv = x[...]
    s2 = jnp.concatenate((p2[0], p2[1]), axis=1)
    tx2 = -2.0 * dinv[...] * s2 - xv
    z = z01[...] + jnp.dot(tx2, w2[...], preferred_element_type=jnp.float32)
    z = z + b[...]
    z = jnp.where(z >= 0, z, a[0, 0] * z)
    mean = jnp.mean(z, axis=0, keepdims=True)
    zc = z - mean
    var = jnp.mean(zc * zc, axis=0, keepdims=True)
    out[...] = zc * lax.rsqrt(var + 1e-5) * g[...] + be[...]


_final_call = pl.pallas_call(
    _final_body,
    out_shape=jax.ShapeDtypeStruct((N, D), jnp.float32),
)


def kernel(x, edge_index, W0, W1, W2, bias, prelu_a, bn_gamma, bn_beta):
    ei = edge_index.astype(jnp.int32)
    row = ei[0]
    col = ei[1]
    deg_kernel, prop_kernel = _sc_kernels()
    degp = deg_kernel(row, col)
    radj2 = _radj_call(row.reshape(2500, 128), col.reshape(2500, 128))
    xs0, dinv, m, sdeg = _scale_call(degp, x)
    radj3 = radj2.reshape(NS, NIT, CH)
    col3 = col.reshape(NS, NIT, CH)
    zeros = jnp.zeros((N, DH), jnp.float32)
    p1 = prop_kernel(xs0, radj3, col3, zeros)
    z0 = _mm0_call(x, W0)
    xs1 = _mid_call(p1, m)
    p2 = prop_kernel(xs1, radj3, col3, zeros)
    z01 = _mm1_call(xs1, sdeg, W1, z0)
    out = _final_call(x, z01, p2, dinv, W2,
                      bias.reshape(1, D), prelu_a.reshape(1, 1),
                      bn_gamma.reshape(1, D), bn_beta.reshape(1, D))
    return out

# --- scband reference (transcript-rebuilt; emitter-appended) ---
"""Pipeline reference for scband-gnmodule-31233002176630 (READ-ONLY COPY).

The authoritative reference and input builder live on the scoring server;
editing this copy changes nothing except your own understanding.
"""

import jax, jax.numpy as jnp
import numpy as np

N_NODES = 10000
N_EDGES = 320000
D_IN = 128
D_OUT = 128


def setup_inputs(seed: int = 0) -> dict:
    key = jax.random.key(seed)
    k1, k2, k3, k4, k5 = jax.random.split(key, 5)
    x = jax.random.normal(k1, (N_NODES, D_IN), dtype=jnp.float32)
    edge_index = jax.random.randint(k2, (2, N_EDGES), 0, N_NODES, dtype=jnp.int64)
    # ChebConv K=3: three weight matrices (glorot-style scale) + bias
    scale = 1.0 / np.sqrt(D_IN)
    W0 = jax.random.normal(k3, (D_IN, D_OUT), dtype=jnp.float32) * scale
    W1 = jax.random.normal(k4, (D_IN, D_OUT), dtype=jnp.float32) * scale
    W2 = jax.random.normal(k5, (D_IN, D_OUT), dtype=jnp.float32) * scale
    bias = jnp.zeros((D_OUT,), dtype=jnp.float32)
    prelu_a = jnp.asarray(0.25, dtype=jnp.float32)
    bn_gamma = jnp.ones((D_OUT,), dtype=jnp.float32)
    bn_beta = jnp.zeros((D_OUT,), dtype=jnp.float32)
    return {"x": x, "edge_index": edge_index, "W0": W0, "W1": W1, "W2": W2,
            "bias": bias, "prelu_a": prelu_a, "bn_gamma": bn_gamma, "bn_beta": bn_beta}


def reference(x, edge_index, W0, W1, W2, bias, prelu_a, bn_gamma, bn_beta):
    N = x.shape[0]
    row = edge_index[0]
    col = edge_index[1]
    # remove self loops (weight them 0, equivalent to removal)
    ew = jnp.where(row != col, 1.0, 0.0).astype(x.dtype)
    # symmetric-normalized Laplacian, scaled: with lambda_max=2 the scaled
    # Laplacian L_hat = L - I = -D^{-1/2} A D^{-1/2} (zero diagonal)
    deg = jax.ops.segment_sum(ew, row, num_segments=N)
    dinv = jnp.where(deg > 0, 1.0 / jnp.sqrt(deg), 0.0)
    norm = -dinv[row] * ew * dinv[col]

    def prop(t):
        # message = norm * t[src], aggregated (scatter-add) at dst
        return jax.ops.segment_sum(norm[:, None] * jnp.take(t, row, axis=0), col, num_segments=N)

    # Chebyshev recurrence, K=3
    Tx0 = x
    Tx1 = prop(Tx0)
    out = Tx0 @ W0 + Tx1 @ W1
    Tx2 = 2.0 * prop(Tx1) - Tx0
    out = out + Tx2 @ W2 + bias
    # PReLU (single shared parameter)
    out = jnp.where(out >= 0, out, prelu_a * out)
    # BatchNorm over nodes (training-mode batch statistics)
    mean = jnp.mean(out, axis=0)
    var = jnp.var(out, axis=0)
    out = (out - mean) / jnp.sqrt(var + 1e-5) * bn_gamma + bn_beta
    return out

if __name__ == "__main__":
    import jax
    _d = setup_inputs()
    print(jax.jit(kernel)(*tuple(_d.values())))

</pallas_src>

<mosaic_0001>
#map = affine_map<(d0, d1) -> (0)>
#map1 = affine_map<(d0, d1) -> (0, 0)>
module attributes {stable_mosaic.version = 14 : i64} {
  func.func @_deg_body(%arg0: i32, %arg1: i32, %arg2: memref<320000xi32, #tpu.memory_space<hbm>>, %arg3: memref<320000xi32, #tpu.memory_space<hbm>>, %arg4: memref<32x10000xf32, #tpu.memory_space<hbm>>, %arg5: memref<10000xi32, #tpu.memory_space<vmem>>, %arg6: memref<10000xi32, #tpu.memory_space<vmem>>, %arg7: memref<10000xf32, #tpu.memory_space<vmem>>) attributes {dimension_semantics = [#tpu.dimension_semantics<core_parallel>, #tpu.dimension_semantics<subcore_parallel>], iteration_bounds = array<i64: 2, 16>, scalar_prefetch = 0 : i64, scratch_operands = 3 : i64, tpu.core_type = #tpu.core_type<sc_vector_subcore>, window_params = [{transform_indices = #map}, {transform_indices = #map}, {transform_indices = #map1}]} {
    %mul3A = arith.constant 2 : i32
    %mul3A_0 = arith.muli %arg1, %mul3A : i32
    %add3A = arith.addi %mul3A_0, %arg0 : i32
    %mul3A_1 = arith.constant 10000 : i32
    %mul3A_2 = arith.muli %add3A, %mul3A_1 : i32
    "tpu.region"() ({
      %run_scoped3A = tpu.sem_alloc : memref<!tpu.dma_semaphore, #tpu.memory_space<semaphore_mem>>
      %dma_start3A = tpu.memref_slice %arg2[%mul3A_2] : memref<320000xi32, #tpu.memory_space<hbm>> -> memref<10000xi32, #tpu.memory_space<hbm>>
      %dma_start3A_17 = tpu.memref_slice %arg2[%mul3A_2] : memref<320000xi32, #tpu.memory_space<hbm>> -> memref<10000xi32, #tpu.memory_space<hbm>>
      tpu.enqueue_dma source(%dma_start3A_17 : memref<10000xi32, #tpu.memory_space<hbm>>) target(%arg5 : memref<10000xi32, #tpu.memory_space<vmem>>) target_semaphore(%run_scoped3A : memref<!tpu.dma_semaphore, #tpu.memory_space<semaphore_mem>>)
      %dma_wait3A = tpu.memref_slice %arg2[%mul3A_2] : memref<320000xi32, #tpu.memory_space<hbm>> -> memref<10000xi32, #tpu.memory_space<hbm>>
      %dma_wait3A_18 = tpu.memref_slice %arg2[%mul3A_2] : memref<320000xi32, #tpu.memory_space<hbm>> -> memref<10000xi32, #tpu.memory_space<hbm>>
      tpu.wait_dma2 semaphore(%run_scoped3A : memref<!tpu.dma_semaphore, #tpu.memory_space<semaphore_mem>>) src(%dma_wait3A_18 : memref<10000xi32, #tpu.memory_space<hbm>>) dst(%arg5 : memref<10000xi32, #tpu.memory_space<vmem>>)
      tpu.yield
    }) : () -> ()
    "tpu.region"() ({
      %run_scoped3A = tpu.sem_alloc : memref<!tpu.dma_semaphore, #tpu.memory_space<semaphore_mem>>
      %dma_start3A = tpu.memref_slice %arg3[%mul3A_2] : memref<320000xi32, #tpu.memory_space<hbm>> -> memref<10000xi32, #tpu.memory_space<hbm>>
      %dma_start3A_17 = tpu.memref_slice %arg3[%mul3A_2] : memref<320000xi32, #tpu.memory_space<hbm>> -> memref<10000xi32, #tpu.memory_space<hbm>>
      tpu.enqueue_dma source(%dma_start3A_17 : memref<10000xi32, #tpu.memory_space<hbm>>) target(%arg6 : memref<10000xi32, #tpu.memory_space<vmem>>) target_semaphore(%run_scoped3A : memref<!tpu.dma_semaphore, #tpu.memory_space<semaphore_mem>>)
      %dma_wait3A = tpu.memref_slice %arg3[%mul3A_2] : memref<320000xi32, #tpu.memory_space<hbm>> -> memref<10000xi32, #tpu.memory_space<hbm>>
      %dma_wait3A_18 = tpu.memref_slice %arg3[%mul3A_2] : memref<320000xi32, #tpu.memory_space<hbm>> -> memref<10000xi32, #tpu.memory_space<hbm>>
      tpu.wait_dma2 semaphore(%run_scoped3A : memref<!tpu.dma_semaphore, #tpu.memory_space<semaphore_mem>>) src(%dma_wait3A_18 : memref<10000xi32, #tpu.memory_space<hbm>>) dst(%arg6 : memref<10000xi32, #tpu.memory_space<vmem>>)
      tpu.yield
    }) : () -> ()
    %broadcast_in_dim3A = arith.constant 0.000000e+00 : f32
    %broadcast_in_dim3A_3 = vector.broadcast %broadcast_in_dim3A : f32 to vector<16xf32>
    %scan3A = arith.constant 0 : i32
    %scan3A_4 = arith.constant 0 : i32
    %scan3A_5 = arith.constant 625 : i32
    %scan3A_6 = arith.addi %scan3A_4, %scan3A_5 : i32
    %scan3A_7 = arith.constant 1 : i32
    scf.for %scan3A_17 = %scan3A_4 to %scan3A_6 step %scan3A_7  : i32 {
      %mul3A_18 = arith.constant 16 : i32
      %mul3A_19 = arith.muli %scan3A_17, %mul3A_18 : i32
      %swap3A = arith.index_cast %mul3A_19 : i32 to index
      %swap3A_20 = tpu.vector_load %arg7[%swap3A] {strides = array<i32>} : memref<10000xf32, #tpu.memory_space<vmem>>, vector<16xf32>,
      tpu.vector_store %arg7[%swap3A], %broadcast_in_dim3A_3 {strides = array<i32>} : memref<10000xf32, #tpu.memory_space<vmem>>, vector<16xf32>,
    }
    %scan3A_8 = arith.constant 625 : i32
    %broadcast_in_dim3A_9 = arith.constant 1.000000e+00 : f32
    %broadcast_in_dim3A_10 = vector.broadcast %broadcast_in_dim3A_9 : f32 to vector<16xf32>
    %scan3A_11 = arith.constant 0 : i32
    %scan3A_12 = arith.constant 0 : i32
    %scan3A_13 = arith.constant 625 : i32
    %scan3A_14 = arith.addi %scan3A_12, %scan3A_13 : i32
    %scan3A_15 = arith.constant 1 : i32
    scf.for %scan3A_17 = %scan3A_12 to %scan3A_14 step %scan3A_15  : i32 {
      %mul3A_18 = arith.constant 16 : i32
      %mul3A_19 = arith.muli %scan3A_17, %mul3A_18 : i32
      %get3A = arith.index_cast %mul3A_19 : i32 to index
      %get3A_20 = tpu.vector_load %arg5[%get3A] {strides = array<i32>} : memref<10000xi32, #tpu.memory_space<vmem>>, vector<16xi32>,
      %mul3A_21 = arith.constant 16 : i32
      %mul3A_22 = arith.muli %scan3A_17, %mul3A_21 : i32
      %get3A_23 = arith.index_cast %mul3A_22 : i32 to index
      %get3A_24 = tpu.vector_load %arg6[%get3A_23] {strides = array<i32>} : memref<10000xi32, #tpu.memory_space<vmem>>, vector<16xi32>,
      %ne3A = arith.cmpi ne, %get3A_20, %get3A_24 : vector<16xi32>
      tpu.vector_store_idx %arg7[%get3A_20], %broadcast_in_dim3A_10 masked %ne3A {add = true} : memref<10000xf32, #tpu.memory_space<vmem>>[vector<16xi32>], vector<16xf32>, vector<16xi1>
    }
    %scan3A_16 = arith.constant 625 : i32
    "tpu.region"() ({
      %run_scoped3A = tpu.sem_alloc : memref<!tpu.dma_semaphore, #tpu.memory_space<semaphore_mem>>
      %dma_start3A = arith.constant 0 : i32
      %dma_start3A_17 = tpu.memref_slice %arg4[%add3A, %dma_start3A] : memref<32x10000xf32, #tpu.memory_space<hbm>> -> memref<1x10000xf32, #tpu.memory_space<hbm>>
      %dma_start3A_18 = tpu.memref_squeeze %dma_start3A_17 : memref<1x10000xf32, #tpu.memory_space<hbm>> -> memref<10000xf32, #tpu.memory_space<hbm>>
      %dma_start3A_19 = arith.constant 0 : i32
      %dma_start3A_20 = tpu.memref_slice %arg4[%add3A, %dma_start3A_19] : memref<32x10000xf32, #tpu.memory_space<hbm>> -> memref<1x10000xf32, #tpu.memory_space<hbm>>
      %dma_start3A_21 = tpu.memref_squeeze %dma_start3A_20 : memref<1x10000xf32, #tpu.memory_space<hbm>> -> memref<10000xf32, #tpu.memory_space<hbm>>
      tpu.enqueue_dma source(%arg7 : memref<10000xf32, #tpu.memory_space<vmem>>) target(%dma_start3A_21 : memref<10000xf32, #tpu.memory_space<hbm>>) target_semaphore(%run_scoped3A : memref<!tpu.dma_semaphore, #tpu.memory_space<semaphore_mem>>)
      %dma_wait3A = arith.constant 0 : i32
      %dma_wait3A_22 = tpu.memref_slice %arg4[%add3A, %dma_wait3A] : memref<32x10000xf32, #tpu.memory_space<hbm>> -> memref<1x10000xf32, #tpu.memory_space<hbm>>
      %dma_wait3A_23 = tpu.memref_squeeze %dma_wait3A_22 : memref<1x10000xf32, #tpu.memory_space<hbm>> -> memref<10000xf32, #tpu.memory_space<hbm>>
      %dma_wait3A_24 = arith.constant 0 : i32
      %dma_wait3A_25 = tpu.memref_slice %arg4[%add3A, %dma_wait3A_24] : memref<32x10000xf32, #tpu.memory_space<hbm>> -> memref<1x10000xf32, #tpu.memory_space<hbm>>
      %dma_wait3A_26 = tpu.memref_squeeze %dma_wait3A_25 : memref<1x10000xf32, #tpu.memory_space<hbm>> -> memref<10000xf32, #tpu.memory_space<hbm>>
      tpu.wait_dma2 semaphore(%run_scoped3A : memref<!tpu.dma_semaphore, #tpu.memory_space<semaphore_mem>>) src(%arg7 : memref<10000xf32, #tpu.memory_space<vmem>>) dst(%dma_wait3A_26 : memref<10000xf32, #tpu.memory_space<hbm>>)
      tpu.yield
    }) : () -> ()
    return
  }
}

#map = affine_map<(d0, d1) -> (0, 0, 0)>
#map1 = affine_map<(d0, d1) -> (0, 0)>
module attributes {stable_mosaic.version = 14 : i64} {
  func.func @_prop_body(%arg0: i32, %arg1: i32, %arg2: memref<2x10008x64xf32, #tpu.memory_space<hbm>>, %arg3: memref<16x160x125xi32, #tpu.memory_space<hbm>>, %arg4: memref<16x160x125xi32, #tpu.memory_space<hbm>>, %arg5: memref<10000x64xf32, #tpu.memory_space<hbm>>, %arg6: memref<2x10000x64xf32, #tpu.memory_space<hbm>>, %arg7: memref<160x125xi32, #tpu.memory_space<vmem>>, %arg8: memref<160x125xi32, #tpu.memory_space<vmem>>, %arg9: memref<125x64xf32, #tpu.memory_space<vmem>>, %arg10: memref<125x64xf32, #tpu.memory_space<vmem>>, %arg11: memref<125x64xf32, #tpu.memory_space<vmem>>, %arg12: memref<125x64xf32, #tpu.memory_space<vmem>>, %arg13: memref<125x64xf32, #tpu.memory_space<vmem>>, %arg14: memref<10000x64xf32, #tpu.memory_space<vmem_shared>>, %arg15: memref<!tpu.dma_semaphore, #tpu.memory_space<semaphore_mem>>, %arg16: memref<!tpu.dma_semaphore, #tpu.memory_space<semaphore_mem>>, %arg17: memref<!tpu.dma_semaphore, #tpu.memory_space<semaphore_mem>>, %arg18: memref<!tpu.dma_semaphore, #tpu.memory_space<semaphore_mem>>, %arg19: memref<!tpu.dma_semaphore, #tpu.memory_space<semaphore_mem>>, %arg20: memref<!tpu.dma_semaphore, #tpu.memory_space<semaphore_mem>>, %arg21: memref<!tpu.dma_semaphore, #tpu.memory_space<semaphore_mem>>, %arg22: memref<!tpu.dma_semaphore, #tpu.memory_space<semaphore_mem>>, %arg23: memref<!tpu.dma_semaphore, #tpu.memory_space<semaphore_mem>>, %arg24: memref<!tpu.dma_semaphore, #tpu.memory_space<semaphore_mem>>) attributes {dimension_semantics = [#tpu.dimension_semantics<core_parallel>, #tpu.dimension_semantics<subcore_parallel>], iteration_bounds = array<i64: 2, 16>, scalar_prefetch = 0 : i64, scratch_operands = 18 : i64, tpu.core_type = #tpu.core_type<sc_vector_subcore>, window_params = [{transform_indices = #map}, {transform_indices = #map}, {transform_indices = #map}, {transform_indices = #map1}, {transform_indices = #map}]} {
    %mul3A = arith.constant 624 : i32
    %mul3A_0 = arith.muli %arg1, %mul3A : i32
    %mul3A_1 = arith.constant 624 : i32
    %mul3A_2 = arith.muli %arg1, %mul3A_1 : i32
    "tpu.region"() ({
      %run_scoped3A = tpu.sem_alloc : memref<!tpu.dma_semaphore, #tpu.memory_space<semaphore_mem>>
      %dma_start3A_108 = arith.constant 0 : i32
      %dma_start3A_109 = tpu.memref_slice %arg14[%mul3A_2, %dma_start3A_108] : memref<10000x64xf32, #tpu.memory_space<vmem_shared>> -> memref<624x64xf32, #tpu.memory_space<vmem_shared>>
      %dma_start3A_110 = arith.constant 0 : i32
      %dma_start3A_111 = tpu.memref_slice %arg5[%mul3A_0, %dma_start3A_110] : memref<10000x64xf32, #tpu.memory_space<hbm>> -> memref<624x64xf32, #tpu.memory_space<hbm>>
      tpu.enqueue_dma source(%dma_start3A_111 : memref<624x64xf32, #tpu.memory_space<hbm>>) target(%dma_start3A_109 : memref<624x64xf32, #tpu.memory_space<vmem_shared>>) target_semaphore(%run_scoped3A : memref<!tpu.dma_semaphore, #tpu.memory_space<semaphore_mem>>)
      %dma_wait3A_112 = arith.constant 0 : i32
      %dma_wait3A_113 = tpu.memref_slice %arg14[%mul3A_2, %dma_wait3A_112] : memref<10000x64xf32, #tpu.memory_space<vmem_shared>> -> memref<624x64xf32, #tpu.memory_space<vmem_shared>>
      %dma_wait3A_114 = arith.constant 0 : i32
      %dma_wait3A_115 = tpu.memref_slice %arg5[%mul3A_0, %dma_wait3A_114] : memref<10000x64xf32, #tpu.memory_space<hbm>> -> memref<624x64xf32, #tpu.memory_space<hbm>>
      tpu.wait_dma2 semaphore(%run_scoped3A : memref<!tpu.dma_semaphore, #tpu.memory_space<semaphore_mem>>) src(%dma_wait3A_115 : memref<624x64xf32, #tpu.memory_space<hbm>>) dst(%dma_wait3A_113 : memref<624x64xf32, #tpu.memory_space<vmem_shared>>)
      tpu.yield
    }) : () -> ()
    %eq3A = arith.constant 0 : i32
    %eq3A_3 = arith.cmpi eq, %arg1, %eq3A : i32
    %convert_element_type3A = arith.extui %eq3A_3 : i1 to i32
    %cond3A = arith.constant 0 : i32
    %cond3A_4 = arith.cmpi ne, %convert_element_type3A, %cond3A : i32
    scf.if %cond3A_4 {
      "tpu.region"() ({
        %run_scoped3A = tpu.sem_alloc : memref<!tpu.dma_semaphore, #tpu.memory_space<semaphore_mem>>
        %dma_start3A_108 = arith.constant 9984 : i32
        %dma_start3A_109 = arith.constant 0 : i32
        %dma_start3A_110 = tpu.memref_slice %arg14[%dma_start3A_108, %dma_start3A_109] : memref<10000x64xf32, #tpu.memory_space<vmem_shared>> -> memref<16x64xf32, #tpu.memory_space<vmem_shared>>
        %dma_start3A_111 = arith.constant 9984 : i32
        %dma_start3A_112 = arith.constant 0 : i32
        %dma_start3A_113 = tpu.memref_slice %arg5[%dma_start3A_111, %dma_start3A_112] : memref<10000x64xf32, #tpu.memory_space<hbm>> -> memref<16x64xf32, #tpu.memory_space<hbm>>
        tpu.enqueue_dma source(%dma_start3A_113 : memref<16x64xf32, #tpu.memory_space<hbm>>) target(%dma_start3A_110 : memref<16x64xf32, #tpu.memory_space<vmem_shared>>) target_semaphore(%run_scoped3A : memref<!tpu.dma_semaphore, #tpu.memory_space<semaphore_mem>>)
        %dma_wait3A_114 = arith.constant 9984 : i32
        %dma_wait3A_115 = arith.constant 0 : i32
        %dma_wait3A_116 = tpu.memref_slice %arg14[%dma_wait3A_114, %dma_wait3A_115] : memref<10000x64xf32, #tpu.memory_space<vmem_shared>> -> memref<16x64xf32, #tpu.memory_space<vmem_shared>>
        %dma_wait3A_117 = arith.constant 9984 : i32
        %dma_wait3A_118 = arith.constant 0 : i32
        %dma_wait3A_119 = tpu.memref_slice %arg5[%dma_wait3A_117, %dma_wait3A_118] : memref<10000x64xf32, #tpu.memory_space<hbm>> -> memref<16x64xf32, #tpu.memory_space<hbm>>
        tpu.wait_dma2 semaphore(%run_scoped3A : memref<!tpu.dma_semaphore, #tpu.memory_space<semaphore_mem>>) src(%dma_wait3A_119 : memref<16x64xf32, #tpu.memory_space<hbm>>) dst(%dma_wait3A_116 : memref<16x64xf32, #tpu.memory_space<vmem_shared>>)
        tpu.yield
      }) : () -> ()
    } else {
    }
    "tpu.region"() ({
      %run_scoped3A = tpu.sem_alloc : memref<!tpu.dma_semaphore, #tpu.memory_space<semaphore_mem>>
      %dma_start3A_108 = arith.constant 0 : i32
      %dma_start3A_109 = arith.constant 0 : i32
      %dma_start3A_110 = tpu.memref_slice %arg3[%arg1, %dma_start3A_108, %dma_start3A_109] : memref<16x160x125xi32, #tpu.memory_space<hbm>> -> memref<1x160x125xi32, #tpu.memory_space<hbm>>
      %dma_start3A_111 = tpu.memref_squeeze %dma_start3A_110 : memref<1x160x125xi32, #tpu.memory_space<hbm>> -> memref<160x125xi32, #tpu.memory_space<hbm>>
      %dma_start3A_112 = arith.constant 0 : i32
      %dma_start3A_113 = arith.constant 0 : i32
      %dma_start3A_114 = tpu.memref_slice %arg3[%arg1, %dma_start3A_112, %dma_start3A_113] : memref<16x160x125xi32, #tpu.memory_space<hbm>> -> memref<1x160x125xi32, #tpu.memory_space<hbm>>
      %dma_start3A_115 = tpu.memref_squeeze %dma_start3A_114 : memref<1x160x125xi32, #tpu.memory_space<hbm>> -> memref<160x125xi32, #tpu.memory_space<hbm>>
      tpu.enqueue_dma source(%dma_start3A_115 : memref<160x125xi32, #tpu.memory_space<hbm>>) target(%arg7 : memref<160x125xi32, #tpu.memory_space<vmem>>) target_semaphore(%run_scoped3A : memref<!tpu.dma_semaphore, #tpu.memory_space<semaphore_mem>>)
      %dma_wait3A_116 = arith.constant 0 : i32
      %dma_wait3A_117 = arith.constant 0 : i32
      %dma_wait3A_118 = tpu.memref_slice %arg3[%arg1, %dma_wait3A_116, %dma_wait3A_117] : memref<16x160x125xi32, #tpu.memory_space<hbm>> -> memref<1x160x125xi32, #tpu.memory_space<hbm>>
      %dma_wait3A_119 = tpu.memref_squeeze %dma_wait3A_118 : memref<1x160x125xi32, #tpu.memory_space<hbm>> -> memref<160x125xi32, #tpu.memory_space<hbm>>
      %dma_wait3A_120 = arith.constant 0 : i32
      %dma_wait3A_121 = arith.constant 0 : i32
      %dma_wait3A_122 = tpu.memref_slice %arg3[%arg1, %dma_wait3A_120, %dma_wait3A_121] : memref<16x160x125xi32, #tpu.memory_space<hbm>> -> memref<1x160x125xi32, #tpu.memory_space<hbm>>
      %dma_wait3A_123 = tpu.memref_squeeze %dma_wait3A_122 : memref<1x160x125xi32, #tpu.memory_space<hbm>> -> memref<160x125xi32, #tpu.memory_space<hbm>>
      tpu.wait_dma2 semaphore(%run_scoped3A : memref<!tpu.dma_semaphore, #tpu.memory_space<semaphore_mem>>) src(%dma_wait3A_123 : memref<160x125xi32, #tpu.memory_space<hbm>>) dst(%arg7 : memref<160x125xi32, #tpu.memory_space<vmem>>)
      tpu.yield
    }) : () -> ()
    "tpu.region"() ({
      %run_scoped3A = tpu.sem_alloc : memref<!tpu.dma_semaphore, #tpu.memory_space<semaphore_mem>>
      %dma_start3A_108 = arith.constant 0 : i32
      %dma_start3A_109 = arith.constant 0 : i32
      %dma_start3A_110 = tpu.memref_slice %arg4[%arg1, %dma_start3A_108, %dma_start3A_109] : memref<16x160x125xi32, #tpu.memory_space<hbm>> -> memref<1x160x125xi32, #tpu.memory_space<hbm>>
      %dma_start3A_111 = tpu.memref_squeeze %dma_start3A_110 : memref<1x160x125xi32, #tpu.memory_space<hbm>> -> memref<160x125xi32, #tpu.memory_space<hbm>>
      %dma_start3A_112 = arith.constant 0 : i32
      %dma_start3A_113 = arith.constant 0 : i32
      %dma_start3A_114 = tpu.memref_slice %arg4[%arg1, %dma_start3A_112, %dma_start3A_113] : memref<16x160x125xi32, #tpu.memory_space<hbm>> -> memref<1x160x125xi32, #tpu.memory_space<hbm>>
      %dma_start3A_115 = tpu.memref_squeeze %dma_start3A_114 : memref<1x160x125xi32, #tpu.memory_space<hbm>> -> memref<160x125xi32, #tpu.memory_space<hbm>>
      tpu.enqueue_dma source(%dma_start3A_115 : memref<160x125xi32, #tpu.memory_space<hbm>>) target(%arg8 : memref<160x125xi32, #tpu.memory_space<vmem>>) target_semaphore(%run_scoped3A : memref<!tpu.dma_semaphore, #tpu.memory_space<semaphore_mem>>)
      %dma_wait3A_116 = arith.constant 0 : i32
      %dma_wait3A_117 = arith.constant 0 : i32
      %dma_wait3A_118 = tpu.memref_slice %arg4[%arg1, %dma_wait3A_116, %dma_wait3A_117] : memref<16x160x125xi32, #tpu.memory_space<hbm>> -> memref<1x160x125xi32, #tpu.memory_space<hbm>>
      %dma_wait3A_119 = tpu.memref_squeeze %dma_wait3A_118 : memref<1x160x125xi32, #tpu.memory_space<hbm>> -> memref<160x125xi32, #tpu.memory_space<hbm>>
      %dma_wait3A_120 = arith.constant 0 : i32
      %dma_wait3A_121 = arith.constant 0 : i32
      %dma_wait3A_122 = tpu.memref_slice %arg4[%arg1, %dma_wait3A_120, %dma_wait3A_121] : memref<16x160x125xi32, #tpu.memory_space<hbm>> -> memref<1x160x125xi32, #tpu.memory_space<hbm>>
      %dma_wait3A_123 = tpu.memref_squeeze %dma_wait3A_122 : memref<1x160x125xi32, #tpu.memory_space<hbm>> -> memref<160x125xi32, #tpu.memory_space<hbm>>
      tpu.wait_dma2 semaphore(%run_scoped3A : memref<!tpu.dma_semaphore, #tpu.memory_space<semaphore_mem>>) src(%dma_wait3A_123 : memref<160x125xi32, #tpu.memory_space<hbm>>) dst(%arg8 : memref<160x125xi32, #tpu.memory_space<vmem>>)
      tpu.yield
    }) : () -> ()
    %barrier3A = arith.constant 0 : index
    tpu.barrier barrier_id(%barrier3A)
    %dma_start3A = arith.constant 0 : i32
    %dma_start3A_5 = arith.constant 0 : i32
    %dma_start3A_6 = tpu.memref_slice %arg7[%dma_start3A, %dma_start3A_5] : memref<160x125xi32, #tpu.memory_space<vmem>> -> memref<1x125xi32, #tpu.memory_space<vmem>>
    %dma_start3A_7 = tpu.memref_squeeze %dma_start3A_6 : memref<1x125xi32, #tpu.memory_space<vmem>> -> memref<125xi32, #tpu.memory_space<vmem>>
    %dma_start3A_8 = arith.constant 0 : i32
    %dma_start3A_9 = arith.constant 0 : i32
    %dma_start3A_10 = tpu.memref_slice %arg2[%arg0, %dma_start3A_8, %dma_start3A_9] : memref<2x10008x64xf32, #tpu.memory_space<hbm>> -> memref<1x10008x64xf32, #tpu.memory_space<hbm>>
    %dma_start3A_11 = tpu.memref_squeeze %dma_start3A_10 : memref<1x10008x64xf32, #tpu.memory_space<hbm>> -> memref<10008x64xf32, #tpu.memory_space<hbm>>
    %dma_start3A_12 = arith.constant 0 : i32
    %dma_start3A_13 = arith.constant 0 : i32
    %dma_start3A_14 = tpu.memref_slice %dma_start3A_11[%dma_start3A_12, %dma_start3A_13] : memref<10008x64xf32, #tpu.memory_space<hbm>> -> memref<10008x64xf32, #tpu.memory_space<hbm>>
    tpu.enqueue_indirect_dma source(%dma_start3A_14 : memref<10008x64xf32, #tpu.memory_space<hbm>>) target(%arg9 : memref<125x64xf32, #tpu.memory_space<vmem>>) offsets(%dma_start3A_7 : memref<125xi32, #tpu.memory_space<vmem>>) semaphore(%arg15 : memref<!tpu.dma_semaphore, #tpu.memory_space<semaphore_mem>>)
    %dma_start3A_15 = arith.constant 1 : i32
    %dma_start3A_16 = arith.constant 0 : i32
    %dma_start3A_17 = tpu.memref_slice %arg7[%dma_start3A_15, %dma_start3A_16] : memref<160x125xi32, #tpu.memory_space<vmem>> -> memref<1x125xi32, #tpu.memory_space<vmem>>
    %dma_start3A_18 = tpu.memref_squeeze %dma_start3A_17 : memref<1x125xi32, #tpu.memory_space<vmem>> -> memref<125xi32, #tpu.memory_space<vmem>>
    %dma_start3A_19 = arith.constant 0 : i32
    %dma_start3A_20 = arith.constant 0 : i32
    %dma_start3A_21 = tpu.memref_slice %arg2[%arg0, %dma_start3A_19, %dma_start3A_20] : memref<2x10008x64xf32, #tpu.memory_space<hbm>> -> memref<1x10008x64xf32, #tpu.memory_space<hbm>>
    %dma_start3A_22 = tpu.memref_squeeze %dma_start3A_21 : memref<1x10008x64xf32, #tpu.memory_space<hbm>> -> memref<10008x64xf32, #tpu.memory_space<hbm>>
    %dma_start3A_23 = arith.constant 0 : i32
    %dma_start3A_24 = arith.constant 0 : i32
    %dma_start3A_25 = tpu.memref_slice %dma_start3A_22[%dma_start3A_23, %dma_start3A_24] : memref<10008x64xf32, #tpu.memory_space<hbm>> -> memref<10008x64xf32, #tpu.memory_space<hbm>>
    tpu.enqueue_indirect_dma source(%dma_start3A_25 : memref<10008x64xf32, #tpu.memory_space<hbm>>) target(%arg10 : memref<125x64xf32, #tpu.memory_space<vmem>>) offsets(%dma_start3A_18 : memref<125xi32, #tpu.memory_space<vmem>>) semaphore(%arg16 : memref<!tpu.dma_semaphore, #tpu.memory_space<semaphore_mem>>)
    %dma_start3A_26 = arith.constant 2 : i32
    %dma_start3A_27 = arith.constant 0 : i32
    %dma_start3A_28 = tpu.memref_slice %arg7[%dma_start3A_26, %dma_start3A_27] : memref<160x125xi32, #tpu.memory_space<vmem>> -> memref<1x125xi32, #tpu.memory_space<vmem>>
    %dma_start3A_29 = tpu.memref_squeeze %dma_start3A_28 : memref<1x125xi32, #tpu.memory_space<vmem>> -> memref<125xi32, #tpu.memory_space<vmem>>
    %dma_start3A_30 = arith.constant 0 : i32
    %dma_start3A_31 = arith.constant 0 : i32
    %dma_start3A_32 = tpu.memref_slice %arg2[%arg0, %dma_start3A_30, %dma_start3A_31] : memref<2x10008x64xf32, #tpu.memory_space<hbm>> -> memref<1x10008x64xf32, #tpu.memory_space<hbm>>
    %dma_start3A_33 = tpu.memref_squeeze %dma_start3A_32 : memref<1x10008x64xf32, #tpu.memory_space<hbm>> -> memref<10008x64xf32, #tpu.memory_space<hbm>>
    %dma_start3A_34 = arith.constant 0 : i32
    %dma_start3A_35 = arith.constant 0 : i32
    %dma_start3A_36 = tpu.memref_slice %dma_start3A_33[%dma_start3A_34, %dma_start3A_35] : memref<10008x64xf32, #tpu.memory_space<hbm>> -> memref<10008x64xf32, #tpu.memory_space<hbm>>
    tpu.enqueue_indirect_dma source(%dma_start3A_36 : memref<10008x64xf32, #tpu.memory_space<hbm>>) target(%arg11 : memref<125x64xf32, #tpu.memory_space<vmem>>) offsets(%dma_start3A_29 : memref<125xi32, #tpu.memory_space<vmem>>) semaphore(%arg17 : memref<!tpu.dma_semaphore, #tpu.memory_space<semaphore_mem>>)
    %dma_start3A_37 = arith.constant 3 : i32
    %dma_start3A_38 = arith.constant 0 : i32
    %dma_start3A_39 = tpu.memref_slice %arg7[%dma_start3A_37, %dma_start3A_38] : memref<160x125xi32, #tpu.memory_space<vmem>> -> memref<1x125xi32, #tpu.memory_space<vmem>>
    %dma_start3A_40 = tpu.memref_squeeze %dma_start3A_39 : memref<1x125xi32, #tpu.memory_space<vmem>> -> memref<125xi32, #tpu.memory_space<vmem>>
    %dma_start3A_41 = arith.constant 0 : i32
    %dma_start3A_42 = arith.constant 0 : i32
    %dma_start3A_43 = tpu.memref_slice %arg2[%arg0, %dma_start3A_41, %dma_start3A_42] : memref<2x10008x64xf32, #tpu.memory_space<hbm>> -> memref<1x10008x64xf32, #tpu.memory_space<hbm>>
    %dma_start3A_44 = tpu.memref_squeeze %dma_start3A_43 : memref<1x10008x64xf32, #tpu.memory_space<hbm>> -> memref<10008x64xf32, #tpu.memory_space<hbm>>
    %dma_start3A_45 = arith.constant 0 : i32
    %dma_start3A_46 = arith.constant 0 : i32
    %dma_start3A_47 = tpu.memref_slice %dma_start3A_44[%dma_start3A_45, %dma_start3A_46] : memref<10008x64xf32, #tpu.memory_space<hbm>> -> memref<10008x64xf32, #tpu.memory_space<hbm>>
    tpu.enqueue_indirect_dma source(%dma_start3A_47 : memref<10008x64xf32, #tpu.memory_space<hbm>>) target(%arg12 : memref<125x64xf32, #tpu.memory_space<vmem>>) offsets(%dma_start3A_40 : memref<125xi32, #tpu.memory_space<vmem>>) semaphore(%arg18 : memref<!tpu.dma_semaphore, #tpu.memory_space<semaphore_mem>>)
    %dma_start3A_48 = arith.constant 4 : i32
    %dma_start3A_49 = arith.constant 0 : i32
    %dma_start3A_50 = tpu.memref_slice %arg7[%dma_start3A_48, %dma_start3A_49] : memref<160x125xi32, #tpu.memory_space<vmem>> -> memref<1x125xi32, #tpu.memory_space<vmem>>
    %dma_start3A_51 = tpu.memref_squeeze %dma_start3A_50 : memref<1x125xi32, #tpu.memory_space<vmem>> -> memref<125xi32, #tpu.memory_space<vmem>>
    %dma_start3A_52 = arith.constant 0 : i32
    %dma_start3A_53 = arith.constant 0 : i32
    %dma_start3A_54 = tpu.memref_slice %arg2[%arg0, %dma_start3A_52, %dma_start3A_53] : memref<2x10008x64xf32, #tpu.memory_space<hbm>> -> memref<1x10008x64xf32, #tpu.memory_space<hbm>>
    %dma_start3A_55 = tpu.memref_squeeze %dma_start3A_54 : memref<1x10008x64xf32, #tpu.memory_space<hbm>> -> memref<10008x64xf32, #tpu.memory_space<hbm>>
    %dma_start3A_56 = arith.constant 0 : i32
    %dma_start3A_57 = arith.constant 0 : i32
    %dma_start3A_58 = tpu.memref_slice %dma_start3A_55[%dma_start3A_56, %dma_start3A_57] : memref<10008x64xf32, #tpu.memory_space<hbm>> -> memref<10008x64xf32, #tpu.memory_space<hbm>>
    tpu.enqueue_indirect_dma source(%dma_start3A_58 : memref<10008x64xf32, #tpu.memory_space<hbm>>) target(%arg13 : memref<125x64xf32, #tpu.memory_space<vmem>>) offsets(%dma_start3A_51 : memref<125xi32, #tpu.memory_space<vmem>>) semaphore(%arg19 : memref<!tpu.dma_semaphore, #tpu.memory_space<semaphore_mem>>)
    %scan3A = arith.constant 0 : i32
    %scan3A_59 = arith.constant 0 : i32
    %scan3A_60 = arith.constant 32 : i32
    %scan3A_61 = arith.addi %scan3A_59, %scan3A_60 : i32
    %scan3A_62 = arith.constant 1 : i32
    scf.for %scan3A_108 = %scan3A_59 to %scan3A_61 step %scan3A_62  : i32 {
      %mul3A_109 = arith.constant 5 : i32
      %mul3A_110 = arith.muli %mul3A_109, %scan3A_108 : i32
      %add3A = arith.constant 0 : i32
      %add3A_111 = arith.addi %mul3A_110, %add3A : i32
      %dma_wait3A_112 = arith.constant 0 : i32
      %dma_wait3A_113 = tpu.memref_slice %arg7[%add3A_111, %dma_wait3A_112] : memref<160x125xi32, #tpu.memory_space<vmem>> -> memref<1x125xi32, #tpu.memory_space<vmem>>
      %dma_wait3A_114 = tpu.memref_squeeze %dma_wait3A_113 : memref<1x125xi32, #tpu.memory_space<vmem>> -> memref<125xi32, #tpu.memory_space<vmem>>
      %dma_wait3A_115 = arith.constant 0 : i32
      %dma_wait3A_116 = arith.constant 0 : i32
      %dma_wait3A_117 = tpu.memref_slice %arg2[%arg0, %dma_wait3A_115, %dma_wait3A_116] : memref<2x10008x64xf32, #tpu.memory_space<hbm>> -> memref<1x10008x64xf32, #tpu.memory_space<hbm>>
      %dma_wait3A_118 = tpu.memref_squeeze %dma_wait3A_117 : memref<1x10008x64xf32, #tpu.memory_space<hbm>> -> memref<10008x64xf32, #tpu.memory_space<hbm>>
      %dma_wait3A_119 = arith.constant 0 : i32
      %dma_wait3A_120 = arith.constant 0 : i32
      %dma_wait3A_121 = tpu.memref_slice %dma_wait3A_118[%dma_wait3A_119, %dma_wait3A_120] : memref<10008x64xf32, #tpu.memory_space<hbm>> -> memref<10008x64xf32, #tpu.memory_space<hbm>>
      tpu.wait_indirect_dma semaphore(%arg15 : memref<!tpu.dma_semaphore, #tpu.memory_space<semaphore_mem>>) src(%dma_wait3A_121 : memref<10008x64xf32, #tpu.memory_space<hbm>>) dst(%arg9 : memref<125x64xf32, #tpu.memory_space<vmem>>)
      %dma_start3A_122 = arith.constant 0 : i32
      %dma_start3A_123 = tpu.memref_slice %arg8[%add3A_111, %dma_start3A_122] : memref<160x125xi32, #tpu.memory_space<vmem>> -> memref<1x125xi32, #tpu.memory_space<vmem>>
      %dma_start3A_124 = tpu.memref_squeeze %dma_start3A_123 : memref<1x125xi32, #tpu.memory_space<vmem>> -> memref<125xi32, #tpu.memory_space<vmem>>
      %dma_start3A_125 = arith.constant 0 : i32
      %dma_start3A_126 = arith.constant 0 : i32
      %dma_start3A_127 = tpu.memref_slice %arg14[%dma_start3A_125, %dma_start3A_126] : memref<10000x64xf32, #tpu.memory_space<vmem_shared>> -> memref<10000x64xf32, #tpu.memory_space<vmem_shared>>
      tpu.enqueue_indirect_dma source(%arg9 : memref<125x64xf32, #tpu.memory_space<vmem>>) target(%dma_start3A_127 : memref<10000x64xf32, #tpu.memory_space<vmem_shared>>) offsets(%dma_start3A_124 : memref<125xi32, #tpu.memory_space<vmem>>) semaphore(%arg20 : memref<!tpu.dma_semaphore, #tpu.memory_space<semaphore_mem>>) {add = true}
      %mul3A_128 = arith.constant 5 : i32
      %mul3A_129 = arith.muli %mul3A_128, %scan3A_108 : i32
      %add3A_130 = arith.constant 1 : i32
      %add3A_131 = arith.addi %mul3A_129, %add3A_130 : i32
      %dma_wait3A_132 = arith.constant 0 : i32
      %dma_wait3A_133 = tpu.memref_slice %arg7[%add3A_131, %dma_wait3A_132] : memref<160x125xi32, #tpu.memory_space<vmem>> -> memref<1x125xi32, #tpu.memory_space<vmem>>
      %dma_wait3A_134 = tpu.memref_squeeze %dma_wait3A_133 : memref<1x125xi32, #tpu.memory_space<vmem>> -> memref<125xi32, #tpu.memory_space<vmem>>
      %dma_wait3A_135 = arith.constant 0 : i32
      %dma_wait3A_136 = arith.constant 0 : i32
      %dma_wait3A_137 = tpu.memref_slice %arg2[%arg0, %dma_wait3A_135, %dma_wait3A_136] : memref<2x10008x64xf32, #tpu.memory_space<hbm>> -> memref<1x10008x64xf32, #tpu.memory_space<hbm>>
      %dma_wait3A_138 = tpu.memref_squeeze %dma_wait3A_137 : memref<1x10008x64xf32, #tpu.memory_space<hbm>> -> memref<10008x64xf32, #tpu.memory_space<hbm>>
      %dma_wait3A_139 = arith.constant 0 : i32
      %dma_wait3A_140 = arith.constant 0 : i32
      %dma_wait3A_141 = tpu.memref_slice %dma_wait3A_138[%dma_wait3A_139, %dma_wait3A_140] : memref<10008x64xf32, #tpu.memory_space<hbm>> -> memref<10008x64xf32, #tpu.memory_space<hbm>>
      tpu.wait_indirect_dma semaphore(%arg16 : memref<!tpu.dma_semaphore, #tpu.memory_space<semaphore_mem>>) src(%dma_wait3A_141 : memref<10008x64xf32, #tpu.memory_space<hbm>>) dst(%arg10 : memref<125x64xf32, #tpu.memory_space<vmem>>)
      %dma_start3A_142 = arith.constant 0 : i32
      %dma_start3A_143 = tpu.memref_slice %arg8[%add3A_131, %dma_start3A_142] : memref<160x125xi32, #tpu.memory_space<vmem>> -> memref<1x125xi32, #tpu.memory_space<vmem>>
      %dma_start3A_144 = tpu.memref_squeeze %dma_start3A_143 : memref<1x125xi32, #tpu.memory_space<vmem>> -> memref<125xi32, #tpu.memory_space<vmem>>
      %dma_start3A_145 = arith.constant 0 : i32
      %dma_start3A_146 = arith.constant 0 : i32
      %dma_start3A_147 = tpu.memref_slice %arg14[%dma_start3A_145, %dma_start3A_146] : memref<10000x64xf32, #tpu.memory_space<vmem_shared>> -> memref<10000x64xf32, #tpu.memory_space<vmem_shared>>
      tpu.enqueue_indirect_dma source(%arg10 : memref<125x64xf32, #tpu.memory_space<vmem>>) target(%dma_start3A_147 : memref<10000x64xf32, #tpu.memory_space<vmem_shared>>) offsets(%dma_start3A_144 : memref<125xi32, #tpu.memory_space<vmem>>) semaphore(%arg21 : memref<!tpu.dma_semaphore, #tpu.memory_space<semaphore_mem>>) {add = true}
      %mul3A_148 = arith.constant 5 : i32
      %mul3A_149 = arith.muli %mul3A_148, %scan3A_108 : i32
      %add3A_150 = arith.constant 2 : i32
      %add3A_151 = arith.addi %mul3A_149, %add3A_150 : i32
      %dma_wait3A_152 = arith.constant 0 : i32
      %dma_wait3A_153 = tpu.memref_slice %arg7[%add3A_151, %dma_wait3A_152] : memref<160x125xi32, #tpu.memory_space<vmem>> -> memref<1x125xi32, #tpu.memory_space<vmem>>
      %dma_wait3A_154 = tpu.memref_squeeze %dma_wait3A_153 : memref<1x125xi32, #tpu.memory_space<vmem>> -> memref<125xi32, #tpu.memory_space<vmem>>
      %dma_wait3A_155 = arith.constant 0 : i32
      %dma_wait3A_156 = arith.constant 0 : i32
      %dma_wait3A_157 = tpu.memref_slice %arg2[%arg0, %dma_wait3A_155, %dma_wait3A_156] : memref<2x10008x64xf32, #tpu.memory_space<hbm>> -> memref<1x10008x64xf32, #tpu.memory_space<hbm>>
      %dma_wait3A_158 = tpu.memref_squeeze %dma_wait3A_157 : memref<1x10008x64xf32, #tpu.memory_space<hbm>> -> memref<10008x64xf32, #tpu.memory_space<hbm>>
      %dma_wait3A_159 = arith.constant 0 : i32
      %dma_wait3A_160 = arith.constant 0 : i32
      %dma_wait3A_161 = tpu.memref_slice %dma_wait3A_158[%dma_wait3A_159, %dma_wait3A_160] : memref<10008x64xf32, #tpu.memory_space<hbm>> -> memref<10008x64xf32, #tpu.memory_space<hbm>>
      tpu.wait_indirect_dma semaphore(%arg17 : memref<!tpu.dma_semaphore, #tpu.memory_space<semaphore_mem>>) src(%dma_wait3A_161 : memref<10008x64xf32, #tpu.memory_space<hbm>>) dst(%arg11 : memref<125x64xf32, #tpu.memory_space<vmem>>)
      %dma_start3A_162 = arith.constant 0 : i32
      %dma_start3A_163 = tpu.memref_slice %arg8[%add3A_151, %dma_start3A_162] : memref<160x125xi32, #tpu.memory_space<vmem>> -> memref<1x125xi32, #tpu.memory_space<vmem>>
      %dma_start3A_164 = tpu.memref_squeeze %dma_start3A_163 : memref<1x125xi32, #tpu.memory_space<vmem>> -> memref<125xi32, #tpu.memory_space<vmem>>
      %dma_start3A_165 = arith.constant 0 : i32
      %dma_start3A_166 = arith.constant 0 : i32
      %dma_start3A_167 = tpu.memref_slice %arg14[%dma_start3A_165, %dma_start3A_166] : memref<10000x64xf32, #tpu.memory_space<vmem_shared>> -> memref<10000x64xf32, #tpu.memory_space<vmem_shared>>
      tpu.enqueue_indirect_dma source(%arg11 : memref<125x64xf32, #tpu.memory_space<vmem>>) target(%dma_start3A_167 : memref<10000x64xf32, #tpu.memory_space<vmem_shared>>) offsets(%dma_start3A_164 : memref<125xi32, #tpu.memory_space<vmem>>) semaphore(%arg22 : memref<!tpu.dma_semaphore, #tpu.memory_space<semaphore_mem>>) {add = true}
      %mul3A_168 = arith.constant 5 : i32
      %mul3A_169 = arith.muli %mul3A_168, %scan3A_108 : i32
      %add3A_170 = arith.constant 3 : i32
      %add3A_171 = arith.addi %mul3A_169, %add3A_170 : i32
      %dma_wait3A_172 = arith.constant 0 : i32
      %dma_wait3A_173 = tpu.memref_slice %arg7[%add3A_171, %dma_wait3A_172] : memref<160x125xi32, #tpu.memory_space<vmem>> -> memref<1x125xi32, #tpu.memory_space<vmem>>
      %dma_wait3A_174 = tpu.memref_squeeze %dma_wait3A_173 : memref<1x125xi32, #tpu.memory_space<vmem>> -> memref<125xi32, #tpu.memory_space<vmem>>
      %dma_wait3A_175 = arith.constant 0 : i32
      %dma_wait3A_176 = arith.constant 0 : i32
      %dma_wait3A_177 = tpu.memref_slice %arg2[%arg0, %dma_wait3A_175, %dma_wait3A_176] : memref<2x10008x64xf32, #tpu.memory_space<hbm>> -> memref<1x10008x64xf32, #tpu.memory_space<hbm>>
      %dma_wait3A_178 = tpu.memref_squeeze %dma_wait3A_177 : memref<1x10008x64xf32, #tpu.memory_space<hbm>> -> memref<10008x64xf32, #tpu.memory_space<hbm>>
      %dma_wait3A_179 = arith.constant 0 : i32
      %dma_wait3A_180 = arith.constant 0 : i32
      %dma_wait3A_181 = tpu.memref_slice %dma_wait3A_178[%dma_wait3A_179, %dma_wait3A_180] : memref<10008x64xf32, #tpu.memory_space<hbm>> -> memref<10008x64xf32, #tpu.memory_space<hbm>>
      tpu.wait_indirect_dma semaphore(%arg18 : memref<!tpu.dma_semaphore, #tpu.memory_space<semaphore_mem>>) src(%dma_wait3A_181 : memref<10008x64xf32, #tpu.memory_space<hbm>>) dst(%arg12 : memref<125x64xf32, #tpu.memory_space<vmem>>)
      %dma_start3A_182 = arith.constant 0 : i32
      %dma_start3A_183 = tpu.memref_slice %arg8[%add3A_171, %dma_start3A_182] : memref<160x125xi32, #tpu.memory_space<vmem>> -> memref<1x125xi32, #tpu.memory_space<vmem>>
      %dma_start3A_184 = tpu.memref_squeeze %dma_start3A_183 : memref<1x125xi32, #tpu.memory_space<vmem>> -> memref<125xi32, #tpu.memory_space<vmem>>
      %dma_start3A_185 = arith.constant 0 : i32
      %dma_start3A_186 = arith.constant 0 : i32
      %dma_start3A_187 = tpu.memref_slice %arg14[%dma_start3A_185, %dma_start3A_186] : memref<10000x64xf32, #tpu.memory_space<vmem_shared>> -> memref<10000x64xf32, #tpu.memory_space<vmem_shared>>
      tpu.enqueue_indirect_dma source(%arg12 : memref<125x64xf32, #tpu.memory_space<vmem>>) target(%dma_start3A_187 : memref<10000x64xf32, #tpu.memory_space<vmem_shared>>) offsets(%dma_start3A_184 : memref<125xi32, #tpu.memory_space<vmem>>) semaphore(%arg23 : memref<!tpu.dma_semaphore, #tpu.memory_space<semaphore_mem>>) {add = true}
      %mul3A_188 = arith.constant 5 : i32
      %mul3A_189 = arith.muli %mul3A_188, %scan3A_108 : i32
      %add3A_190 = arith.constant 4 : i32
      %add3A_191 = arith.addi %mul3A_189, %add3A_190 : i32
      %dma_wait3A_192 = arith.constant 0 : i32
      %dma_wait3A_193 = tpu.memref_slice %arg7[%add3A_191, %dma_wait3A_192] : memref<160x125xi32, #tpu.memory_space<vmem>> -> memref<1x125xi32, #tpu.memory_space<vmem>>
      %dma_wait3A_194 = tpu.memref_squeeze %dma_wait3A_193 : memref<1x125xi32, #tpu.memory_space<vmem>> -> memref<125xi32, #tpu.memory_space<vmem>>
      %dma_wait3A_195 = arith.constant 0 : i32
      %dma_wait3A_196 = arith.constant 0 : i32
      %dma_wait3A_197 = tpu.memref_slice %arg2[%arg0, %dma_wait3A_195, %dma_wait3A_196] : memref<2x10008x64xf32, #tpu.memory_space<hbm>> -> memref<1x10008x64xf32, #tpu.memory_space<hbm>>
      %dma_wait3A_198 = tpu.memref_squeeze %dma_wait3A_197 : memref<1x10008x64xf32, #tpu.memory_space<hbm>> -> memref<10008x64xf32, #tpu.memory_space<hbm>>
      %dma_wait3A_199 = arith.constant 0 : i32
      %dma_wait3A_200 = arith.constant 0 : i32
      %dma_wait3A_201 = tpu.memref_slice %dma_wait3A_198[%dma_wait3A_199, %dma_wait3A_200] : memref<10008x64xf32, #tpu.memory_space<hbm>> -> memref<10008x64xf32, #tpu.memory_space<hbm>>
      tpu.wait_indirect_dma semaphore(%arg19 : memref<!tpu.dma_semaphore, #tpu.memory_space<semaphore_mem>>) src(%dma_wait3A_201 : memref<10008x64xf32, #tpu.memory_space<hbm>>) dst(%arg13 : memref<125x64xf32, #tpu.memory_space<vmem>>)
      %dma_start3A_202 = arith.constant 0 : i32
      %dma_start3A_203 = tpu.memref_slice %arg8[%add3A_191, %dma_start3A_202] : memref<160x125xi32, #tpu.memory_space<vmem>> -> memref<1x125xi32, #tpu.memory_space<vmem>>
      %dma_start3A_204 = tpu.memref_squeeze %dma_start3A_203 : memref<1x125xi32, #tpu.memory_space<vmem>> -> memref<125xi32, #tpu.memory_space<vmem>>
      %dma_start3A_205 = arith.constant 0 : i32
      %dma_start3A_206 = arith.constant 0 : i32
      %dma_start3A_207 = tpu.memref_slice %arg14[%dma_start3A_205, %dma_start3A_206] : memref<10000x64xf32, #tpu.memory_space<vmem_shared>> -> memref<10000x64xf32, #tpu.memory_space<vmem_shared>>
      tpu.enqueue_indirect_dma source(%arg13 : memref<125x64xf32, #tpu.memory_space<vmem>>) target(%dma_start3A_207 : memref<10000x64xf32, #tpu.memory_space<vmem_shared>>) offsets(%dma_start3A_204 : memref<125xi32, #tpu.memory_space<vmem>>) semaphore(%arg24 : memref<!tpu.dma_semaphore, #tpu.memory_space<semaphore_mem>>) {add = true}
      %mul3A_208 = arith.constant 5 : i32
      %mul3A_209 = arith.muli %mul3A_208, %scan3A_108 : i32
      %add3A_210 = arith.constant 0 : i32
      %add3A_211 = arith.addi %mul3A_209, %add3A_210 : i32
      %add3A_212 = arith.constant 5 : i32
      %add3A_213 = arith.addi %add3A_211, %add3A_212 : i32
      %lt3A = arith.constant 160 : i32
      %lt3A_214 = arith.cmpi slt, %add3A_213, %lt3A : i32
      %convert_element_type3A_215 = arith.extui %lt3A_214 : i1 to i32
      %cond3A_216 = arith.constant 0 : i32
      %cond3A_217 = arith.cmpi ne, %convert_element_type3A_215, %cond3A_216 : i32
      scf.if %cond3A_217 {
        %dma_wait3A_262 = arith.constant 0 : i32
        %dma_wait3A_263 = tpu.memref_slice %arg8[%add3A_211, %dma_wait3A_262] : memref<160x125xi32, #tpu.memory_space<vmem>> -> memref<1x125xi32, #tpu.memory_space<vmem>>
        %dma_wait3A_264 = tpu.memref_squeeze %dma_wait3A_263 : memref<1x125xi32, #tpu.memory_space<vmem>> -> memref<125xi32, #tpu.memory_space<vmem>>
        %dma_wait3A_265 = arith.constant 0 : i32
        %dma_wait3A_266 = arith.constant 0 : i32
        %dma_wait3A_267 = tpu.memref_slice %arg14[%dma_wait3A_265, %dma_wait3A_266] : memref<10000x64xf32, #tpu.memory_space<vmem_shared>> -> memref<10000x64xf32, #tpu.memory_space<vmem_shared>>
        tpu.wait_indirect_dma semaphore(%arg20 : memref<!tpu.dma_semaphore, #tpu.memory_space<semaphore_mem>>) src(%arg9 : memref<125x64xf32, #tpu.memory_space<vmem>>) dst(%dma_wait3A_267 : memref<10000x64xf32, #tpu.memory_space<vmem_shared>>)
        %add3A_268 = arith.constant 5 : i32
        %add3A_269 = arith.addi %add3A_211, %add3A_268 : i32
        %dma_start3A_270 = arith.constant 0 : i32
        %dma_start3A_271 = tpu.memref_slice %arg7[%add3A_269, %dma_start3A_270] : memref<160x125xi32, #tpu.memory_space<vmem>> -> memref<1x125xi32, #tpu.memory_space<vmem>>
        %dma_start3A_272 = tpu.memref_squeeze %dma_start3A_271 : memref<1x125xi32, #tpu.memory_space<vmem>> -> memref<125xi32, #tpu.memory_space<vmem>>
        %dma_start3A_273 = arith.constant 0 : i32
        %dma_start3A_274 = arith.constant 0 : i32
        %dma_start3A_275 = tpu.memref_slice %arg2[%arg0, %dma_start3A_273, %dma_start3A_274] : memref<2x10008x64xf32, #tpu.memory_space<hbm>> -> memref<1x10008x64xf32, #tpu.memory_space<hbm>>
        %dma_start3A_276 = tpu.memref_squeeze %dma_start3A_275 : memref<1x10008x64xf32, #tpu.memory_space<hbm>> -> memref<10008x64xf32, #tpu.memory_space<hbm>>
        %dma_start3A_277 = arith.constant 0 : i32
        %dma_start3A_278 = arith.constant 0 : i32
        %dma_start3A_279 = tpu.memref_slice %dma_start3A_276[%dma_start3A_277, %dma_start3A_278] : memref<10008x64xf32, #tpu.memory_space<hbm>> -> memref<10008x64xf32, #tpu.memory_space<hbm>>
        tpu.enqueue_indirect_dma source(%dma_start3A_279 : memref<10008x64xf32, #tpu.memory_space<hbm>>) target(%arg9 : memref<125x64xf32, #tpu.memory_space<vmem>>) offsets(%dma_start3A_272 : memref<125xi32, #tpu.memory_space<vmem>>) semaphore(%arg15 : memref<!tpu.dma_semaphore, #tpu.memory_space<semaphore_mem>>)
      } else {
      }
      %mul3A_218 = arith.constant 5 : i32
      %mul3A_219 = arith.muli %mul3A_218, %scan3A_108 : i32
      %add3A_220 = arith.constant 1 : i32
      %add3A_221 = arith.addi %mul3A_219, %add3A_220 : i32
      %add3A_222 = arith.constant 5 : i32
      %add3A_223 = arith.addi %add3A_221, %add3A_222 : i32
      %lt3A_224 = arith.constant 160 : i32
      %lt3A_225 = arith.cmpi slt, %add3A_223, %lt3A_224 : i32
      %convert_element_type3A_226 = arith.extui %lt3A_225 : i1 to i32
      %cond3A_227 = arith.constant 0 : i32
      %cond3A_228 = arith.cmpi ne, %convert_element_type3A_226, %cond3A_227 : i32
      scf.if %cond3A_228 {
        %dma_wait3A_262 = arith.constant 0 : i32
        %dma_wait3A_263 = tpu.memref_slice %arg8[%add3A_221, %dma_wait3A_262] : memref<160x125xi32, #tpu.memory_space<vmem>> -> memref<1x125xi32, #tpu.memory_space<vmem>>
        %dma_wait3A_264 = tpu.memref_squeeze %dma_wait3A_263 : memref<1x125xi32, #tpu.memory_space<vmem>> -> memref<125xi32, #tpu.memory_space<vmem>>
        %dma_wait3A_265 = arith.constant 0 : i32
        %dma_wait3A_266 = arith.constant 0 : i32
        %dma_wait3A_267 = tpu.memref_slice %arg14[%dma_wait3A_265, %dma_wait3A_266] : memref<10000x64xf32, #tpu.memory_space<vmem_shared>> -> memref<10000x64xf32, #tpu.memory_space<vmem_shared>>
        tpu.wait_indirect_dma semaphore(%arg21 : memref<!tpu.dma_semaphore, #tpu.memory_space<semaphore_mem>>) src(%arg10 : memref<125x64xf32, #tpu.memory_space<vmem>>) dst(%dma_wait3A_267 : memref<10000x64xf32, #tpu.memory_space<vmem_shared>>)
        %add3A_268 = arith.constant 5 : i32
        %add3A_269 = arith.addi %add3A_221, %add3A_268 : i32
        %dma_start3A_270 = arith.constant 0 : i32
        %dma_start3A_271 = tpu.memref_slice %arg7[%add3A_269, %dma_start3A_270] : memref<160x125xi32, #tpu.memory_space<vmem>> -> memref<1x125xi32, #tpu.memory_space<vmem>>
        %dma_start3A_272 = tpu.memref_squeeze %dma_start3A_271 : memref<1x125xi32, #tpu.memory_space<vmem>> -> memref<125xi32, #tpu.memory_space<vmem>>
        %dma_start3A_273 = arith.constant 0 : i32
        %dma_start3A_274 = arith.constant 0 : i32
        %dma_start3A_275 = tpu.memref_slice %arg2[%arg0, %dma_start3A_273, %dma_start3A_274] : memref<2x10008x64xf32, #tpu.memory_space<hbm>> -> memref<1x10008x64xf32, #tpu.memory_space<hbm>>
        %dma_start3A_276 = tpu.memref_squeeze %dma_start3A_275 : memref<1x10008x64xf32, #tpu.memory_space<hbm>> -> memref<10008x64xf32, #tpu.memory_space<hbm>>
        %dma_start3A_277 = arith.constant 0 : i32
        %dma_start3A_278 = arith.constant 0 : i32
        %dma_start3A_279 = tpu.memref_slice %dma_start3A_276[%dma_start3A_277, %dma_start3A_278] : memref<10008x64xf32, #tpu.memory_space<hbm>> -> memref<10008x64xf32, #tpu.memory_space<hbm>>
        tpu.enqueue_indirect_dma source(%dma_start3A_279 : memref<10008x64xf32, #tpu.memory_space<hbm>>) target(%arg10 : memref<125x64xf32, #tpu.memory_space<vmem>>) offsets(%dma_start3A_272 : memref<125xi32, #tpu.memory_space<vmem>>) semaphore(%arg16 : memref<!tpu.dma_semaphore, #tpu.memory_space<semaphore_mem>>)
      } else {
      }
      %mul3A_229 = arith.constant 5 : i32
      %mul3A_230 = arith.muli %mul3A_229, %scan3A_108 : i32
      %add3A_231 = arith.constant 2 : i32
      %add3A_232 = arith.addi %mul3A_230, %add3A_231 : i32
      %add3A_233 = arith.constant 5 : i32
      %add3A_234 = arith.addi %add3A_232, %add3A_233 : i32
      %lt3A_235 = arith.constant 160 : i32
      %lt3A_236 = arith.cmpi slt, %add3A_234, %lt3A_235 : i32
      %convert_element_type3A_237 = arith.extui %lt3A_236 : i1 to i32
      %cond3A_238 = arith.constant 0 : i32
      %cond3A_239 = arith.cmpi ne, %convert_element_type3A_237, %cond3A_238 : i32
      scf.if %cond3A_239 {
        %dma_wait3A_262 = arith.constant 0 : i32
        %dma_wait3A_263 = tpu.memref_slice %arg8[%add3A_232, %dma_wait3A_262] : memref<160x125xi32, #tpu.memory_space<vmem>> -> memref<1x125xi32, #tpu.memory_space<vmem>>
        %dma_wait3A_264 = tpu.memref_squeeze %dma_wait3A_263 : memref<1x125xi32, #tpu.memory_space<vmem>> -> memref<125xi32, #tpu.memory_space<vmem>>
        %dma_wait3A_265 = arith.constant 0 : i32
        %dma_wait3A_266 = arith.constant 0 : i32
        %dma_wait3A_267 = tpu.memref_slice %arg14[%dma_wait3A_265, %dma_wait3A_266] : memref<10000x64xf32, #tpu.memory_space<vmem_shared>> -> memref<10000x64xf32, #tpu.memory_space<vmem_shared>>
        tpu.wait_indirect_dma semaphore(%arg22 : memref<!tpu.dma_semaphore, #tpu.memory_space<semaphore_mem>>) src(%arg11 : memref<125x64xf32, #tpu.memory_space<vmem>>) dst(%dma_wait3A_267 : memref<10000x64xf32, #tpu.memory_space<vmem_shared>>)
        %add3A_268 = arith.constant 5 : i32
        %add3A_269 = arith.addi %add3A_232, %add3A_268 : i32
        %dma_start3A_270 = arith.constant 0 : i32
        %dma_start3A_271 = tpu.memref_slice %arg7[%add3A_269, %dma_start3A_270] : memref<160x125xi32, #tpu.memory_space<vmem>> -> memref<1x125xi32, #tpu.memory_space<vmem>>
        %dma_start3A_272 = tpu.memref_squeeze %dma_start3A_271 : memref<1x125xi32, #tpu.memory_space<vmem>> -> memref<125xi32, #tpu.memory_space<vmem>>
        %dma_start3A_273 = arith.constant 0 : i32
        %dma_start3A_274 = arith.constant 0 : i32
        %dma_start3A_275 = tpu.memref_slice %arg2[%arg0, %dma_start3A_273, %dma_start3A_274] : memref<2x10008x64xf32, #tpu.memory_space<hbm>> -> memref<1x10008x64xf32, #tpu.memory_space<hbm>>
        %dma_start3A_276 = tpu.memref_squeeze %dma_start3A_275 : memref<1x10008x64xf32, #tpu.memory_space<hbm>> -> memref<10008x64xf32, #tpu.memory_space<hbm>>
        %dma_start3A_277 = arith.constant 0 : i32
        %dma_start3A_278 = arith.constant 0 : i32
        %dma_start3A_279 = tpu.memref_slice %dma_start3A_276[%dma_start3A_277, %dma_start3A_278] : memref<10008x64xf32, #tpu.memory_space<hbm>> -> memref<10008x64xf32, #tpu.memory_space<hbm>>
        tpu.enqueue_indirect_dma source(%dma_start3A_279 : memref<10008x64xf32, #tpu.memory_space<hbm>>) target(%arg11 : memref<125x64xf32, #tpu.memory_space<vmem>>) offsets(%dma_start3A_272 : memref<125xi32, #tpu.memory_space<vmem>>) semaphore(%arg17 : memref<!tpu.dma_semaphore, #tpu.memory_space<semaphore_mem>>)
      } else {
      }
      %mul3A_240 = arith.constant 5 : i32
      %mul3A_241 = arith.muli %mul3A_240, %scan3A_108 : i32
      %add3A_242 = arith.constant 3 : i32
      %add3A_243 = arith.addi %mul3A_241, %add3A_242 : i32
      %add3A_244 = arith.constant 5 : i32
      %add3A_245 = arith.addi %add3A_243, %add3A_244 : i32
      %lt3A_246 = arith.constant 160 : i32
      %lt3A_247 = arith.cmpi slt, %add3A_245, %lt3A_246 : i32
      %convert_element_type3A_248 = arith.extui %lt3A_247 : i1 to i32
      %cond3A_249 = arith.constant 0 : i32
      %cond3A_250 = arith.cmpi ne, %convert_element_type3A_248, %cond3A_249 : i32
      scf.if %cond3A_250 {
        %dma_wait3A_262 = arith.constant 0 : i32
        %dma_wait3A_263 = tpu.memref_slice %arg8[%add3A_243, %dma_wait3A_262] : memref<160x125xi32, #tpu.memory_space<vmem>> -> memref<1x125xi32, #tpu.memory_space<vmem>>
        %dma_wait3A_264 = tpu.memref_squeeze %dma_wait3A_263 : memref<1x125xi32, #tpu.memory_space<vmem>> -> memref<125xi32, #tpu.memory_space<vmem>>
        %dma_wait3A_265 = arith.constant 0 : i32
        %dma_wait3A_266 = arith.constant 0 : i32
        %dma_wait3A_267 = tpu.memref_slice %arg14[%dma_wait3A_265, %dma_wait3A_266] : memref<10000x64xf32, #tpu.memory_space<vmem_shared>> -> memref<10000x64xf32, #tpu.memory_space<vmem_shared>>
        tpu.wait_indirect_dma semaphore(%arg23 : memref<!tpu.dma_semaphore, #tpu.memory_space<semaphore_mem>>) src(%arg12 : memref<125x64xf32, #tpu.memory_space<vmem>>) dst(%dma_wait3A_267 : memref<10000x64xf32, #tpu.memory_space<vmem_shared>>)
        %add3A_268 = arith.constant 5 : i32
        %add3A_269 = arith.addi %add3A_243, %add3A_268 : i32
        %dma_start3A_270 = arith.constant 0 : i32
        %dma_start3A_271 = tpu.memref_slice %arg7[%add3A_269, %dma_start3A_270] : memref<160x125xi32, #tpu.memory_space<vmem>> -> memref<1x125xi32, #tpu.memory_space<vmem>>
        %dma_start3A_272 = tpu.memref_squeeze %dma_start3A_271 : memref<1x125xi32, #tpu.memory_space<vmem>> -> memref<125xi32, #tpu.memory_space<vmem>>
        %dma_start3A_273 = arith.constant 0 : i32
        %dma_start3A_274 = arith.constant 0 : i32
        %dma_start3A_275 = tpu.memref_slice %arg2[%arg0, %dma_start3A_273, %dma_start3A_274] : memref<2x10008x64xf32, #tpu.memory_space<hbm>> -> memref<1x10008x64xf32, #tpu.memory_space<hbm>>
        %dma_start3A_276 = tpu.memref_squeeze %dma_start3A_275 : memref<1x10008x64xf32, #tpu.memory_space<hbm>> -> memref<10008x64xf32, #tpu.memory_space<hbm>>
        %dma_start3A_277 = arith.constant 0 : i32
        %dma_start3A_278 = arith.constant 0 : i32
        %dma_start3A_279 = tpu.memref_slice %dma_start3A_276[%dma_start3A_277, %dma_start3A_278] : memref<10008x64xf32, #tpu.memory_space<hbm>> -> memref<10008x64xf32, #tpu.memory_space<hbm>>
        tpu.enqueue_indirect_dma source(%dma_start3A_279 : memref<10008x64xf32, #tpu.memory_space<hbm>>) target(%arg12 : memref<125x64xf32, #tpu.memory_space<vmem>>) offsets(%dma_start3A_272 : memref<125xi32, #tpu.memory_space<vmem>>) semaphore(%arg18 : memref<!tpu.dma_semaphore, #tpu.memory_space<semaphore_mem>>)
      } else {
      }
      %mul3A_251 = arith.constant 5 : i32
      %mul3A_252 = arith.muli %mul3A_251, %scan3A_108 : i32
      %add3A_253 = arith.constant 4 : i32
      %add3A_254 = arith.addi %mul3A_252, %add3A_253 : i32
      %add3A_255 = arith.constant 5 : i32
      %add3A_256 = arith.addi %add3A_254, %add3A_255 : i32
      %lt3A_257 = arith.constant 160 : i32
      %lt3A_258 = arith.cmpi slt, %add3A_256, %lt3A_257 : i32
      %convert_element_type3A_259 = arith.extui %lt3A_258 : i1 to i32
      %cond3A_260 = arith.constant 0 : i32
      %cond3A_261 = arith.cmpi ne, %convert_element_type3A_259, %cond3A_260 : i32
      scf.if %cond3A_261 {
        %dma_wait3A_262 = arith.constant 0 : i32
        %dma_wait3A_263 = tpu.memref_slice %arg8[%add3A_254, %dma_wait3A_262] : memref<160x125xi32, #tpu.memory_space<vmem>> -> memref<1x125xi32, #tpu.memory_space<vmem>>
        %dma_wait3A_264 = tpu.memref_squeeze %dma_wait3A_263 : memref<1x125xi32, #tpu.memory_space<vmem>> -> memref<125xi32, #tpu.memory_space<vmem>>
        %dma_wait3A_265 = arith.constant 0 : i32
        %dma_wait3A_266 = arith.constant 0 : i32
        %dma_wait3A_267 = tpu.memref_slice %arg14[%dma_wait3A_265, %dma_wait3A_266] : memref<10000x64xf32, #tpu.memory_space<vmem_shared>> -> memref<10000x64xf32, #tpu.memory_space<vmem_shared>>
        tpu.wait_indirect_dma semaphore(%arg24 : memref<!tpu.dma_semaphore, #tpu.memory_space<semaphore_mem>>) src(%arg13 : memref<125x64xf32, #tpu.memory_space<vmem>>) dst(%dma_wait3A_267 : memref<10000x64xf32, #tpu.memory_space<vmem_shared>>)
        %add3A_268 = arith.constant 5 : i32
        %add3A_269 = arith.addi %add3A_254, %add3A_268 : i32
        %dma_start3A_270 = arith.constant 0 : i32
        %dma_start3A_271 = tpu.memref_slice %arg7[%add3A_269, %dma_start3A_270] : memref<160x125xi32, #tpu.memory_space<vmem>> -> memref<1x125xi32, #tpu.memory_space<vmem>>
        %dma_start3A_272 = tpu.memref_squeeze %dma_start3A_271 : memref<1x125xi32, #tpu.memory_space<vmem>> -> memref<125xi32, #tpu.memory_space<vmem>>
        %dma_start3A_273 = arith.constant 0 : i32
        %dma_start3A_274 = arith.constant 0 : i32
        %dma_start3A_275 = tpu.memref_slice %arg2[%arg0, %dma_start3A_273, %dma_start3A_274] : memref<2x10008x64xf32, #tpu.memory_space<hbm>> -> memref<1x10008x64xf32, #tpu.memory_space<hbm>>
        %dma_start3A_276 = tpu.memref_squeeze %dma_start3A_275 : memref<1x10008x64xf32, #tpu.memory_space<hbm>> -> memref<10008x64xf32, #tpu.memory_space<hbm>>
        %dma_start3A_277 = arith.constant 0 : i32
        %dma_start3A_278 = arith.constant 0 : i32
        %dma_start3A_279 = tpu.memref_slice %dma_start3A_276[%dma_start3A_277, %dma_start3A_278] : memref<10008x64xf32, #tpu.memory_space<hbm>> -> memref<10008x64xf32, #tpu.memory_space<hbm>>
        tpu.enqueue_indirect_dma source(%dma_start3A_279 : memref<10008x64xf32, #tpu.memory_space<hbm>>) target(%arg13 : memref<125x64xf32, #tpu.memory_space<vmem>>) offsets(%dma_start3A_272 : memref<125xi32, #tpu.memory_space<vmem>>) semaphore(%arg19 : memref<!tpu.dma_semaphore, #tpu.memory_space<semaphore_mem>>)
      } else {
      }
    }
    %scan3A_63 = arith.constant 32 : i32
    %dma_wait3A = arith.constant 155 : i32
    %dma_wait3A_64 = arith.constant 0 : i32
    %dma_wait3A_65 = tpu.memref_slice %arg8[%dma_wait3A, %dma_wait3A_64] : memref<160x125xi32, #tpu.memory_space<vmem>> -> memref<1x125xi32, #tpu.memory_space<vmem>>
    %dma_wait3A_66 = tpu.memref_squeeze %dma_wait3A_65 : memref<1x125xi32, #tpu.memory_space<vmem>> -> memref<125xi32, #tpu.memory_space<vmem>>
    %dma_wait3A_67 = arith.constant 0 : i32
    %dma_wait3A_68 = arith.constant 0 : i32
    %dma_wait3A_69 = tpu.memref_slice %arg14[%dma_wait3A_67, %dma_wait3A_68] : memref<10000x64xf32, #tpu.memory_space<vmem_shared>> -> memref<10000x64xf32, #tpu.memory_space<vmem_shared>>
    tpu.wait_indirect_dma semaphore(%arg20 : memref<!tpu.dma_semaphore, #tpu.memory_space<semaphore_mem>>) src(%arg9 : memref<125x64xf32, #tpu.memory_space<vmem>>) dst(%dma_wait3A_69 : memref<10000x64xf32, #tpu.memory_space<vmem_shared>>)
    %dma_wait3A_70 = arith.constant 156 : i32
    %dma_wait3A_71 = arith.constant 0 : i32
    %dma_wait3A_72 = tpu.memref_slice %arg8[%dma_wait3A_70, %dma_wait3A_71] : memref<160x125xi32, #tpu.memory_space<vmem>> -> memref<1x125xi32, #tpu.memory_space<vmem>>
    %dma_wait3A_73 = tpu.memref_squeeze %dma_wait3A_72 : memref<1x125xi32, #tpu.memory_space<vmem>> -> memref<125xi32, #tpu.memory_space<vmem>>
    %dma_wait3A_74 = arith.constant 0 : i32
    %dma_wait3A_75 = arith.constant 0 : i32
    %dma_wait3A_76 = tpu.memref_slice %arg14[%dma_wait3A_74, %dma_wait3A_75] : memref<10000x64xf32, #tpu.memory_space<vmem_shared>> -> memref<10000x64xf32, #tpu.memory_space<vmem_shared>>
    tpu.wait_indirect_dma semaphore(%arg21 : memref<!tpu.dma_semaphore, #tpu.memory_space<semaphore_mem>>) src(%arg10 : memref<125x64xf32, #tpu.memory_space<vmem>>) dst(%dma_wait3A_76 : memref<10000x64xf32, #tpu.memory_space<vmem_shared>>)
    %dma_wait3A_77 = arith.constant 157 : i32
    %dma_wait3A_78 = arith.constant 0 : i32
    %dma_wait3A_79 = tpu.memref_slice %arg8[%dma_wait3A_77, %dma_wait3A_78] : memref<160x125xi32, #tpu.memory_space<vmem>> -> memref<1x125xi32, #tpu.memory_space<vmem>>
    %dma_wait3A_80 = tpu.memref_squeeze %dma_wait3A_79 : memref<1x125xi32, #tpu.memory_space<vmem>> -> memref<125xi32, #tpu.memory_space<vmem>>
    %dma_wait3A_81 = arith.constant 0 : i32
    %dma_wait3A_82 = arith.constant 0 : i32
    %dma_wait3A_83 = tpu.memref_slice %arg14[%dma_wait3A_81, %dma_wait3A_82] : memref<10000x64xf32, #tpu.memory_space<vmem_shared>> -> memref<10000x64xf32, #tpu.memory_space<vmem_shared>>
    tpu.wait_indirect_dma semaphore(%arg22 : memref<!tpu.dma_semaphore, #tpu.memory_space<semaphore_mem>>) src(%arg11 : memref<125x64xf32, #tpu.memory_space<vmem>>) dst(%dma_wait3A_83 : memref<10000x64xf32, #tpu.memory_space<vmem_shared>>)
    %dma_wait3A_84 = arith.constant 158 : i32
    %dma_wait3A_85 = arith.constant 0 : i32
    %dma_wait3A_86 = tpu.memref_slice %arg8[%dma_wait3A_84, %dma_wait3A_85] : memref<160x125xi32, #tpu.memory_space<vmem>> -> memref<1x125xi32, #tpu.memory_space<vmem>>
    %dma_wait3A_87 = tpu.memref_squeeze %dma_wait3A_86 : memref<1x125xi32, #tpu.memory_space<vmem>> -> memref<125xi32, #tpu.memory_space<vmem>>
    %dma_wait3A_88 = arith.constant 0 : i32
    %dma_wait3A_89 = arith.constant 0 : i32
    %dma_wait3A_90 = tpu.memref_slice %arg14[%dma_wait3A_88, %dma_wait3A_89] : memref<10000x64xf32, #tpu.memory_space<vmem_shared>> -> memref<10000x64xf32, #tpu.memory_space<vmem_shared>>
    tpu.wait_indirect_dma semaphore(%arg23 : memref<!tpu.dma_semaphore, #tpu.memory_space<semaphore_mem>>) src(%arg12 : memref<125x64xf32, #tpu.memory_space<vmem>>) dst(%dma_wait3A_90 : memref<10000x64xf32, #tpu.memory_space<vmem_shared>>)
    %dma_wait3A_91 = arith.constant 159 : i32
    %dma_wait3A_92 = arith.constant 0 : i32
    %dma_wait3A_93 = tpu.memref_slice %arg8[%dma_wait3A_91, %dma_wait3A_92] : memref<160x125xi32, #tpu.memory_space<vmem>> -> memref<1x125xi32, #tpu.memory_space<vmem>>
    %dma_wait3A_94 = tpu.memref_squeeze %dma_wait3A_93 : memref<1x125xi32, #tpu.memory_space<vmem>> -> memref<125xi32, #tpu.memory_space<vmem>>
    %dma_wait3A_95 = arith.constant 0 : i32
    %dma_wait3A_96 = arith.constant 0 : i32
    %dma_wait3A_97 = tpu.memref_slice %arg14[%dma_wait3A_95, %dma_wait3A_96] : memref<10000x64xf32, #tpu.memory_space<vmem_shared>> -> memref<10000x64xf32, #tpu.memory_space<vmem_shared>>
    tpu.wait_indirect_dma semaphore(%arg24 : memref<!tpu.dma_semaphore, #tpu.memory_space<semaphore_mem>>) src(%arg13 : memref<125x64xf32, #tpu.memory_space<vmem>>) dst(%dma_wait3A_97 : memref<10000x64xf32, #tpu.memory_space<vmem_shared>>)
    %barrier3A_98 = arith.constant 0 : index
    tpu.barrier barrier_id(%barrier3A_98)
    %mul3A_99 = arith.constant 624 : i32
    %mul3A_100 = arith.muli %arg1, %mul3A_99 : i32
    %mul3A_101 = arith.constant 624 : i32
    %mul3A_102 = arith.muli %arg1, %mul3A_101 : i32
    "tpu.region"() ({
      %run_scoped3A = tpu.sem_alloc : memref<!tpu.dma_semaphore, #tpu.memory_space<semaphore_mem>>
      %dma_start3A_108 = arith.constant 0 : i32
      %dma_start3A_109 = tpu.memref_slice %arg6[%arg0, %mul3A_102, %dma_start3A_108] : memref<2x10000x64xf32, #tpu.memory_space<hbm>> -> memref<1x624x64xf32, #tpu.memory_space<hbm>>
      %dma_start3A_110 = tpu.memref_squeeze %dma_start3A_109 : memref<1x624x64xf32, #tpu.memory_space<hbm>> -> memref<624x64xf32, #tpu.memory_space<hbm>>
      %dma_start3A_111 = arith.constant 0 : i32
      %dma_start3A_112 = tpu.memref_slice %arg14[%mul3A_100, %dma_start3A_111] : memref<10000x64xf32, #tpu.memory_space<vmem_shared>> -> memref<624x64xf32, #tpu.memory_space<vmem_shared>>
      tpu.enqueue_dma source(%dma_start3A_112 : memref<624x64xf32, #tpu.memory_space<vmem_shared>>) target(%dma_start3A_110 : memref<624x64xf32, #tpu.memory_space<hbm>>) target_semaphore(%run_scoped3A : memref<!tpu.dma_semaphore, #tpu.memory_space<semaphore_mem>>)
      %dma_wait3A_113 = arith.constant 0 : i32
      %dma_wait3A_114 = tpu.memref_slice %arg6[%arg0, %mul3A_102, %dma_wait3A_113] : memref<2x10000x64xf32, #tpu.memory_space<hbm>> -> memref<1x624x64xf32, #tpu.memory_space<hbm>>
      %dma_wait3A_115 = tpu.memref_squeeze %dma_wait3A_114 : memref<1x624x64xf32, #tpu.memory_space<hbm>> -> memref<624x64xf32, #tpu.memory_space<hbm>>
      %dma_wait3A_116 = arith.constant 0 : i32
      %dma_wait3A_117 = tpu.memref_slice %arg14[%mul3A_100, %dma_wait3A_116] : memref<10000x64xf32, #tpu.memory_space<vmem_shared>> -> memref<624x64xf32, #tpu.memory_space<vmem_shared>>
      tpu.wait_dma2 semaphore(%run_scoped3A : memref<!tpu.dma_semaphore, #tpu.memory_space<semaphore_mem>>) src(%dma_wait3A_117 : memref<624x64xf32, #tpu.memory_space<vmem_shared>>) dst(%dma_wait3A_115 : memref<624x64xf32, #tpu.memory_space<hbm>>)
      tpu.yield
    }) : () -> ()
    %eq3A_103 = arith.constant 0 : i32
    %eq3A_104 = arith.cmpi eq, %arg1, %eq3A_103 : i32
    %convert_element_type3A_105 = arith.extui %eq3A_104 : i1 to i32
    %cond3A_106 = arith.constant 0 : i32
    %cond3A_107 = arith.cmpi ne, %convert_element_type3A_105, %cond3A_106 : i32
    scf.if %cond3A_107 {
      "tpu.region"() ({
        %run_scoped3A = tpu.sem_alloc : memref<!tpu.dma_semaphore, #tpu.memory_space<semaphore_mem>>
        %dma_start3A_108 = arith.constant 9984 : i32
        %dma_start3A_109 = arith.constant 0 : i32
        %dma_start3A_110 = tpu.memref_slice %arg6[%arg0, %dma_start3A_108, %dma_start3A_109] : memref<2x10000x64xf32, #tpu.memory_space<hbm>> -> memref<1x16x64xf32, #tpu.memory_space<hbm>>
        %dma_start3A_111 = tpu.memref_squeeze %dma_start3A_110 : memref<1x16x64xf32, #tpu.memory_space<hbm>> -> memref<16x64xf32, #tpu.memory_space<hbm>>
        %dma_start3A_112 = arith.constant 9984 : i32
        %dma_start3A_113 = arith.constant 0 : i32
        %dma_start3A_114 = tpu.memref_slice %arg14[%dma_start3A_112, %dma_start3A_113] : memref<10000x64xf32, #tpu.memory_space<vmem_shared>> -> memref<16x64xf32, #tpu.memory_space<vmem_shared>>
        tpu.enqueue_dma source(%dma_start3A_114 : memref<16x64xf32, #tpu.memory_space<vmem_shared>>) target(%dma_start3A_111 : memref<16x64xf32, #tpu.memory_space<hbm>>) target_semaphore(%run_scoped3A : memref<!tpu.dma_semaphore, #tpu.memory_space<semaphore_mem>>)
        %dma_wait3A_115 = arith.constant 9984 : i32
        %dma_wait3A_116 = arith.constant 0 : i32
        %dma_wait3A_117 = tpu.memref_slice %arg6[%arg0, %dma_wait3A_115, %dma_wait3A_116] : memref<2x10000x64xf32, #tpu.memory_space<hbm>> -> memref<1x16x64xf32, #tpu.memory_space<hbm>>
        %dma_wait3A_118 = tpu.memref_squeeze %dma_wait3A_117 : memref<1x16x64xf32, #tpu.memory_space<hbm>> -> memref<16x64xf32, #tpu.memory_space<hbm>>
        %dma_wait3A_119 = arith.constant 9984 : i32
        %dma_wait3A_120 = arith.constant 0 : i32
        %dma_wait3A_121 = tpu.memref_slice %arg14[%dma_wait3A_119, %dma_wait3A_120] : memref<10000x64xf32, #tpu.memory_space<vmem_shared>> -> memref<16x64xf32, #tpu.memory_space<vmem_shared>>
        tpu.wait_dma2 semaphore(%run_scoped3A : memref<!tpu.dma_semaphore, #tpu.memory_space<semaphore_mem>>) src(%dma_wait3A_121 : memref<16x64xf32, #tpu.memory_space<vmem_shared>>) dst(%dma_wait3A_118 : memref<16x64xf32, #tpu.memory_space<hbm>>)
        tpu.yield
      }) : () -> ()
    } else {
    }
    return
  }
}

#map = affine_map<(d0, d1) -> (0, 0, 0)>
#map1 = affine_map<(d0, d1) -> (0, 0)>
module attributes {stable_mosaic.version = 14 : i64} {
  func.func @_prop_body(%arg0: i32, %arg1: i32, %arg2: memref<2x10008x64xf32, #tpu.memory_space<hbm>>, %arg3: memref<16x160x125xi32, #tpu.memory_space<hbm>>, %arg4: memref<16x160x125xi32, #tpu.memory_space<hbm>>, %arg5: memref<10000x64xf32, #tpu.memory_space<hbm>>, %arg6: memref<2x10000x64xf32, #tpu.memory_space<hbm>>, %arg7: memref<160x125xi32, #tpu.memory_space<vmem>>, %arg8: memref<160x125xi32, #tpu.memory_space<vmem>>, %arg9: memref<125x64xf32, #tpu.memory_space<vmem>>, %arg10: memref<125x64xf32, #tpu.memory_space<vmem>>, %arg11: memref<125x64xf32, #tpu.memory_space<vmem>>, %arg12: memref<125x64xf32, #tpu.memory_space<vmem>>, %arg13: memref<125x64xf32, #tpu.memory_space<vmem>>, %arg14: memref<10000x64xf32, #tpu.memory_space<vmem_shared>>, %arg15: memref<!tpu.dma_semaphore, #tpu.memory_space<semaphore_mem>>, %arg16: memref<!tpu.dma_semaphore, #tpu.memory_space<semaphore_mem>>, %arg17: memref<!tpu.dma_semaphore, #tpu.memory_space<semaphore_mem>>, %arg18: memref<!tpu.dma_semaphore, #tpu.memory_space<semaphore_mem>>, %arg19: memref<!tpu.dma_semaphore, #tpu.memory_space<semaphore_mem>>, %arg20: memref<!tpu.dma_semaphore, #tpu.memory_space<semaphore_mem>>, %arg21: memref<!tpu.dma_semaphore, #tpu.memory_space<semaphore_mem>>, %arg22: memref<!tpu.dma_semaphore, #tpu.memory_space<semaphore_mem>>, %arg23: memref<!tpu.dma_semaphore, #tpu.memory_space<semaphore_mem>>, %arg24: memref<!tpu.dma_semaphore, #tpu.memory_space<semaphore_mem>>) attributes {dimension_semantics = [#tpu.dimension_semantics<core_parallel>, #tpu.dimension_semantics<subcore_parallel>], iteration_bounds = array<i64: 2, 16>, scalar_prefetch = 0 : i64, scratch_operands = 18 : i64, tpu.core_type = #tpu.core_type<sc_vector_subcore>, window_params = [{transform_indices = #map}, {transform_indices = #map}, {transform_indices = #map}, {transform_indices = #map1}, {transform_indices = #map}]} {
    %mul3A = arith.constant 624 : i32
    %mul3A_0 = arith.muli %arg1, %mul3A : i32
    %mul3A_1 = arith.constant 624 : i32
    %mul3A_2 = arith.muli %arg1, %mul3A_1 : i32
    "tpu.region"() ({
      %run_scoped3A = tpu.sem_alloc : memref<!tpu.dma_semaphore, #tpu.memory_space<semaphore_mem>>
      %dma_start3A_108 = arith.constant 0 : i32
      %dma_start3A_109 = tpu.memref_slice %arg14[%mul3A_2, %dma_start3A_108] : memref<10000x64xf32, #tpu.memory_space<vmem_shared>> -> memref<624x64xf32, #tpu.memory_space<vmem_shared>>
      %dma_start3A_110 = arith.constant 0 : i32
      %dma_start3A_111 = tpu.memref_slice %arg5[%mul3A_0, %dma_start3A_110] : memref<10000x64xf32, #tpu.memory_space<hbm>> -> memref<624x64xf32, #tpu.memory_space<hbm>>
      tpu.enqueue_dma source(%dma_start3A_111 : memref<624x64xf32, #tpu.memory_space<hbm>>) target(%dma_start3A_109 : memref<624x64xf32, #tpu.memory_space<vmem_shared>>) target_semaphore(%run_scoped3A : memref<!tpu.dma_semaphore, #tpu.memory_space<semaphore_mem>>)
      %dma_wait3A_112 = arith.constant 0 : i32
      %dma_wait3A_113 = tpu.memref_slice %arg14[%mul3A_2, %dma_wait3A_112] : memref<10000x64xf32, #tpu.memory_space<vmem_shared>> -> memref<624x64xf32, #tpu.memory_space<vmem_shared>>
      %dma_wait3A_114 = arith.constant 0 : i32
      %dma_wait3A_115 = tpu.memref_slice %arg5[%mul3A_0, %dma_wait3A_114] : memref<10000x64xf32, #tpu.memory_space<hbm>> -> memref<624x64xf32, #tpu.memory_space<hbm>>
      tpu.wait_dma2 semaphore(%run_scoped3A : memref<!tpu.dma_semaphore, #tpu.memory_space<semaphore_mem>>) src(%dma_wait3A_115 : memref<624x64xf32, #tpu.memory_space<hbm>>) dst(%dma_wait3A_113 : memref<624x64xf32, #tpu.memory_space<vmem_shared>>)
      tpu.yield
    }) : () -> ()
    %eq3A = arith.constant 0 : i32
    %eq3A_3 = arith.cmpi eq, %arg1, %eq3A : i32
    %convert_element_type3A = arith.extui %eq3A_3 : i1 to i32
    %cond3A = arith.constant 0 : i32
    %cond3A_4 = arith.cmpi ne, %convert_element_type3A, %cond3A : i32
    scf.if %cond3A_4 {
      "tpu.region"() ({
        %run_scoped3A = tpu.sem_alloc : memref<!tpu.dma_semaphore, #tpu.memory_space<semaphore_mem>>
        %dma_start3A_108 = arith.constant 9984 : i32
        %dma_start3A_109 = arith.constant 0 : i32
        %dma_start3A_110 = tpu.memref_slice %arg14[%dma_start3A_108, %dma_start3A_109] : memref<10000x64xf32, #tpu.memory_space<vmem_shared>> -> memref<16x64xf32, #tpu.memory_space<vmem_shared>>
        %dma_start3A_111 = arith.constant 9984 : i32
        %dma_start3A_112 = arith.constant 0 : i32
        %dma_start3A_113 = tpu.memref_slice %arg5[%dma_start3A_111, %dma_start3A_112] : memref<10000x64xf32, #tpu.memory_space<hbm>> -> memref<16x64xf32, #tpu.memory_space<hbm>>
        tpu.enqueue_dma source(%dma_start3A_113 : memref<16x64xf32, #tpu.memory_space<hbm>>) target(%dma_start3A_110 : memref<16x64xf32, #tpu.memory_space<vmem_shared>>) target_semaphore(%run_scoped3A : memref<!tpu.dma_semaphore, #tpu.memory_space<semaphore_mem>>)
        %dma_wait3A_114 = arith.constant 9984 : i32
        %dma_wait3A_115 = arith.constant 0 : i32
        %dma_wait3A_116 = tpu.memref_slice %arg14[%dma_wait3A_114, %dma_wait3A_115] : memref<10000x64xf32, #tpu.memory_space<vmem_shared>> -> memref<16x64xf32, #tpu.memory_space<vmem_shared>>
        %dma_wait3A_117 = arith.constant 9984 : i32
        %dma_wait3A_118 = arith.constant 0 : i32
        %dma_wait3A_119 = tpu.memref_slice %arg5[%dma_wait3A_117, %dma_wait3A_118] : memref<10000x64xf32, #tpu.memory_space<hbm>> -> memref<16x64xf32, #tpu.memory_space<hbm>>
        tpu.wait_dma2 semaphore(%run_scoped3A : memref<!tpu.dma_semaphore, #tpu.memory_space<semaphore_mem>>) src(%dma_wait3A_119 : memref<16x64xf32, #tpu.memory_space<hbm>>) dst(%dma_wait3A_116 : memref<16x64xf32, #tpu.memory_space<vmem_shared>>)
        tpu.yield
      }) : () -> ()
    } else {
    }
    "tpu.region"() ({
      %run_scoped3A = tpu.sem_alloc : memref<!tpu.dma_semaphore, #tpu.memory_space<semaphore_mem>>
      %dma_start3A_108 = arith.constant 0 : i32
      %dma_start3A_109 = arith.constant 0 : i32
      %dma_start3A_110 = tpu.memref_slice %arg3[%arg1, %dma_start3A_108, %dma_start3A_109] : memref<16x160x125xi32, #tpu.memory_space<hbm>> -> memref<1x160x125xi32, #tpu.memory_space<hbm>>
      %dma_start3A_111 = tpu.memref_squeeze %dma_start3A_110 : memref<1x160x125xi32, #tpu.memory_space<hbm>> -> memref<160x125xi32, #tpu.memory_space<hbm>>
      %dma_start3A_112 = arith.constant 0 : i32
      %dma_start3A_113 = arith.constant 0 : i32
      %dma_start3A_114 = tpu.memref_slice %arg3[%arg1, %dma_start3A_112, %dma_start3A_113] : memref<16x160x125xi32, #tpu.memory_space<hbm>> -> memref<1x160x125xi32, #tpu.memory_space<hbm>>
      %dma_start3A_115 = tpu.memref_squeeze %dma_start3A_114 : memref<1x160x125xi32, #tpu.memory_space<hbm>> -> memref<160x125xi32, #tpu.memory_space<hbm>>
      tpu.enqueue_dma source(%dma_start3A_115 : memref<160x125xi32, #tpu.memory_space<hbm>>) target(%arg7 : memref<160x125xi32, #tpu.memory_space<vmem>>) target_semaphore(%run_scoped3A : memref<!tpu.dma_semaphore, #tpu.memory_space<semaphore_mem>>)
      %dma_wait3A_116 = arith.constant 0 : i32
      %dma_wait3A_117 = arith.constant 0 : i32
      %dma_wait3A_118 = tpu.memref_slice %arg3[%arg1, %dma_wait3A_116, %dma_wait3A_117] : memref<16x160x125xi32, #tpu.memory_space<hbm>> -> memref<1x160x125xi32, #tpu.memory_space<hbm>>
      %dma_wait3A_119 = tpu.memref_squeeze %dma_wait3A_118 : memref<1x160x125xi32, #tpu.memory_space<hbm>> -> memref<160x125xi32, #tpu.memory_space<hbm>>
      %dma_wait3A_120 = arith.constant 0 : i32
      %dma_wait3A_121 = arith.constant 0 : i32
      %dma_wait3A_122 = tpu.memref_slice %arg3[%arg1, %dma_wait3A_120, %dma_wait3A_121] : memref<16x160x125xi32, #tpu.memory_space<hbm>> -> memref<1x160x125xi32, #tpu.memory_space<hbm>>
      %dma_wait3A_123 = tpu.memref_squeeze %dma_wait3A_122 : memref<1x160x125xi32, #tpu.memory_space<hbm>> -> memref<160x125xi32, #tpu.memory_space<hbm>>
      tpu.wait_dma2 semaphore(%run_scoped3A : memref<!tpu.dma_semaphore, #tpu.memory_space<semaphore_mem>>) src(%dma_wait3A_123 : memref<160x125xi32, #tpu.memory_space<hbm>>) dst(%arg7 : memref<160x125xi32, #tpu.memory_space<vmem>>)
      tpu.yield
    }) : () -> ()
    "tpu.region"() ({
      %run_scoped3A = tpu.sem_alloc : memref<!tpu.dma_semaphore, #tpu.memory_space<semaphore_mem>>
      %dma_start3A_108 = arith.constant 0 : i32
      %dma_start3A_109 = arith.constant 0 : i32
      %dma_start3A_110 = tpu.memref_slice %arg4[%arg1, %dma_start3A_108, %dma_start3A_109] : memref<16x160x125xi32, #tpu.memory_space<hbm>> -> memref<1x160x125xi32, #tpu.memory_space<hbm>>
      %dma_start3A_111 = tpu.memref_squeeze %dma_start3A_110 : memref<1x160x125xi32, #tpu.memory_space<hbm>> -> memref<160x125xi32, #tpu.memory_space<hbm>>
      %dma_start3A_112 = arith.constant 0 : i32
      %dma_start3A_113 = arith.constant 0 : i32
      %dma_start3A_114 = tpu.memref_slice %arg4[%arg1, %dma_start3A_112, %dma_start3A_113] : memref<16x160x125xi32, #tpu.memory_space<hbm>> -> memref<1x160x125xi32, #tpu.memory_space<hbm>>
      %dma_start3A_115 = tpu.memref_squeeze %dma_start3A_114 : memref<1x160x125xi32, #tpu.memory_space<hbm>> -> memref<160x125xi32, #tpu.memory_space<hbm>>
      tpu.enqueue_dma source(%dma_start3A_115 : memref<160x125xi32, #tpu.memory_space<hbm>>) target(%arg8 : memref<160x125xi32, #tpu.memory_space<vmem>>) target_semaphore(%run_scoped3A : memref<!tpu.dma_semaphore, #tpu.memory_space<semaphore_mem>>)
      %dma_wait3A_116 = arith.constant 0 : i32
      %dma_wait3A_117 = arith.constant 0 : i32
      %dma_wait3A_118 = tpu.memref_slice %arg4[%arg1, %dma_wait3A_116, %dma_wait3A_117] : memref<16x160x125xi32, #tpu.memory_space<hbm>> -> memref<1x160x125xi32, #tpu.memory_space<hbm>>
      %dma_wait3A_119 = tpu.memref_squeeze %dma_wait3A_118 : memref<1x160x125xi32, #tpu.memory_space<hbm>> -> memref<160x125xi32, #tpu.memory_space<hbm>>
      %dma_wait3A_120 = arith.constant 0 : i32
      %dma_wait3A_121 = arith.constant 0 : i32
      %dma_wait3A_122 = tpu.memref_slice %arg4[%arg1, %dma_wait3A_120, %dma_wait3A_121] : memref<16x160x125xi32, #tpu.memory_space<hbm>> -> memref<1x160x125xi32, #tpu.memory_space<hbm>>
      %dma_wait3A_123 = tpu.memref_squeeze %dma_wait3A_122 : memref<1x160x125xi32, #tpu.memory_space<hbm>> -> memref<160x125xi32, #tpu.memory_space<hbm>>
      tpu.wait_dma2 semaphore(%run_scoped3A : memref<!tpu.dma_semaphore, #tpu.memory_space<semaphore_mem>>) src(%dma_wait3A_123 : memref<160x125xi32, #tpu.memory_space<hbm>>) dst(%arg8 : memref<160x125xi32, #tpu.memory_space<vmem>>)
      tpu.yield
    }) : () -> ()
    %barrier3A = arith.constant 0 : index
    tpu.barrier barrier_id(%barrier3A)
    %dma_start3A = arith.constant 0 : i32
    %dma_start3A_5 = arith.constant 0 : i32
    %dma_start3A_6 = tpu.memref_slice %arg7[%dma_start3A, %dma_start3A_5] : memref<160x125xi32, #tpu.memory_space<vmem>> -> memref<1x125xi32, #tpu.memory_space<vmem>>
    %dma_start3A_7 = tpu.memref_squeeze %dma_start3A_6 : memref<1x125xi32, #tpu.memory_space<vmem>> -> memref<125xi32, #tpu.memory_space<vmem>>
    %dma_start3A_8 = arith.constant 0 : i32
    %dma_start3A_9 = arith.constant 0 : i32
    %dma_start3A_10 = tpu.memref_slice %arg2[%arg0, %dma_start3A_8, %dma_start3A_9] : memref<2x10008x64xf32, #tpu.memory_space<hbm>> -> memref<1x10008x64xf32, #tpu.memory_space<hbm>>
    %dma_start3A_11 = tpu.memref_squeeze %dma_start3A_10 : memref<1x10008x64xf32, #tpu.memory_space<hbm>> -> memref<10008x64xf32, #tpu.memory_space<hbm>>
    %dma_start3A_12 = arith.constant 0 : i32
    %dma_start3A_13 = arith.constant 0 : i32
    %dma_start3A_14 = tpu.memref_slice %dma_start3A_11[%dma_start3A_12, %dma_start3A_13] : memref<10008x64xf32, #tpu.memory_space<hbm>> -> memref<10008x64xf32, #tpu.memory_space<hbm>>
    tpu.enqueue_indirect_dma source(%dma_start3A_14 : memref<10008x64xf32, #tpu.memory_space<hbm>>) target(%arg9 : memref<125x64xf32, #tpu.memory_space<vmem>>) offsets(%dma_start3A_7 : memref<125xi32, #tpu.memory_space<vmem>>) semaphore(%arg15 : memref<!tpu.dma_semaphore, #tpu.memory_space<semaphore_mem>>)
    %dma_start3A_15 = arith.constant 1 : i32
    %dma_start3A_16 = arith.constant 0 : i32
    %dma_start3A_17 = tpu.memref_slice %arg7[%dma_start3A_15, %dma_start3A_16] : memref<160x125xi32, #tpu.memory_space<vmem>> -> memref<1x125xi32, #tpu.memory_space<vmem>>
    %dma_start3A_18 = tpu.memref_squeeze %dma_start3A_17 : memref<1x125xi32, #tpu.memory_space<vmem>> -> memref<125xi32, #tpu.memory_space<vmem>>
    %dma_start3A_19 = arith.constant 0 : i32
    %dma_start3A_20 = arith.constant 0 : i32
    %dma_start3A_21 = tpu.memref_slice %arg2[%arg0, %dma_start3A_19, %dma_start3A_20] : memref<2x10008x64xf32, #tpu.memory_space<hbm>> -> memref<1x10008x64xf32, #tpu.memory_space<hbm>>
    %dma_start3A_22 = tpu.memref_squeeze %dma_start3A_21 : memref<1x10008x64xf32, #tpu.memory_space<hbm>> -> memref<10008x64xf32, #tpu.memory_space<hbm>>
    %dma_start3A_23 = arith.constant 0 : i32
    %dma_start3A_24 = arith.constant 0 : i32
    %dma_start3A_25 = tpu.memref_slice %dma_start3A_22[%dma_start3A_23, %dma_start3A_24] : memref<10008x64xf32, #tpu.memory_space<hbm>> -> memref<10008x64xf32, #tpu.memory_space<hbm>>
    tpu.enqueue_indirect_dma source(%dma_start3A_25 : memref<10008x64xf32, #tpu.memory_space<hbm>>) target(%arg10 : memref<125x64xf32, #tpu.memory_space<vmem>>) offsets(%dma_start3A_18 : memref<125xi32, #tpu.memory_space<vmem>>) semaphore(%arg16 : memref<!tpu.dma_semaphore, #tpu.memory_space<semaphore_mem>>)
    %dma_start3A_26 = arith.constant 2 : i32
    %dma_start3A_27 = arith.constant 0 : i32
    %dma_start3A_28 = tpu.memref_slice %arg7[%dma_start3A_26, %dma_start3A_27] : memref<160x125xi32, #tpu.memory_space<vmem>> -> memref<1x125xi32, #tpu.memory_space<vmem>>
    %dma_start3A_29 = tpu.memref_squeeze %dma_start3A_28 : memref<1x125xi32, #tpu.memory_space<vmem>> -> memref<125xi32, #tpu.memory_space<vmem>>
    %dma_start3A_30 = arith.constant 0 : i32
    %dma_start3A_31 = arith.constant 0 : i32
    %dma_start3A_32 = tpu.memref_slice %arg2[%arg0, %dma_start3A_30, %dma_start3A_31] : memref<2x10008x64xf32, #tpu.memory_space<hbm>> -> memref<1x10008x64xf32, #tpu.memory_space<hbm>>
    %dma_start3A_33 = tpu.memref_squeeze %dma_start3A_32 : memref<1x10008x64xf32, #tpu.memory_space<hbm>> -> memref<10008x64xf32, #tpu.memory_space<hbm>>
    %dma_start3A_34 = arith.constant 0 : i32
    %dma_start3A_35 = arith.constant 0 : i32
    %dma_start3A_36 = tpu.memref_slice %dma_start3A_33[%dma_start3A_34, %dma_start3A_35] : memref<10008x64xf32, #tpu.memory_space<hbm>> -> memref<10008x64xf32, #tpu.memory_space<hbm>>
    tpu.enqueue_indirect_dma source(%dma_start3A_36 : memref<10008x64xf32, #tpu.memory_space<hbm>>) target(%arg11 : memref<125x64xf32, #tpu.memory_space<vmem>>) offsets(%dma_start3A_29 : memref<125xi32, #tpu.memory_space<vmem>>) semaphore(%arg17 : memref<!tpu.dma_semaphore, #tpu.memory_space<semaphore_mem>>)
    %dma_start3A_37 = arith.constant 3 : i32
    %dma_start3A_38 = arith.constant 0 : i32
    %dma_start3A_39 = tpu.memref_slice %arg7[%dma_start3A_37, %dma_start3A_38] : memref<160x125xi32, #tpu.memory_space<vmem>> -> memref<1x125xi32, #tpu.memory_space<vmem>>
    %dma_start3A_40 = tpu.memref_squeeze %dma_start3A_39 : memref<1x125xi32, #tpu.memory_space<vmem>> -> memref<125xi32, #tpu.memory_space<vmem>>
    %dma_start3A_41 = arith.constant 0 : i32
    %dma_start3A_42 = arith.constant 0 : i32
    %dma_start3A_43 = tpu.memref_slice %arg2[%arg0, %dma_start3A_41, %dma_start3A_42] : memref<2x10008x64xf32, #tpu.memory_space<hbm>> -> memref<1x10008x64xf32, #tpu.memory_space<hbm>>
    %dma_start3A_44 = tpu.memref_squeeze %dma_start3A_43 : memref<1x10008x64xf32, #tpu.memory_space<hbm>> -> memref<10008x64xf32, #tpu.memory_space<hbm>>
    %dma_start3A_45 = arith.constant 0 : i32
    %dma_start3A_46 = arith.constant 0 : i32
    %dma_start3A_47 = tpu.memref_slice %dma_start3A_44[%dma_start3A_45, %dma_start3A_46] : memref<10008x64xf32, #tpu.memory_space<hbm>> -> memref<10008x64xf32, #tpu.memory_space<hbm>>
    tpu.enqueue_indirect_dma source(%dma_start3A_47 : memref<10008x64xf32, #tpu.memory_space<hbm>>) target(%arg12 : memref<125x64xf32, #tpu.memory_space<vmem>>) offsets(%dma_start3A_40 : memref<125xi32, #tpu.memory_space<vmem>>) semaphore(%arg18 : memref<!tpu.dma_semaphore, #tpu.memory_space<semaphore_mem>>)
    %dma_start3A_48 = arith.constant 4 : i32
    %dma_start3A_49 = arith.constant 0 : i32
    %dma_start3A_50 = tpu.memref_slice %arg7[%dma_start3A_48, %dma_start3A_49] : memref<160x125xi32, #tpu.memory_space<vmem>> -> memref<1x125xi32, #tpu.memory_space<vmem>>
    %dma_start3A_51 = tpu.memref_squeeze %dma_start3A_50 : memref<1x125xi32, #tpu.memory_space<vmem>> -> memref<125xi32, #tpu.memory_space<vmem>>
    %dma_start3A_52 = arith.constant 0 : i32
    %dma_start3A_53 = arith.constant 0 : i32
    %dma_start3A_54 = tpu.memref_slice %arg2[%arg0, %dma_start3A_52, %dma_start3A_53] : memref<2x10008x64xf32, #tpu.memory_space<hbm>> -> memref<1x10008x64xf32, #tpu.memory_space<hbm>>
    %dma_start3A_55 = tpu.memref_squeeze %dma_start3A_54 : memref<1x10008x64xf32, #tpu.memory_space<hbm>> -> memref<10008x64xf32, #tpu.memory_space<hbm>>
    %dma_start3A_56 = arith.constant 0 : i32
    %dma_start3A_57 = arith.constant 0 : i32
    %dma_start3A_58 = tpu.memref_slice %dma_start3A_55[%dma_start3A_56, %dma_start3A_57] : memref<10008x64xf32, #tpu.memory_space<hbm>> -> memref<10008x64xf32, #tpu.memory_space<hbm>>
    tpu.enqueue_indirect_dma source(%dma_start3A_58 : memref<10008x64xf32, #tpu.memory_space<hbm>>) target(%arg13 : memref<125x64xf32, #tpu.memory_space<vmem>>) offsets(%dma_start3A_51 : memref<125xi32, #tpu.memory_space<vmem>>) semaphore(%arg19 : memref<!tpu.dma_semaphore, #tpu.memory_space<semaphore_mem>>)
    %scan3A = arith.constant 0 : i32
    %scan3A_59 = arith.constant 0 : i32
    %scan3A_60 = arith.constant 32 : i32
    %scan3A_61 = arith.addi %scan3A_59, %scan3A_60 : i32
    %scan3A_62 = arith.constant 1 : i32
    scf.for %scan3A_108 = %scan3A_59 to %scan3A_61 step %scan3A_62  : i32 {
      %mul3A_109 = arith.constant 5 : i32
      %mul3A_110 = arith.muli %mul3A_109, %scan3A_108 : i32
      %add3A = arith.constant 0 : i32
      %add3A_111 = arith.addi %mul3A_110, %add3A : i32
      %dma_wait3A_112 = arith.constant 0 : i32
      %dma_wait3A_113 = tpu.memref_slice %arg7[%add3A_111, %dma_wait3A_112] : memref<160x125xi32, #tpu.memory_space<vmem>> -> memref<1x125xi32, #tpu.memory_space<vmem>>
      %dma_wait3A_114 = tpu.memref_squeeze %dma_wait3A_113 : memref<1x125xi32, #tpu.memory_space<vmem>> -> memref<125xi32, #tpu.memory_space<vmem>>
      %dma_wait3A_115 = arith.constant 0 : i32
      %dma_wait3A_116 = arith.constant 0 : i32
      %dma_wait3A_117 = tpu.memref_slice %arg2[%arg0, %dma_wait3A_115, %dma_wait3A_116] : memref<2x10008x64xf32, #tpu.memory_space<hbm>> -> memref<1x10008x64xf32, #tpu.memory_space<hbm>>
      %dma_wait3A_118 = tpu.memref_squeeze %dma_wait3A_117 : memref<1x10008x64xf32, #tpu.memory_space<hbm>> -> memref<10008x64xf32, #tpu.memory_space<hbm>>
      %dma_wait3A_119 = arith.constant 0 : i32
      %dma_wait3A_120 = arith.constant 0 : i32
      %dma_wait3A_121 = tpu.memref_slice %dma_wait3A_118[%dma_wait3A_119, %dma_wait3A_120] : memref<10008x64xf32, #tpu.memory_space<hbm>> -> memref<10008x64xf32, #tpu.memory_space<hbm>>
      tpu.wait_indirect_dma semaphore(%arg15 : memref<!tpu.dma_semaphore, #tpu.memory_space<semaphore_mem>>) src(%dma_wait3A_121 : memref<10008x64xf32, #tpu.memory_space<hbm>>) dst(%arg9 : memref<125x64xf32, #tpu.memory_space<vmem>>)
      %dma_start3A_122 = arith.constant 0 : i32
      %dma_start3A_123 = tpu.memref_slice %arg8[%add3A_111, %dma_start3A_122] : memref<160x125xi32, #tpu.memory_space<vmem>> -> memref<1x125xi32, #tpu.memory_space<vmem>>
      %dma_start3A_124 = tpu.memref_squeeze %dma_start3A_123 : memref<1x125xi32, #tpu.memory_space<vmem>> -> memref<125xi32, #tpu.memory_space<vmem>>
      %dma_start3A_125 = arith.constant 0 : i32
      %dma_start3A_126 = arith.constant 0 : i32
      %dma_start3A_127 = tpu.memref_slice %arg14[%dma_start3A_125, %dma_start3A_126] : memref<10000x64xf32, #tpu.memory_space<vmem_shared>> -> memref<10000x64xf32, #tpu.memory_space<vmem_shared>>
      tpu.enqueue_indirect_dma source(%arg9 : memref<125x64xf32, #tpu.memory_space<vmem>>) target(%dma_start3A_127 : memref<10000x64xf32, #tpu.memory_space<vmem_shared>>) offsets(%dma_start3A_124 : memref<125xi32, #tpu.memory_space<vmem>>) semaphore(%arg20 : memref<!tpu.dma_semaphore, #tpu.memory_space<semaphore_mem>>) {add = true}
      %mul3A_128 = arith.constant 5 : i32
      %mul3A_129 = arith.muli %mul3A_128, %scan3A_108 : i32
      %add3A_130 = arith.constant 1 : i32
      %add3A_131 = arith.addi %mul3A_129, %add3A_130 : i32
      %dma_wait3A_132 = arith.constant 0 : i32
      %dma_wait3A_133 = tpu.memref_slice %arg7[%add3A_131, %dma_wait3A_132] : memref<160x125xi32, #tpu.memory_space<vmem>> -> memref<1x125xi32, #tpu.memory_space<vmem>>
      %dma_wait3A_134 = tpu.memref_squeeze %dma_wait3A_133 : memref<1x125xi32, #tpu.memory_space<vmem>> -> memref<125xi32, #tpu.memory_space<vmem>>
      %dma_wait3A_135 = arith.constant 0 : i32
      %dma_wait3A_136 = arith.constant 0 : i32
      %dma_wait3A_137 = tpu.memref_slice %arg2[%arg0, %dma_wait3A_135, %dma_wait3A_136] : memref<2x10008x64xf32, #tpu.memory_space<hbm>> -> memref<1x10008x64xf32, #tpu.memory_space<hbm>>
      %dma_wait3A_138 = tpu.memref_squeeze %dma_wait3A_137 : memref<1x10008x64xf32, #tpu.memory_space<hbm>> -> memref<10008x64xf32, #tpu.memory_space<hbm>>
      %dma_wait3A_139 = arith.constant 0 : i32
      %dma_wait3A_140 = arith.constant 0 : i32
      %dma_wait3A_141 = tpu.memref_slice %dma_wait3A_138[%dma_wait3A_139, %dma_wait3A_140] : memref<10008x64xf32, #tpu.memory_space<hbm>> -> memref<10008x64xf32, #tpu.memory_space<hbm>>
      tpu.wait_indirect_dma semaphore(%arg16 : memref<!tpu.dma_semaphore, #tpu.memory_space<semaphore_mem>>) src(%dma_wait3A_141 : memref<10008x64xf32, #tpu.memory_space<hbm>>) dst(%arg10 : memref<125x64xf32, #tpu.memory_space<vmem>>)
      %dma_start3A_142 = arith.constant 0 : i32
      %dma_start3A_143 = tpu.memref_slice %arg8[%add3A_131, %dma_start3A_142] : memref<160x125xi32, #tpu.memory_space<vmem>> -> memref<1x125xi32, #tpu.memory_space<vmem>>
      %dma_start3A_144 = tpu.memref_squeeze %dma_start3A_143 : memref<1x125xi32, #tpu.memory_space<vmem>> -> memref<125xi32, #tpu.memory_space<vmem>>
      %dma_start3A_145 = arith.constant 0 : i32
      %dma_start3A_146 = arith.constant 0 : i32
      %dma_start3A_147 = tpu.memref_slice %arg14[%dma_start3A_145, %dma_start3A_146] : memref<10000x64xf32, #tpu.memory_space<vmem_shared>> -> memref<10000x64xf32, #tpu.memory_space<vmem_shared>>
      tpu.enqueue_indirect_dma source(%arg10 : memref<125x64xf32, #tpu.memory_space<vmem>>) target(%dma_start3A_147 : memref<10000x64xf32, #tpu.memory_space<vmem_shared>>) offsets(%dma_start3A_144 : memref<125xi32, #tpu.memory_space<vmem>>) semaphore(%arg21 : memref<!tpu.dma_semaphore, #tpu.memory_space<semaphore_mem>>) {add = true}
      %mul3A_148 = arith.constant 5 : i32
      %mul3A_149 = arith.muli %mul3A_148, %scan3A_108 : i32
      %add3A_150 = arith.constant 2 : i32
      %add3A_151 = arith.addi %mul3A_149, %add3A_150 : i32
      %dma_wait3A_152 = arith.constant 0 : i32
      %dma_wait3A_153 = tpu.memref_slice %arg7[%add3A_151, %dma_wait3A_152] : memref<160x125xi32, #tpu.memory_space<vmem>> -> memref<1x125xi32, #tpu.memory_space<vmem>>
      %dma_wait3A_154 = tpu.memref_squeeze %dma_wait3A_153 : memref<1x125xi32, #tpu.memory_space<vmem>> -> memref<125xi32, #tpu.memory_space<vmem>>
      %dma_wait3A_155 = arith.constant 0 : i32
      %dma_wait3A_156 = arith.constant 0 : i32
      %dma_wait3A_157 = tpu.memref_slice %arg2[%arg0, %dma_wait3A_155, %dma_wait3A_156] : memref<2x10008x64xf32, #tpu.memory_space<hbm>> -> memref<1x10008x64xf32, #tpu.memory_space<hbm>>
      %dma_wait3A_158 = tpu.memref_squeeze %dma_wait3A_157 : memref<1x10008x64xf32, #tpu.memory_space<hbm>> -> memref<10008x64xf32, #tpu.memory_space<hbm>>
      %dma_wait3A_159 = arith.constant 0 : i32
      %dma_wait3A_160 = arith.constant 0 : i32
      %dma_wait3A_161 = tpu.memref_slice %dma_wait3A_158[%dma_wait3A_159, %dma_wait3A_160] : memref<10008x64xf32, #tpu.memory_space<hbm>> -> memref<10008x64xf32, #tpu.memory_space<hbm>>
      tpu.wait_indirect_dma semaphore(%arg17 : memref<!tpu.dma_semaphore, #tpu.memory_space<semaphore_mem>>) src(%dma_wait3A_161 : memref<10008x64xf32, #tpu.memory_space<hbm>>) dst(%arg11 : memref<125x64xf32, #tpu.memory_space<vmem>>)
      %dma_start3A_162 = arith.constant 0 : i32
      %dma_start3A_163 = tpu.memref_slice %arg8[%add3A_151, %dma_start3A_162] : memref<160x125xi32, #tpu.memory_space<vmem>> -> memref<1x125xi32, #tpu.memory_space<vmem>>
      %dma_start3A_164 = tpu.memref_squeeze %dma_start3A_163 : memref<1x125xi32, #tpu.memory_space<vmem>> -> memref<125xi32, #tpu.memory_space<vmem>>
      %dma_start3A_165 = arith.constant 0 : i32
      %dma_start3A_166 = arith.constant 0 : i32
      %dma_start3A_167 = tpu.memref_slice %arg14[%dma_start3A_165, %dma_start3A_166] : memref<10000x64xf32, #tpu.memory_space<vmem_shared>> -> memref<10000x64xf32, #tpu.memory_space<vmem_shared>>
      tpu.enqueue_indirect_dma source(%arg11 : memref<125x64xf32, #tpu.memory_space<vmem>>) target(%dma_start3A_167 : memref<10000x64xf32, #tpu.memory_space<vmem_shared>>) offsets(%dma_start3A_164 : memref<125xi32, #tpu.memory_space<vmem>>) semaphore(%arg22 : memref<!tpu.dma_semaphore, #tpu.memory_space<semaphore_mem>>) {add = true}
      %mul3A_168 = arith.constant 5 : i32
      %mul3A_169 = arith.muli %mul3A_168, %scan3A_108 : i32
      %add3A_170 = arith.constant 3 : i32
      %add3A_171 = arith.addi %mul3A_169, %add3A_170 : i32
      %dma_wait3A_172 = arith.constant 0 : i32
      %dma_wait3A_173 = tpu.memref_slice %arg7[%add3A_171, %dma_wait3A_172] : memref<160x125xi32, #tpu.memory_space<vmem>> -> memref<1x125xi32, #tpu.memory_space<vmem>>
      %dma_wait3A_174 = tpu.memref_squeeze %dma_wait3A_173 : memref<1x125xi32, #tpu.memory_space<vmem>> -> memref<125xi32, #tpu.memory_space<vmem>>
      %dma_wait3A_175 = arith.constant 0 : i32
      %dma_wait3A_176 = arith.constant 0 : i32
      %dma_wait3A_177 = tpu.memref_slice %arg2[%arg0, %dma_wait3A_175, %dma_wait3A_176] : memref<2x10008x64xf32, #tpu.memory_space<hbm>> -> memref<1x10008x64xf32, #tpu.memory_space<hbm>>
      %dma_wait3A_178 = tpu.memref_squeeze %dma_wait3A_177 : memref<1x10008x64xf32, #tpu.memory_space<hbm>> -> memref<10008x64xf32, #tpu.memory_space<hbm>>
      %dma_wait3A_179 = arith.constant 0 : i32
      %dma_wait3A_180 = arith.constant 0 : i32
      %dma_wait3A_181 = tpu.memref_slice %dma_wait3A_178[%dma_wait3A_179, %dma_wait3A_180] : memref<10008x64xf32, #tpu.memory_space<hbm>> -> memref<10008x64xf32, #tpu.memory_space<hbm>>
      tpu.wait_indirect_dma semaphore(%arg18 : memref<!tpu.dma_semaphore, #tpu.memory_space<semaphore_mem>>) src(%dma_wait3A_181 : memref<10008x64xf32, #tpu.memory_space<hbm>>) dst(%arg12 : memref<125x64xf32, #tpu.memory_space<vmem>>)
      %dma_start3A_182 = arith.constant 0 : i32
      %dma_start3A_183 = tpu.memref_slice %arg8[%add3A_171, %dma_start3A_182] : memref<160x125xi32, #tpu.memory_space<vmem>> -> memref<1x125xi32, #tpu.memory_space<vmem>>
      %dma_start3A_184 = tpu.memref_squeeze %dma_start3A_183 : memref<1x125xi32, #tpu.memory_space<vmem>> -> memref<125xi32, #tpu.memory_space<vmem>>
      %dma_start3A_185 = arith.constant 0 : i32
      %dma_start3A_186 = arith.constant 0 : i32
      %dma_start3A_187 = tpu.memref_slice %arg14[%dma_start3A_185, %dma_start3A_186] : memref<10000x64xf32, #tpu.memory_space<vmem_shared>> -> memref<10000x64xf32, #tpu.memory_space<vmem_shared>>
      tpu.enqueue_indirect_dma source(%arg12 : memref<125x64xf32, #tpu.memory_space<vmem>>) target(%dma_start3A_187 : memref<10000x64xf32, #tpu.memory_space<vmem_shared>>) offsets(%dma_start3A_184 : memref<125xi32, #tpu.memory_space<vmem>>) semaphore(%arg23 : memref<!tpu.dma_semaphore, #tpu.memory_space<semaphore_mem>>) {add = true}
      %mul3A_188 = arith.constant 5 : i32
      %mul3A_189 = arith.muli %mul3A_188, %scan3A_108 : i32
      %add3A_190 = arith.constant 4 : i32
      %add3A_191 = arith.addi %mul3A_189, %add3A_190 : i32
      %dma_wait3A_192 = arith.constant 0 : i32
      %dma_wait3A_193 = tpu.memref_slice %arg7[%add3A_191, %dma_wait3A_192] : memref<160x125xi32, #tpu.memory_space<vmem>> -> memref<1x125xi32, #tpu.memory_space<vmem>>
      %dma_wait3A_194 = tpu.memref_squeeze %dma_wait3A_193 : memref<1x125xi32, #tpu.memory_space<vmem>> -> memref<125xi32, #tpu.memory_space<vmem>>
      %dma_wait3A_195 = arith.constant 0 : i32
      %dma_wait3A_196 = arith.constant 0 : i32
      %dma_wait3A_197 = tpu.memref_slice %arg2[%arg0, %dma_wait3A_195, %dma_wait3A_196] : memref<2x10008x64xf32, #tpu.memory_space<hbm>> -> memref<1x10008x64xf32, #tpu.memory_space<hbm>>
      %dma_wait3A_198 = tpu.memref_squeeze %dma_wait3A_197 : memref<1x10008x64xf32, #tpu.memory_space<hbm>> -> memref<10008x64xf32, #tpu.memory_space<hbm>>
      %dma_wait3A_199 = arith.constant 0 : i32
      %dma_wait3A_200 = arith.constant 0 : i32
      %dma_wait3A_201 = tpu.memref_slice %dma_wait3A_198[%dma_wait3A_199, %dma_wait3A_200] : memref<10008x64xf32, #tpu.memory_space<hbm>> -> memref<10008x64xf32, #tpu.memory_space<hbm>>
      tpu.wait_indirect_dma semaphore(%arg19 : memref<!tpu.dma_semaphore, #tpu.memory_space<semaphore_mem>>) src(%dma_wait3A_201 : memref<10008x64xf32, #tpu.memory_space<hbm>>) dst(%arg13 : memref<125x64xf32, #tpu.memory_space<vmem>>)
      %dma_start3A_202 = arith.constant 0 : i32
      %dma_start3A_203 = tpu.memref_slice %arg8[%add3A_191, %dma_start3A_202] : memref<160x125xi32, #tpu.memory_space<vmem>> -> memref<1x125xi32, #tpu.memory_space<vmem>>
      %dma_start3A_204 = tpu.memref_squeeze %dma_start3A_203 : memref<1x125xi32, #tpu.memory_space<vmem>> -> memref<125xi32, #tpu.memory_space<vmem>>
      %dma_start3A_205 = arith.constant 0 : i32
      %dma_start3A_206 = arith.constant 0 : i32
      %dma_start3A_207 = tpu.memref_slice %arg14[%dma_start3A_205, %dma_start3A_206] : memref<10000x64xf32, #tpu.memory_space<vmem_shared>> -> memref<10000x64xf32, #tpu.memory_space<vmem_shared>>
      tpu.enqueue_indirect_dma source(%arg13 : memref<125x64xf32, #tpu.memory_space<vmem>>) target(%dma_start3A_207 : memref<10000x64xf32, #tpu.memory_space<vmem_shared>>) offsets(%dma_start3A_204 : memref<125xi32, #tpu.memory_space<vmem>>) semaphore(%arg24 : memref<!tpu.dma_semaphore, #tpu.memory_space<semaphore_mem>>) {add = true}
      %mul3A_208 = arith.constant 5 : i32
      %mul3A_209 = arith.muli %mul3A_208, %scan3A_108 : i32
      %add3A_210 = arith.constant 0 : i32
      %add3A_211 = arith.addi %mul3A_209, %add3A_210 : i32
      %add3A_212 = arith.constant 5 : i32
      %add3A_213 = arith.addi %add3A_211, %add3A_212 : i32
      %lt3A = arith.constant 160 : i32
      %lt3A_214 = arith.cmpi slt, %add3A_213, %lt3A : i32
      %convert_element_type3A_215 = arith.extui %lt3A_214 : i1 to i32
      %cond3A_216 = arith.constant 0 : i32
      %cond3A_217 = arith.cmpi ne, %convert_element_type3A_215, %cond3A_216 : i32
      scf.if %cond3A_217 {
        %dma_wait3A_262 = arith.constant 0 : i32
        %dma_wait3A_263 = tpu.memref_slice %arg8[%add3A_211, %dma_wait3A_262] : memref<160x125xi32, #tpu.memory_space<vmem>> -> memref<1x125xi32, #tpu.memory_space<vmem>>
        %dma_wait3A_264 = tpu.memref_squeeze %dma_wait3A_263 : memref<1x125xi32, #tpu.memory_space<vmem>> -> memref<125xi32, #tpu.memory_space<vmem>>
        %dma_wait3A_265 = arith.constant 0 : i32
        %dma_wait3A_266 = arith.constant 0 : i32
        %dma_wait3A_267 = tpu.memref_slice %arg14[%dma_wait3A_265, %dma_wait3A_266] : memref<10000x64xf32, #tpu.memory_space<vmem_shared>> -> memref<10000x64xf32, #tpu.memory_space<vmem_shared>>
        tpu.wait_indirect_dma semaphore(%arg20 : memref<!tpu.dma_semaphore, #tpu.memory_space<semaphore_mem>>) src(%arg9 : memref<125x64xf32, #tpu.memory_space<vmem>>) dst(%dma_wait3A_267 : memref<10000x64xf32, #tpu.memory_space<vmem_shared>>)
        %add3A_268 = arith.constant 5 : i32
        %add3A_269 = arith.addi %add3A_211, %add3A_268 : i32
        %dma_start3A_270 = arith.constant 0 : i32
        %dma_start3A_271 = tpu.memref_slice %arg7[%add3A_269, %dma_start3A_270] : memref<160x125xi32, #tpu.memory_space<vmem>> -> memref<1x125xi32, #tpu.memory_space<vmem>>
        %dma_start3A_272 = tpu.memref_squeeze %dma_start3A_271 : memref<1x125xi32, #tpu.memory_space<vmem>> -> memref<125xi32, #tpu.memory_space<vmem>>
        %dma_start3A_273 = arith.constant 0 : i32
        %dma_start3A_274 = arith.constant 0 : i32
        %dma_start3A_275 = tpu.memref_slice %arg2[%arg0, %dma_start3A_273, %dma_start3A_274] : memref<2x10008x64xf32, #tpu.memory_space<hbm>> -> memref<1x10008x64xf32, #tpu.memory_space<hbm>>
        %dma_start3A_276 = tpu.memref_squeeze %dma_start3A_275 : memref<1x10008x64xf32, #tpu.memory_space<hbm>> -> memref<10008x64xf32, #tpu.memory_space<hbm>>
        %dma_start3A_277 = arith.constant 0 : i32
        %dma_start3A_278 = arith.constant 0 : i32
        %dma_start3A_279 = tpu.memref_slice %dma_start3A_276[%dma_start3A_277, %dma_start3A_278] : memref<10008x64xf32, #tpu.memory_space<hbm>> -> memref<10008x64xf32, #tpu.memory_space<hbm>>
        tpu.enqueue_indirect_dma source(%dma_start3A_279 : memref<10008x64xf32, #tpu.memory_space<hbm>>) target(%arg9 : memref<125x64xf32, #tpu.memory_space<vmem>>) offsets(%dma_start3A_272 : memref<125xi32, #tpu.memory_space<vmem>>) semaphore(%arg15 : memref<!tpu.dma_semaphore, #tpu.memory_space<semaphore_mem>>)
      } else {
      }
      %mul3A_218 = arith.constant 5 : i32
      %mul3A_219 = arith.muli %mul3A_218, %scan3A_108 : i32
      %add3A_220 = arith.constant 1 : i32
      %add3A_221 = arith.addi %mul3A_219, %add3A_220 : i32
      %add3A_222 = arith.constant 5 : i32
      %add3A_223 = arith.addi %add3A_221, %add3A_222 : i32
      %lt3A_224 = arith.constant 160 : i32
      %lt3A_225 = arith.cmpi slt, %add3A_223, %lt3A_224 : i32
      %convert_element_type3A_226 = arith.extui %lt3A_225 : i1 to i32
      %cond3A_227 = arith.constant 0 : i32
      %cond3A_228 = arith.cmpi ne, %convert_element_type3A_226, %cond3A_227 : i32
      scf.if %cond3A_228 {
        %dma_wait3A_262 = arith.constant 0 : i32
        %dma_wait3A_263 = tpu.memref_slice %arg8[%add3A_221, %dma_wait3A_262] : memref<160x125xi32, #tpu.memory_space<vmem>> -> memref<1x125xi32, #tpu.memory_space<vmem>>
        %dma_wait3A_264 = tpu.memref_squeeze %dma_wait3A_263 : memref<1x125xi32, #tpu.memory_space<vmem>> -> memref<125xi32, #tpu.memory_space<vmem>>
        %dma_wait3A_265 = arith.constant 0 : i32
        %dma_wait3A_266 = arith.constant 0 : i32
        %dma_wait3A_267 = tpu.memref_slice %arg14[%dma_wait3A_265, %dma_wait3A_266] : memref<10000x64xf32, #tpu.memory_space<vmem_shared>> -> memref<10000x64xf32, #tpu.memory_space<vmem_shared>>
        tpu.wait_indirect_dma semaphore(%arg21 : memref<!tpu.dma_semaphore, #tpu.memory_space<semaphore_mem>>) src(%arg10 : memref<125x64xf32, #tpu.memory_space<vmem>>) dst(%dma_wait3A_267 : memref<10000x64xf32, #tpu.memory_space<vmem_shared>>)
        %add3A_268 = arith.constant 5 : i32
        %add3A_269 = arith.addi %add3A_221, %add3A_268 : i32
        %dma_start3A_270 = arith.constant 0 : i32
        %dma_start3A_271 = tpu.memref_slice %arg7[%add3A_269, %dma_start3A_270] : memref<160x125xi32, #tpu.memory_space<vmem>> -> memref<1x125xi32, #tpu.memory_space<vmem>>
        %dma_start3A_272 = tpu.memref_squeeze %dma_start3A_271 : memref<1x125xi32, #tpu.memory_space<vmem>> -> memref<125xi32, #tpu.memory_space<vmem>>
        %dma_start3A_273 = arith.constant 0 : i32
        %dma_start3A_274 = arith.constant 0 : i32
        %dma_start3A_275 = tpu.memref_slice %arg2[%arg0, %dma_start3A_273, %dma_start3A_274] : memref<2x10008x64xf32, #tpu.memory_space<hbm>> -> memref<1x10008x64xf32, #tpu.memory_space<hbm>>
        %dma_start3A_276 = tpu.memref_squeeze %dma_start3A_275 : memref<1x10008x64xf32, #tpu.memory_space<hbm>> -> memref<10008x64xf32, #tpu.memory_space<hbm>>
        %dma_start3A_277 = arith.constant 0 : i32
        %dma_start3A_278 = arith.constant 0 : i32
        %dma_start3A_279 = tpu.memref_slice %dma_start3A_276[%dma_start3A_277, %dma_start3A_278] : memref<10008x64xf32, #tpu.memory_space<hbm>> -> memref<10008x64xf32, #tpu.memory_space<hbm>>
        tpu.enqueue_indirect_dma source(%dma_start3A_279 : memref<10008x64xf32, #tpu.memory_space<hbm>>) target(%arg10 : memref<125x64xf32, #tpu.memory_space<vmem>>) offsets(%dma_start3A_272 : memref<125xi32, #tpu.memory_space<vmem>>) semaphore(%arg16 : memref<!tpu.dma_semaphore, #tpu.memory_space<semaphore_mem>>)
      } else {
      }
      %mul3A_229 = arith.constant 5 : i32
      %mul3A_230 = arith.muli %mul3A_229, %scan3A_108 : i32
      %add3A_231 = arith.constant 2 : i32
      %add3A_232 = arith.addi %mul3A_230, %add3A_231 : i32
      %add3A_233 = arith.constant 5 : i32
      %add3A_234 = arith.addi %add3A_232, %add3A_233 : i32
      %lt3A_235 = arith.constant 160 : i32
      %lt3A_236 = arith.cmpi slt, %add3A_234, %lt3A_235 : i32
      %convert_element_type3A_237 = arith.extui %lt3A_236 : i1 to i32
      %cond3A_238 = arith.constant 0 : i32
      %cond3A_239 = arith.cmpi ne, %convert_element_type3A_237, %cond3A_238 : i32
      scf.if %cond3A_239 {
        %dma_wait3A_262 = arith.constant 0 : i32
        %dma_wait3A_263 = tpu.memref_slice %arg8[%add3A_232, %dma_wait3A_262] : memref<160x125xi32, #tpu.memory_space<vmem>> -> memref<1x125xi32, #tpu.memory_space<vmem>>
        %dma_wait3A_264 = tpu.memref_squeeze %dma_wait3A_263 : memref<1x125xi32, #tpu.memory_space<vmem>> -> memref<125xi32, #tpu.memory_space<vmem>>
        %dma_wait3A_265 = arith.constant 0 : i32
        %dma_wait3A_266 = arith.constant 0 : i32
        %dma_wait3A_267 = tpu.memref_slice %arg14[%dma_wait3A_265, %dma_wait3A_266] : memref<10000x64xf32, #tpu.memory_space<vmem_shared>> -> memref<10000x64xf32, #tpu.memory_space<vmem_shared>>
        tpu.wait_indirect_dma semaphore(%arg22 : memref<!tpu.dma_semaphore, #tpu.memory_space<semaphore_mem>>) src(%arg11 : memref<125x64xf32, #tpu.memory_space<vmem>>) dst(%dma_wait3A_267 : memref<10000x64xf32, #tpu.memory_space<vmem_shared>>)
        %add3A_268 = arith.constant 5 : i32
        %add3A_269 = arith.addi %add3A_232, %add3A_268 : i32
        %dma_start3A_270 = arith.constant 0 : i32
        %dma_start3A_271 = tpu.memref_slice %arg7[%add3A_269, %dma_start3A_270] : memref<160x125xi32, #tpu.memory_space<vmem>> -> memref<1x125xi32, #tpu.memory_space<vmem>>
        %dma_start3A_272 = tpu.memref_squeeze %dma_start3A_271 : memref<1x125xi32, #tpu.memory_space<vmem>> -> memref<125xi32, #tpu.memory_space<vmem>>
        %dma_start3A_273 = arith.constant 0 : i32
        %dma_start3A_274 = arith.constant 0 : i32
        %dma_start3A_275 = tpu.memref_slice %arg2[%arg0, %dma_start3A_273, %dma_start3A_274] : memref<2x10008x64xf32, #tpu.memory_space<hbm>> -> memref<1x10008x64xf32, #tpu.memory_space<hbm>>
        %dma_start3A_276 = tpu.memref_squeeze %dma_start3A_275 : memref<1x10008x64xf32, #tpu.memory_space<hbm>> -> memref<10008x64xf32, #tpu.memory_space<hbm>>
        %dma_start3A_277 = arith.constant 0 : i32
        %dma_start3A_278 = arith.constant 0 : i32
        %dma_start3A_279 = tpu.memref_slice %dma_start3A_276[%dma_start3A_277, %dma_start3A_278] : memref<10008x64xf32, #tpu.memory_space<hbm>> -> memref<10008x64xf32, #tpu.memory_space<hbm>>
        tpu.enqueue_indirect_dma source(%dma_start3A_279 : memref<10008x64xf32, #tpu.memory_space<hbm>>) target(%arg11 : memref<125x64xf32, #tpu.memory_space<vmem>>) offsets(%dma_start3A_272 : memref<125xi32, #tpu.memory_space<vmem>>) semaphore(%arg17 : memref<!tpu.dma_semaphore, #tpu.memory_space<semaphore_mem>>)
      } else {
      }
      %mul3A_240 = arith.constant 5 : i32
      %mul3A_241 = arith.muli %mul3A_240, %scan3A_108 : i32
      %add3A_242 = arith.constant 3 : i32
      %add3A_243 = arith.addi %mul3A_241, %add3A_242 : i32
      %add3A_244 = arith.constant 5 : i32
      %add3A_245 = arith.addi %add3A_243, %add3A_244 : i32
      %lt3A_246 = arith.constant 160 : i32
      %lt3A_247 = arith.cmpi slt, %add3A_245, %lt3A_246 : i32
      %convert_element_type3A_248 = arith.extui %lt3A_247 : i1 to i32
      %cond3A_249 = arith.constant 0 : i32
      %cond3A_250 = arith.cmpi ne, %convert_element_type3A_248, %cond3A_249 : i32
      scf.if %cond3A_250 {
        %dma_wait3A_262 = arith.constant 0 : i32
        %dma_wait3A_263 = tpu.memref_slice %arg8[%add3A_243, %dma_wait3A_262] : memref<160x125xi32, #tpu.memory_space<vmem>> -> memref<1x125xi32, #tpu.memory_space<vmem>>
        %dma_wait3A_264 = tpu.memref_squeeze %dma_wait3A_263 : memref<1x125xi32, #tpu.memory_space<vmem>> -> memref<125xi32, #tpu.memory_space<vmem>>
        %dma_wait3A_265 = arith.constant 0 : i32
        %dma_wait3A_266 = arith.constant 0 : i32
        %dma_wait3A_267 = tpu.memref_slice %arg14[%dma_wait3A_265, %dma_wait3A_266] : memref<10000x64xf32, #tpu.memory_space<vmem_shared>> -> memref<10000x64xf32, #tpu.memory_space<vmem_shared>>
        tpu.wait_indirect_dma semaphore(%arg23 : memref<!tpu.dma_semaphore, #tpu.memory_space<semaphore_mem>>) src(%arg12 : memref<125x64xf32, #tpu.memory_space<vmem>>) dst(%dma_wait3A_267 : memref<10000x64xf32, #tpu.memory_space<vmem_shared>>)
        %add3A_268 = arith.constant 5 : i32
        %add3A_269 = arith.addi %add3A_243, %add3A_268 : i32
        %dma_start3A_270 = arith.constant 0 : i32
        %dma_start3A_271 = tpu.memref_slice %arg7[%add3A_269, %dma_start3A_270] : memref<160x125xi32, #tpu.memory_space<vmem>> -> memref<1x125xi32, #tpu.memory_space<vmem>>
        %dma_start3A_272 = tpu.memref_squeeze %dma_start3A_271 : memref<1x125xi32, #tpu.memory_space<vmem>> -> memref<125xi32, #tpu.memory_space<vmem>>
        %dma_start3A_273 = arith.constant 0 : i32
        %dma_start3A_274 = arith.constant 0 : i32
        %dma_start3A_275 = tpu.memref_slice %arg2[%arg0, %dma_start3A_273, %dma_start3A_274] : memref<2x10008x64xf32, #tpu.memory_space<hbm>> -> memref<1x10008x64xf32, #tpu.memory_space<hbm>>
        %dma_start3A_276 = tpu.memref_squeeze %dma_start3A_275 : memref<1x10008x64xf32, #tpu.memory_space<hbm>> -> memref<10008x64xf32, #tpu.memory_space<hbm>>
        %dma_start3A_277 = arith.constant 0 : i32
        %dma_start3A_278 = arith.constant 0 : i32
        %dma_start3A_279 = tpu.memref_slice %dma_start3A_276[%dma_start3A_277, %dma_start3A_278] : memref<10008x64xf32, #tpu.memory_space<hbm>> -> memref<10008x64xf32, #tpu.memory_space<hbm>>
        tpu.enqueue_indirect_dma source(%dma_start3A_279 : memref<10008x64xf32, #tpu.memory_space<hbm>>) target(%arg12 : memref<125x64xf32, #tpu.memory_space<vmem>>) offsets(%dma_start3A_272 : memref<125xi32, #tpu.memory_space<vmem>>) semaphore(%arg18 : memref<!tpu.dma_semaphore, #tpu.memory_space<semaphore_mem>>)
      } else {
      }
      %mul3A_251 = arith.constant 5 : i32
      %mul3A_252 = arith.muli %mul3A_251, %scan3A_108 : i32
      %add3A_253 = arith.constant 4 : i32
      %add3A_254 = arith.addi %mul3A_252, %add3A_253 : i32
      %add3A_255 = arith.constant 5 : i32
      %add3A_256 = arith.addi %add3A_254, %add3A_255 : i32
      %lt3A_257 = arith.constant 160 : i32
      %lt3A_258 = arith.cmpi slt, %add3A_256, %lt3A_257 : i32
      %convert_element_type3A_259 = arith.extui %lt3A_258 : i1 to i32
      %cond3A_260 = arith.constant 0 : i32
      %cond3A_261 = arith.cmpi ne, %convert_element_type3A_259, %cond3A_260 : i32
      scf.if %cond3A_261 {
        %dma_wait3A_262 = arith.constant 0 : i32
        %dma_wait3A_263 = tpu.memref_slice %arg8[%add3A_254, %dma_wait3A_262] : memref<160x125xi32, #tpu.memory_space<vmem>> -> memref<1x125xi32, #tpu.memory_space<vmem>>
        %dma_wait3A_264 = tpu.memref_squeeze %dma_wait3A_263 : memref<1x125xi32, #tpu.memory_space<vmem>> -> memref<125xi32, #tpu.memory_space<vmem>>
        %dma_wait3A_265 = arith.constant 0 : i32
        %dma_wait3A_266 = arith.constant 0 : i32
        %dma_wait3A_267 = tpu.memref_slice %arg14[%dma_wait3A_265, %dma_wait3A_266] : memref<10000x64xf32, #tpu.memory_space<vmem_shared>> -> memref<10000x64xf32, #tpu.memory_space<vmem_shared>>
        tpu.wait_indirect_dma semaphore(%arg24 : memref<!tpu.dma_semaphore, #tpu.memory_space<semaphore_mem>>) src(%arg13 : memref<125x64xf32, #tpu.memory_space<vmem>>) dst(%dma_wait3A_267 : memref<10000x64xf32, #tpu.memory_space<vmem_shared>>)
        %add3A_268 = arith.constant 5 : i32
        %add3A_269 = arith.addi %add3A_254, %add3A_268 : i32
        %dma_start3A_270 = arith.constant 0 : i32
        %dma_start3A_271 = tpu.memref_slice %arg7[%add3A_269, %dma_start3A_270] : memref<160x125xi32, #tpu.memory_space<vmem>> -> memref<1x125xi32, #tpu.memory_space<vmem>>
        %dma_start3A_272 = tpu.memref_squeeze %dma_start3A_271 : memref<1x125xi32, #tpu.memory_space<vmem>> -> memref<125xi32, #tpu.memory_space<vmem>>
        %dma_start3A_273 = arith.constant 0 : i32
        %dma_start3A_274 = arith.constant 0 : i32
        %dma_start3A_275 = tpu.memref_slice %arg2[%arg0, %dma_start3A_273, %dma_start3A_274] : memref<2x10008x64xf32, #tpu.memory_space<hbm>> -> memref<1x10008x64xf32, #tpu.memory_space<hbm>>
        %dma_start3A_276 = tpu.memref_squeeze %dma_start3A_275 : memref<1x10008x64xf32, #tpu.memory_space<hbm>> -> memref<10008x64xf32, #tpu.memory_space<hbm>>
        %dma_start3A_277 = arith.constant 0 : i32
        %dma_start3A_278 = arith.constant 0 : i32
        %dma_start3A_279 = tpu.memref_slice %dma_start3A_276[%dma_start3A_277, %dma_start3A_278] : memref<10008x64xf32, #tpu.memory_space<hbm>> -> memref<10008x64xf32, #tpu.memory_space<hbm>>
        tpu.enqueue_indirect_dma source(%dma_start3A_279 : memref<10008x64xf32, #tpu.memory_space<hbm>>) target(%arg13 : memref<125x64xf32, #tpu.memory_space<vmem>>) offsets(%dma_start3A_272 : memref<125xi32, #tpu.memory_space<vmem>>) semaphore(%arg19 : memref<!tpu.dma_semaphore, #tpu.memory_space<semaphore_mem>>)
      } else {
      }
    }
    %scan3A_63 = arith.constant 32 : i32
    %dma_wait3A = arith.constant 155 : i32
    %dma_wait3A_64 = arith.constant 0 : i32
    %dma_wait3A_65 = tpu.memref_slice %arg8[%dma_wait3A, %dma_wait3A_64] : memref<160x125xi32, #tpu.memory_space<vmem>> -> memref<1x125xi32, #tpu.memory_space<vmem>>
    %dma_wait3A_66 = tpu.memref_squeeze %dma_wait3A_65 : memref<1x125xi32, #tpu.memory_space<vmem>> -> memref<125xi32, #tpu.memory_space<vmem>>
    %dma_wait3A_67 = arith.constant 0 : i32
    %dma_wait3A_68 = arith.constant 0 : i32
    %dma_wait3A_69 = tpu.memref_slice %arg14[%dma_wait3A_67, %dma_wait3A_68] : memref<10000x64xf32, #tpu.memory_space<vmem_shared>> -> memref<10000x64xf32, #tpu.memory_space<vmem_shared>>
    tpu.wait_indirect_dma semaphore(%arg20 : memref<!tpu.dma_semaphore, #tpu.memory_space<semaphore_mem>>) src(%arg9 : memref<125x64xf32, #tpu.memory_space<vmem>>) dst(%dma_wait3A_69 : memref<10000x64xf32, #tpu.memory_space<vmem_shared>>)
    %dma_wait3A_70 = arith.constant 156 : i32
    %dma_wait3A_71 = arith.constant 0 : i32
    %dma_wait3A_72 = tpu.memref_slice %arg8[%dma_wait3A_70, %dma_wait3A_71] : memref<160x125xi32, #tpu.memory_space<vmem>> -> memref<1x125xi32, #tpu.memory_space<vmem>>
    %dma_wait3A_73 = tpu.memref_squeeze %dma_wait3A_72 : memref<1x125xi32, #tpu.memory_space<vmem>> -> memref<125xi32, #tpu.memory_space<vmem>>
    %dma_wait3A_74 = arith.constant 0 : i32
    %dma_wait3A_75 = arith.constant 0 : i32
    %dma_wait3A_76 = tpu.memref_slice %arg14[%dma_wait3A_74, %dma_wait3A_75] : memref<10000x64xf32, #tpu.memory_space<vmem_shared>> -> memref<10000x64xf32, #tpu.memory_space<vmem_shared>>
    tpu.wait_indirect_dma semaphore(%arg21 : memref<!tpu.dma_semaphore, #tpu.memory_space<semaphore_mem>>) src(%arg10 : memref<125x64xf32, #tpu.memory_space<vmem>>) dst(%dma_wait3A_76 : memref<10000x64xf32, #tpu.memory_space<vmem_shared>>)
    %dma_wait3A_77 = arith.constant 157 : i32
    %dma_wait3A_78 = arith.constant 0 : i32
    %dma_wait3A_79 = tpu.memref_slice %arg8[%dma_wait3A_77, %dma_wait3A_78] : memref<160x125xi32, #tpu.memory_space<vmem>> -> memref<1x125xi32, #tpu.memory_space<vmem>>
    %dma_wait3A_80 = tpu.memref_squeeze %dma_wait3A_79 : memref<1x125xi32, #tpu.memory_space<vmem>> -> memref<125xi32, #tpu.memory_space<vmem>>
    %dma_wait3A_81 = arith.constant 0 : i32
    %dma_wait3A_82 = arith.constant 0 : i32
    %dma_wait3A_83 = tpu.memref_slice %arg14[%dma_wait3A_81, %dma_wait3A_82] : memref<10000x64xf32, #tpu.memory_space<vmem_shared>> -> memref<10000x64xf32, #tpu.memory_space<vmem_shared>>
    tpu.wait_indirect_dma semaphore(%arg22 : memref<!tpu.dma_semaphore, #tpu.memory_space<semaphore_mem>>) src(%arg11 : memref<125x64xf32, #tpu.memory_space<vmem>>) dst(%dma_wait3A_83 : memref<10000x64xf32, #tpu.memory_space<vmem_shared>>)
    %dma_wait3A_84 = arith.constant 158 : i32
    %dma_wait3A_85 = arith.constant 0 : i32
    %dma_wait3A_86 = tpu.memref_slice %arg8[%dma_wait3A_84, %dma_wait3A_85] : memref<160x125xi32, #tpu.memory_space<vmem>> -> memref<1x125xi32, #tpu.memory_space<vmem>>
    %dma_wait3A_87 = tpu.memref_squeeze %dma_wait3A_86 : memref<1x125xi32, #tpu.memory_space<vmem>> -> memref<125xi32, #tpu.memory_space<vmem>>
    %dma_wait3A_88 = arith.constant 0 : i32
    %dma_wait3A_89 = arith.constant 0 : i32
    %dma_wait3A_90 = tpu.memref_slice %arg14[%dma_wait3A_88, %dma_wait3A_89] : memref<10000x64xf32, #tpu.memory_space<vmem_shared>> -> memref<10000x64xf32, #tpu.memory_space<vmem_shared>>
    tpu.wait_indirect_dma semaphore(%arg23 : memref<!tpu.dma_semaphore, #tpu.memory_space<semaphore_mem>>) src(%arg12 : memref<125x64xf32, #tpu.memory_space<vmem>>) dst(%dma_wait3A_90 : memref<10000x64xf32, #tpu.memory_space<vmem_shared>>)
    %dma_wait3A_91 = arith.constant 159 : i32
    %dma_wait3A_92 = arith.constant 0 : i32
    %dma_wait3A_93 = tpu.memref_slice %arg8[%dma_wait3A_91, %dma_wait3A_92] : memref<160x125xi32, #tpu.memory_space<vmem>> -> memref<1x125xi32, #tpu.memory_space<vmem>>
    %dma_wait3A_94 = tpu.memref_squeeze %dma_wait3A_93 : memref<1x125xi32, #tpu.memory_space<vmem>> -> memref<125xi32, #tpu.memory_space<vmem>>
    %dma_wait3A_95 = arith.constant 0 : i32
    %dma_wait3A_96 = arith.constant 0 : i32
    %dma_wait3A_97 = tpu.memref_slice %arg14[%dma_wait3A_95, %dma_wait3A_96] : memref<10000x64xf32, #tpu.memory_space<vmem_shared>> -> memref<10000x64xf32, #tpu.memory_space<vmem_shared>>
    tpu.wait_indirect_dma semaphore(%arg24 : memref<!tpu.dma_semaphore, #tpu.memory_space<semaphore_mem>>) src(%arg13 : memref<125x64xf32, #tpu.memory_space<vmem>>) dst(%dma_wait3A_97 : memref<10000x64xf32, #tpu.memory_space<vmem_shared>>)
    %barrier3A_98 = arith.constant 0 : index
    tpu.barrier barrier_id(%barrier3A_98)
    %mul3A_99 = arith.constant 624 : i32
    %mul3A_100 = arith.muli %arg1, %mul3A_99 : i32
    %mul3A_101 = arith.constant 624 : i32
    %mul3A_102 = arith.muli %arg1, %mul3A_101 : i32
    "tpu.region"() ({
      %run_scoped3A = tpu.sem_alloc : memref<!tpu.dma_semaphore, #tpu.memory_space<semaphore_mem>>
      %dma_start3A_108 = arith.constant 0 : i32
      %dma_start3A_109 = tpu.memref_slice %arg6[%arg0, %mul3A_102, %dma_start3A_108] : memref<2x10000x64xf32, #tpu.memory_space<hbm>> -> memref<1x624x64xf32, #tpu.memory_space<hbm>>
      %dma_start3A_110 = tpu.memref_squeeze %dma_start3A_109 : memref<1x624x64xf32, #tpu.memory_space<hbm>> -> memref<624x64xf32, #tpu.memory_space<hbm>>
      %dma_start3A_111 = arith.constant 0 : i32
      %dma_start3A_112 = tpu.memref_slice %arg14[%mul3A_100, %dma_start3A_111] : memref<10000x64xf32, #tpu.memory_space<vmem_shared>> -> memref<624x64xf32, #tpu.memory_space<vmem_shared>>
      tpu.enqueue_dma source(%dma_start3A_112 : memref<624x64xf32, #tpu.memory_space<vmem_shared>>) target(%dma_start3A_110 : memref<624x64xf32, #tpu.memory_space<hbm>>) target_semaphore(%run_scoped3A : memref<!tpu.dma_semaphore, #tpu.memory_space<semaphore_mem>>)
      %dma_wait3A_113 = arith.constant 0 : i32
      %dma_wait3A_114 = tpu.memref_slice %arg6[%arg0, %mul3A_102, %dma_wait3A_113] : memref<2x10000x64xf32, #tpu.memory_space<hbm>> -> memref<1x624x64xf32, #tpu.memory_space<hbm>>
      %dma_wait3A_115 = tpu.memref_squeeze %dma_wait3A_114 : memref<1x624x64xf32, #tpu.memory_space<hbm>> -> memref<624x64xf32, #tpu.memory_space<hbm>>
      %dma_wait3A_116 = arith.constant 0 : i32
      %dma_wait3A_117 = tpu.memref_slice %arg14[%mul3A_100, %dma_wait3A_116] : memref<10000x64xf32, #tpu.memory_space<vmem_shared>> -> memref<624x64xf32, #tpu.memory_space<vmem_shared>>
      tpu.wait_dma2 semaphore(%run_scoped3A : memref<!tpu.dma_semaphore, #tpu.memory_space<semaphore_mem>>) src(%dma_wait3A_117 : memref<624x64xf32, #tpu.memory_space<vmem_shared>>) dst(%dma_wait3A_115 : memref<624x64xf32, #tpu.memory_space<hbm>>)
      tpu.yield
    }) : () -> ()
    %eq3A_103 = arith.constant 0 : i32
    %eq3A_104 = arith.cmpi eq, %arg1, %eq3A_103 : i32
    %convert_element_type3A_105 = arith.extui %eq3A_104 : i1 to i32
    %cond3A_106 = arith.constant 0 : i32
    %cond3A_107 = arith.cmpi ne, %convert_element_type3A_105, %cond3A_106 : i32
    scf.if %cond3A_107 {
      "tpu.region"() ({
        %run_scoped3A = tpu.sem_alloc : memref<!tpu.dma_semaphore, #tpu.memory_space<semaphore_mem>>
        %dma_start3A_108 = arith.constant 9984 : i32
        %dma_start3A_109 = arith.constant 0 : i32
        %dma_start3A_110 = tpu.memref_slice %arg6[%arg0, %dma_start3A_108, %dma_start3A_109] : memref<2x10000x64xf32, #tpu.memory_space<hbm>> -> memref<1x16x64xf32, #tpu.memory_space<hbm>>
        %dma_start3A_111 = tpu.memref_squeeze %dma_start3A_110 : memref<1x16x64xf32, #tpu.memory_space<hbm>> -> memref<16x64xf32, #tpu.memory_space<hbm>>
        %dma_start3A_112 = arith.constant 9984 : i32
        %dma_start3A_113 = arith.constant 0 : i32
        %dma_start3A_114 = tpu.memref_slice %arg14[%dma_start3A_112, %dma_start3A_113] : memref<10000x64xf32, #tpu.memory_space<vmem_shared>> -> memref<16x64xf32, #tpu.memory_space<vmem_shared>>
        tpu.enqueue_dma source(%dma_start3A_114 : memref<16x64xf32, #tpu.memory_space<vmem_shared>>) target(%dma_start3A_111 : memref<16x64xf32, #tpu.memory_space<hbm>>) target_semaphore(%run_scoped3A : memref<!tpu.dma_semaphore, #tpu.memory_space<semaphore_mem>>)
        %dma_wait3A_115 = arith.constant 9984 : i32
        %dma_wait3A_116 = arith.constant 0 : i32
        %dma_wait3A_117 = tpu.memref_slice %arg6[%arg0, %dma_wait3A_115, %dma_wait3A_116] : memref<2x10000x64xf32, #tpu.memory_space<hbm>> -> memref<1x16x64xf32, #tpu.memory_space<hbm>>
        %dma_wait3A_118 = tpu.memref_squeeze %dma_wait3A_117 : memref<1x16x64xf32, #tpu.memory_space<hbm>> -> memref<16x64xf32, #tpu.memory_space<hbm>>
        %dma_wait3A_119 = arith.constant 9984 : i32
        %dma_wait3A_120 = arith.constant 0 : i32
        %dma_wait3A_121 = tpu.memref_slice %arg14[%dma_wait3A_119, %dma_wait3A_120] : memref<10000x64xf32, #tpu.memory_space<vmem_shared>> -> memref<16x64xf32, #tpu.memory_space<vmem_shared>>
        tpu.wait_dma2 semaphore(%run_scoped3A : memref<!tpu.dma_semaphore, #tpu.memory_space<semaphore_mem>>) src(%dma_wait3A_121 : memref<16x64xf32, #tpu.memory_space<vmem_shared>>) dst(%dma_wait3A_118 : memref<16x64xf32, #tpu.memory_space<hbm>>)
        tpu.yield
      }) : () -> ()
    } else {
    }
    return
  }
}

module attributes {stable_mosaic.version = 14 : i64} {
  func.func @_radj_body(%arg0: memref<2500x128xi32, #tpu.memory_space<vmem>>, %arg1: memref<2500x128xi32, #tpu.memory_space<vmem>>, %arg2: memref<2500x128xi32, #tpu.memory_space<vmem>>) attributes {dimension_semantics = [], scalar_prefetch = 0 : i64, scratch_operands = 0 : i64, tpu.core_type = #tpu.core_type<tc>} {
    %get3A = arith.constant 0 : index
    %get3A_0 = arith.constant 0 : index
    %get3A_1 = vector.load %arg0[%get3A, %get3A_0] : memref<2500x128xi32, #tpu.memory_space<vmem>>, vector<2500x128xi32>
    %get3A_2 = arith.constant 0 : index
    %get3A_3 = arith.constant 0 : index
    %get3A_4 = vector.load %arg1[%get3A_2, %get3A_3] : memref<2500x128xi32, #tpu.memory_space<vmem>>, vector<2500x128xi32>
    %eq3A = arith.cmpi eq, %get3A_1, %get3A_4 : vector<2500x128xi32>
    %jit3A = arith.constant 10000 : i32
    %broadcast_in_dim3A = vector.broadcast %jit3A : i32 to vector<2500x128xi32>
    %select_n3A = arith.select %eq3A, %broadcast_in_dim3A, %get3A_1 : vector<2500x128xi1>, vector<2500x128xi32>
    %swap3A = arith.constant 0 : index
    %swap3A_5 = arith.constant 0 : index
    %swap3A_6 = vector.load %arg2[%swap3A, %swap3A_5] : memref<2500x128xi32, #tpu.memory_space<vmem>>, vector<2500x128xi32>
    tpu.vector_store %arg2[%swap3A, %swap3A_5], %select_n3A {strides = array<i32>} : memref<2500x128xi32, #tpu.memory_space<vmem>>, vector<2500x128xi32>,
    return
  }
}

module attributes {stable_mosaic.version = 14 : i64} {
  func.func @_scale_body(%arg0: memref<32x10000xf32, #tpu.memory_space<vmem>>, %arg1: memref<10000x128xf32, #tpu.memory_space<vmem>>, %arg2: memref<2x10008x64xf32, #tpu.memory_space<vmem>>, %arg3: memref<10000x1xf32, #tpu.memory_space<vmem>>, %arg4: memref<10000x1xf32, #tpu.memory_space<vmem>>, %arg5: memref<10000x1xf32, #tpu.memory_space<vmem>>) attributes {dimension_semantics = [], scalar_prefetch = 0 : i64, scratch_operands = 0 : i64, tpu.core_type = #tpu.core_type<tc>} {
    %get3A = arith.constant 0 : index
    %get3A_0 = arith.constant 0 : index
    %get3A_1 = vector.load %arg0[%get3A, %get3A_0] : memref<32x10000xf32, #tpu.memory_space<vmem>>, vector<32x10000xf32>
    %reduce_sum3A = arith.constant dense<0.000000e+00> : vector<10000xf32>
    %reduce_sum3A_2 = vector.multi_reduction <add>, %get3A_1, %reduce_sum3A [0] : vector<32x10000xf32> to vector<10000xf32>
    %gt3A = arith.constant 0.000000e+00 : f32
    %gt3A_3 = vector.broadcast %gt3A : f32 to vector<10000xf32>
    %gt3A_4 = arith.cmpf ogt, %reduce_sum3A_2, %gt3A_3 : vector<10000xf32>
    %rsqrt3A = math.rsqrt %reduce_sum3A_2 : vector<10000xf32>
    %jit3A = arith.constant 0.000000e+00 : f32
    %broadcast_in_dim3A = vector.broadcast %jit3A : f32 to vector<10000xf32>
    %select_n3A = arith.select %gt3A_4, %rsqrt3A, %broadcast_in_dim3A : vector<10000xi1>, vector<10000xf32>
    %broadcast_in_dim3A_5 = vector.shape_cast %select_n3A : vector<10000xf32> to vector<10000x1xf32>
    %swap3A = arith.constant 0 : index
    %swap3A_6 = arith.constant 0 : index
    %swap3A_7 = vector.load %arg3[%swap3A, %swap3A_6] : memref<10000x1xf32, #tpu.memory_space<vmem>>, vector<10000x1xf32>
    tpu.vector_store %arg3[%swap3A, %swap3A_6], %broadcast_in_dim3A_5 {strides = array<i32>} : memref<10000x1xf32, #tpu.memory_space<vmem>>, vector<10000x1xf32>,
    %mul3A = arith.mulf %select_n3A, %select_n3A : vector<10000xf32>
    %broadcast_in_dim3A_8 = vector.shape_cast %mul3A : vector<10000xf32> to vector<10000x1xf32>
    %neg3A = arith.constant 0.000000e+00 : f32
    %neg3A_9 = vector.broadcast %neg3A : f32 to vector<10000x1xf32>
    %neg3A_10 = arith.subf %neg3A_9, %broadcast_in_dim3A_8 : vector<10000x1xf32>
    %swap3A_11 = arith.constant 0 : index
    %swap3A_12 = arith.constant 0 : index
    %swap3A_13 = vector.load %arg4[%swap3A_11, %swap3A_12] : memref<10000x1xf32, #tpu.memory_space<vmem>>, vector<10000x1xf32>
    tpu.vector_store %arg4[%swap3A_11, %swap3A_12], %neg3A_10 {strides = array<i32>} : memref<10000x1xf32, #tpu.memory_space<vmem>>, vector<10000x1xf32>,
    %sqrt3A = math.sqrt %reduce_sum3A_2 : vector<10000xf32>
    %broadcast_in_dim3A_14 = vector.shape_cast %sqrt3A : vector<10000xf32> to vector<10000x1xf32>
    %swap3A_15 = arith.constant 0 : index
    %swap3A_16 = arith.constant 0 : index
    %swap3A_17 = vector.load %arg5[%swap3A_15, %swap3A_16] : memref<10000x1xf32, #tpu.memory_space<vmem>>, vector<10000x1xf32>
    tpu.vector_store %arg5[%swap3A_15, %swap3A_16], %broadcast_in_dim3A_14 {strides = array<i32>} : memref<10000x1xf32, #tpu.memory_space<vmem>>, vector<10000x1xf32>,
    %get3A_18 = arith.constant 0 : index
    %get3A_19 = arith.constant 0 : index
    %get3A_20 = vector.load %arg1[%get3A_18, %get3A_19] : memref<10000x128xf32, #tpu.memory_space<vmem>>, vector<10000x128xf32>
    %broadcast_in_dim3A_21 = vector.shape_cast %select_n3A : vector<10000xf32> to vector<10000x1xf32>
    %mul3A_22 = vector.broadcast %broadcast_in_dim3A_21 : vector<10000x1xf32> to vector<10000x128xf32>
    %mul3A_23 = arith.mulf %get3A_20, %mul3A_22 : vector<10000x128xf32>
    %slice3A = vector.extract_strided_slice %mul3A_23 {offsets = [0, 0], sizes = [10000, 64], strides = [1, 1]} : vector<10000x128xf32> to vector<10000x64xf32>
    %swap3A_24 = arith.constant 0 : index
    %swap3A_25 = arith.constant 0 : index
    %swap3A_26 = arith.constant 0 : index
    %swap3A_27 = vector.load %arg2[%swap3A_24, %swap3A_25, %swap3A_26] : memref<2x10008x64xf32, #tpu.memory_space<vmem>>, vector<1x10000x64xf32>
    %swap3A_28 = vector.shape_cast %swap3A_27 : vector<1x10000x64xf32> to vector<10000x64xf32>
    %swap3A_29 = vector.shape_cast %slice3A : vector<10000x64xf32> to vector<1x10000x64xf32>
    tpu.vector_store %arg2[%swap3A_24, %swap3A_25, %swap3A_26], %swap3A_29 {strides = array<i32>} : memref<2x10008x64xf32, #tpu.memory_space<vmem>>, vector<1x10000x64xf32>,
    %slice3A_30 = vector.extract_strided_slice %mul3A_23 {offsets = [0, 64], sizes = [10000, 64], strides = [1, 1]} : vector<10000x128xf32> to vector<10000x64xf32>
    %swap3A_31 = arith.constant 1 : index
    %swap3A_32 = arith.constant 0 : index
    %swap3A_33 = arith.constant 0 : index
    %swap3A_34 = vector.load %arg2[%swap3A_31, %swap3A_32, %swap3A_33] : memref<2x10008x64xf32, #tpu.memory_space<vmem>>, vector<1x10000x64xf32>
    %swap3A_35 = vector.shape_cast %swap3A_34 : vector<1x10000x64xf32> to vector<10000x64xf32>
    %swap3A_36 = vector.shape_cast %slice3A_30 : vector<10000x64xf32> to vector<1x10000x64xf32>
    tpu.vector_store %arg2[%swap3A_31, %swap3A_32, %swap3A_33], %swap3A_36 {strides = array<i32>} : memref<2x10008x64xf32, #tpu.memory_space<vmem>>, vector<1x10000x64xf32>,
    %broadcast_in_dim3A_37 = arith.constant 0.000000e+00 : f32
    %broadcast_in_dim3A_38 = vector.broadcast %broadcast_in_dim3A_37 : f32 to vector<8x64xf32>
    %swap3A_39 = arith.constant 0 : index
    %swap3A_40 = arith.constant 10000 : index
    %swap3A_41 = arith.constant 0 : index
    %swap3A_42 = vector.load %arg2[%swap3A_39, %swap3A_40, %swap3A_41] : memref<2x10008x64xf32, #tpu.memory_space<vmem>>, vector<1x8x64xf32>
    %swap3A_43 = vector.shape_cast %swap3A_42 : vector<1x8x64xf32> to vector<8x64xf32>
    %swap3A_44 = vector.shape_cast %broadcast_in_dim3A_38 : vector<8x64xf32> to vector<1x8x64xf32>
    tpu.vector_store %arg2[%swap3A_39, %swap3A_40, %swap3A_41], %swap3A_44 {strides = array<i32>} : memref<2x10008x64xf32, #tpu.memory_space<vmem>>, vector<1x8x64xf32>,
    %broadcast_in_dim3A_45 = arith.constant 0.000000e+00 : f32
    %broadcast_in_dim3A_46 = vector.broadcast %broadcast_in_dim3A_45 : f32 to vector<8x64xf32>
    %swap3A_47 = arith.constant 1 : index
    %swap3A_48 = arith.constant 10000 : index
    %swap3A_49 = arith.constant 0 : index
    %swap3A_50 = vector.load %arg2[%swap3A_47, %swap3A_48, %swap3A_49] : memref<2x10008x64xf32, #tpu.memory_space<vmem>>, vector<1x8x64xf32>
    %swap3A_51 = vector.shape_cast %swap3A_50 : vector<1x8x64xf32> to vector<8x64xf32>
    %swap3A_52 = vector.shape_cast %broadcast_in_dim3A_46 : vector<8x64xf32> to vector<1x8x64xf32>
    tpu.vector_store %arg2[%swap3A_47, %swap3A_48, %swap3A_49], %swap3A_52 {strides = array<i32>} : memref<2x10008x64xf32, #tpu.memory_space<vmem>>, vector<1x8x64xf32>,
    return
  }
}

module attributes {stable_mosaic.version = 14 : i64} {
  func.func @_mid_body(%arg0: memref<2x10000x64xf32, #tpu.memory_space<vmem>>, %arg1: memref<10000x1xf32, #tpu.memory_space<vmem>>, %arg2: memref<2x10008x64xf32, #tpu.memory_space<vmem>>) attributes {dimension_semantics = [], scalar_prefetch = 0 : i64, scratch_operands = 0 : i64, tpu.core_type = #tpu.core_type<tc>} {
    %get3A = arith.constant 0 : index
    %get3A_0 = arith.constant 0 : index
    %get3A_1 = vector.load %arg1[%get3A, %get3A_0] : memref<10000x1xf32, #tpu.memory_space<vmem>>, vector<10000x1xf32>
    %get3A_2 = arith.constant 0 : index
    %get3A_3 = arith.constant 0 : index
    %get3A_4 = arith.constant 0 : index
    %get3A_5 = vector.load %arg0[%get3A_2, %get3A_3, %get3A_4] : memref<2x10000x64xf32, #tpu.memory_space<vmem>>, vector<1x10000x64xf32>
    %get3A_6 = vector.shape_cast %get3A_5 : vector<1x10000x64xf32> to vector<10000x64xf32>
    %mul3A = vector.broadcast %get3A_1 : vector<10000x1xf32> to vector<10000x64xf32>
    %mul3A_7 = arith.mulf %get3A_6, %mul3A : vector<10000x64xf32>
    %swap3A = arith.constant 0 : index
    %swap3A_8 = arith.constant 0 : index
    %swap3A_9 = arith.constant 0 : index
    %swap3A_10 = vector.load %arg2[%swap3A, %swap3A_8, %swap3A_9] : memref<2x10008x64xf32, #tpu.memory_space<vmem>>, vector<1x10000x64xf32>
    %swap3A_11 = vector.shape_cast %swap3A_10 : vector<1x10000x64xf32> to vector<10000x64xf32>
    %swap3A_12 = vector.shape_cast %mul3A_7 : vector<10000x64xf32> to vector<1x10000x64xf32>
    tpu.vector_store %arg2[%swap3A, %swap3A_8, %swap3A_9], %swap3A_12 {strides = array<i32>} : memref<2x10008x64xf32, #tpu.memory_space<vmem>>, vector<1x10000x64xf32>,
    %get3A_13 = arith.constant 1 : index
    %get3A_14 = arith.constant 0 : index
    %get3A_15 = arith.constant 0 : index
    %get3A_16 = vector.load %arg0[%get3A_13, %get3A_14, %get3A_15] : memref<2x10000x64xf32, #tpu.memory_space<vmem>>, vector<1x10000x64xf32>
    %get3A_17 = vector.shape_cast %get3A_16 : vector<1x10000x64xf32> to vector<10000x64xf32>
    %mul3A_18 = vector.broadcast %get3A_1 : vector<10000x1xf32> to vector<10000x64xf32>
    %mul3A_19 = arith.mulf %get3A_17, %mul3A_18 : vector<10000x64xf32>
    %swap3A_20 = arith.constant 1 : index
    %swap3A_21 = arith.constant 0 : index
    %swap3A_22 = arith.constant 0 : index
    %swap3A_23 = vector.load %arg2[%swap3A_20, %swap3A_21, %swap3A_22] : memref<2x10008x64xf32, #tpu.memory_space<vmem>>, vector<1x10000x64xf32>
    %swap3A_24 = vector.shape_cast %swap3A_23 : vector<1x10000x64xf32> to vector<10000x64xf32>
    %swap3A_25 = vector.shape_cast %mul3A_19 : vector<10000x64xf32> to vector<1x10000x64xf32>
    tpu.vector_store %arg2[%swap3A_20, %swap3A_21, %swap3A_22], %swap3A_25 {strides = array<i32>} : memref<2x10008x64xf32, #tpu.memory_space<vmem>>, vector<1x10000x64xf32>,
    %broadcast_in_dim3A = arith.constant 0.000000e+00 : f32
    %broadcast_in_dim3A_26 = vector.broadcast %broadcast_in_dim3A : f32 to vector<8x64xf32>
    %swap3A_27 = arith.constant 0 : index
    %swap3A_28 = arith.constant 10000 : index
    %swap3A_29 = arith.constant 0 : index
    %swap3A_30 = vector.load %arg2[%swap3A_27, %swap3A_28, %swap3A_29] : memref<2x10008x64xf32, #tpu.memory_space<vmem>>, vector<1x8x64xf32>
    %swap3A_31 = vector.shape_cast %swap3A_30 : vector<1x8x64xf32> to vector<8x64xf32>
    %swap3A_32 = vector.shape_cast %broadcast_in_dim3A_26 : vector<8x64xf32> to vector<1x8x64xf32>
    tpu.vector_store %arg2[%swap3A_27, %swap3A_28, %swap3A_29], %swap3A_32 {strides = array<i32>} : memref<2x10008x64xf32, #tpu.memory_space<vmem>>, vector<1x8x64xf32>,
    %broadcast_in_dim3A_33 = arith.constant 0.000000e+00 : f32
    %broadcast_in_dim3A_34 = vector.broadcast %broadcast_in_dim3A_33 : f32 to vector<8x64xf32>
    %swap3A_35 = arith.constant 1 : index
    %swap3A_36 = arith.constant 10000 : index
    %swap3A_37 = arith.constant 0 : index
    %swap3A_38 = vector.load %arg2[%swap3A_35, %swap3A_36, %swap3A_37] : memref<2x10008x64xf32, #tpu.memory_space<vmem>>, vector<1x8x64xf32>
    %swap3A_39 = vector.shape_cast %swap3A_38 : vector<1x8x64xf32> to vector<8x64xf32>
    %swap3A_40 = vector.shape_cast %broadcast_in_dim3A_34 : vector<8x64xf32> to vector<1x8x64xf32>
    tpu.vector_store %arg2[%swap3A_35, %swap3A_36, %swap3A_37], %swap3A_40 {strides = array<i32>} : memref<2x10008x64xf32, #tpu.memory_space<vmem>>, vector<1x8x64xf32>,
    return
  }
}

module attributes {stable_mosaic.version = 14 : i64} {
  func.func @_mm0_body(%arg0: memref<10000x128xf32, #tpu.memory_space<vmem>>, %arg1: memref<128x128xf32, #tpu.memory_space<vmem>>, %arg2: memref<10000x128xf32, #tpu.memory_space<vmem>>) attributes {dimension_semantics = [], scalar_prefetch = 0 : i64, scratch_operands = 0 : i64, tpu.core_type = #tpu.core_type<tc>} {
    %get3A = arith.constant 0 : index
    %get3A_0 = arith.constant 0 : index
    %get3A_1 = vector.load %arg0[%get3A, %get3A_0] : memref<10000x128xf32, #tpu.memory_space<vmem>>, vector<10000x128xf32>
    %get3A_2 = arith.constant 0 : index
    %get3A_3 = arith.constant 0 : index
    %get3A_4 = vector.load %arg1[%get3A_2, %get3A_3] : memref<128x128xf32, #tpu.memory_space<vmem>>, vector<128x128xf32>
    %dot_general3A = arith.constant dense<0.000000e+00> : vector<10000x128xf32>
    %dot_general3A_5 = tpu.matmul %get3A_1, %get3A_4, %dot_general3A {dimension_numbers = #tpu.dot_dimension_numbers<[1], [0], [0], [1], [0, 0, 1, 1], [], []>, transpose_lhs_hint = false} : vector<10000x128xf32>, vector<128x128xf32>, vector<10000x128xf32> -> vector<10000x128xf32>
    %swap3A = arith.constant 0 : index
    %swap3A_6 = arith.constant 0 : index
    %swap3A_7 = vector.load %arg2[%swap3A, %swap3A_6] : memref<10000x128xf32, #tpu.memory_space<vmem>>, vector<10000x128xf32>
    tpu.vector_store %arg2[%swap3A, %swap3A_6], %dot_general3A_5 {strides = array<i32>} : memref<10000x128xf32, #tpu.memory_space<vmem>>, vector<10000x128xf32>,
    return
  }
}

module attributes {stable_mosaic.version = 14 : i64} {
  func.func @_mm1_body(%arg0: memref<2x10008x64xf32, #tpu.memory_space<vmem>>, %arg1: memref<10000x1xf32, #tpu.memory_space<vmem>>, %arg2: memref<128x128xf32, #tpu.memory_space<vmem>>, %arg3: memref<10000x128xf32, #tpu.memory_space<vmem>>, %arg4: memref<10000x128xf32, #tpu.memory_space<vmem>>) attributes {dimension_semantics = [], scalar_prefetch = 0 : i64, scratch_operands = 0 : i64, tpu.core_type = #tpu.core_type<tc>} {
    %get3A = arith.constant 0 : index
    %get3A_0 = arith.constant 0 : index
    %get3A_1 = arith.constant 0 : index
    %get3A_2 = vector.load %arg0[%get3A, %get3A_0, %get3A_1] : memref<2x10008x64xf32, #tpu.memory_space<vmem>>, vector<1x10000x64xf32>
    %get3A_3 = vector.shape_cast %get3A_2 : vector<1x10000x64xf32> to vector<10000x64xf32>
    %get3A_4 = arith.constant 1 : index
    %get3A_5 = arith.constant 0 : index
    %get3A_6 = arith.constant 0 : index
    %get3A_7 = vector.load %arg0[%get3A_4, %get3A_5, %get3A_6] : memref<2x10008x64xf32, #tpu.memory_space<vmem>>, vector<1x10000x64xf32>
    %get3A_8 = vector.shape_cast %get3A_7 : vector<1x10000x64xf32> to vector<10000x64xf32>
    %concatenate3A = tpu.concatenate %get3A_3, %get3A_8 in 1 : vector<10000x64xf32>, vector<10000x64xf32> -> vector<10000x128xf32>
    %get3A_9 = arith.constant 0 : index
    %get3A_10 = arith.constant 0 : index
    %get3A_11 = vector.load %arg1[%get3A_9, %get3A_10] : memref<10000x1xf32, #tpu.memory_space<vmem>>, vector<10000x1xf32>
    %mul3A = vector.broadcast %get3A_11 : vector<10000x1xf32> to vector<10000x128xf32>
    %mul3A_12 = arith.mulf %concatenate3A, %mul3A : vector<10000x128xf32>
    %get3A_13 = arith.constant 0 : index
    %get3A_14 = arith.constant 0 : index
    %get3A_15 = vector.load %arg3[%get3A_13, %get3A_14] : memref<10000x128xf32, #tpu.memory_space<vmem>>, vector<10000x128xf32>
    %get3A_16 = arith.constant 0 : index
    %get3A_17 = arith.constant 0 : index
    %get3A_18 = vector.load %arg2[%get3A_16, %get3A_17] : memref<128x128xf32, #tpu.memory_space<vmem>>, vector<128x128xf32>
    %dot_general3A = arith.constant dense<0.000000e+00> : vector<10000x128xf32>
    %dot_general3A_19 = tpu.matmul %mul3A_12, %get3A_18, %dot_general3A {dimension_numbers = #tpu.dot_dimension_numbers<[1], [0], [0], [1], [0, 0, 1, 1], [], []>, transpose_lhs_hint = false} : vector<10000x128xf32>, vector<128x128xf32>, vector<10000x128xf32> -> vector<10000x128xf32>
    %add3A = arith.addf %get3A_15, %dot_general3A_19 : vector<10000x128xf32>
    %swap3A = arith.constant 0 : index
    %swap3A_20 = arith.constant 0 : index
    %swap3A_21 = vector.load %arg4[%swap3A, %swap3A_20] : memref<10000x128xf32, #tpu.memory_space<vmem>>, vector<10000x128xf32>
    tpu.vector_store %arg4[%swap3A, %swap3A_20], %add3A {strides = array<i32>} : memref<10000x128xf32, #tpu.memory_space<vmem>>, vector<10000x128xf32>,
    return
  }
}

module attributes {stable_mosaic.version = 14 : i64} {
  func.func @_final_body(%arg0: memref<10000x128xf32, #tpu.memory_space<vmem>>, %arg1: memref<10000x128xf32, #tpu.memory_space<vmem>>, %arg2: memref<2x10000x64xf32, #tpu.memory_space<vmem>>, %arg3: memref<10000x1xf32, #tpu.memory_space<vmem>>, %arg4: memref<128x128xf32, #tpu.memory_space<vmem>>, %arg5: memref<1x128xf32, #tpu.memory_space<vmem>>, %arg6: memref<1x1xf32, #tpu.memory_space<vmem>>, %arg7: memref<1x128xf32, #tpu.memory_space<vmem>>, %arg8: memref<1x128xf32, #tpu.memory_space<vmem>>, %arg9: memref<10000x128xf32, #tpu.memory_space<vmem>>) attributes {dimension_semantics = [], scalar_prefetch = 0 : i64, scratch_operands = 0 : i64, tpu.core_type = #tpu.core_type<tc>} {
    %get3A = arith.constant 0 : index
    %get3A_0 = arith.constant 0 : index
    %get3A_1 = vector.load %arg0[%get3A, %get3A_0] : memref<10000x128xf32, #tpu.memory_space<vmem>>, vector<10000x128xf32>
    %get3A_2 = arith.constant 0 : index
    %get3A_3 = arith.constant 0 : index
    %get3A_4 = arith.constant 0 : index
    %get3A_5 = vector.load %arg2[%get3A_2, %get3A_3, %get3A_4] : memref<2x10000x64xf32, #tpu.memory_space<vmem>>, vector<1x10000x64xf32>
    %get3A_6 = vector.shape_cast %get3A_5 : vector<1x10000x64xf32> to vector<10000x64xf32>
    %get3A_7 = arith.constant 1 : index
    %get3A_8 = arith.constant 0 : index
    %get3A_9 = arith.constant 0 : index
    %get3A_10 = vector.load %arg2[%get3A_7, %get3A_8, %get3A_9] : memref<2x10000x64xf32, #tpu.memory_space<vmem>>, vector<1x10000x64xf32>
    %get3A_11 = vector.shape_cast %get3A_10 : vector<1x10000x64xf32> to vector<10000x64xf32>
    %concatenate3A = tpu.concatenate %get3A_6, %get3A_11 in 1 : vector<10000x64xf32>, vector<10000x64xf32> -> vector<10000x128xf32>
    %get3A_12 = arith.constant 0 : index
    %get3A_13 = arith.constant 0 : index
    %get3A_14 = vector.load %arg3[%get3A_12, %get3A_13] : memref<10000x1xf32, #tpu.memory_space<vmem>>, vector<10000x1xf32>
    %mul3A = arith.constant -2.000000e+00 : f32
    %mul3A_15 = vector.broadcast %mul3A : f32 to vector<10000x1xf32>
    %mul3A_16 = arith.mulf %mul3A_15, %get3A_14 : vector<10000x1xf32>
    %mul3A_17 = vector.broadcast %mul3A_16 : vector<10000x1xf32> to vector<10000x128xf32>
    %mul3A_18 = arith.mulf %mul3A_17, %concatenate3A : vector<10000x128xf32>
    %sub3A = arith.subf %mul3A_18, %get3A_1 : vector<10000x128xf32>
    %get3A_19 = arith.constant 0 : index
    %get3A_20 = arith.constant 0 : index
    %get3A_21 = vector.load %arg1[%get3A_19, %get3A_20] : memref<10000x128xf32, #tpu.memory_space<vmem>>, vector<10000x128xf32>
    %get3A_22 = arith.constant 0 : index
    %get3A_23 = arith.constant 0 : index
    %get3A_24 = vector.load %arg4[%get3A_22, %get3A_23] : memref<128x128xf32, #tpu.memory_space<vmem>>, vector<128x128xf32>
    %dot_general3A = arith.constant dense<0.000000e+00> : vector<10000x128xf32>
    %dot_general3A_25 = tpu.matmul %sub3A, %get3A_24, %dot_general3A {dimension_numbers = #tpu.dot_dimension_numbers<[1], [0], [0], [1], [0, 0, 1, 1], [], []>, transpose_lhs_hint = false} : vector<10000x128xf32>, vector<128x128xf32>, vector<10000x128xf32> -> vector<10000x128xf32>
    %add3A = arith.addf %get3A_21, %dot_general3A_25 : vector<10000x128xf32>
    %get3A_26 = arith.constant 0 : index
    %get3A_27 = arith.constant 0 : index
    %get3A_28 = vector.load %arg5[%get3A_26, %get3A_27] : memref<1x128xf32, #tpu.memory_space<vmem>>, vector<1x128xf32>
    %add3A_29 = vector.broadcast %get3A_28 : vector<1x128xf32> to vector<10000x128xf32>
    %add3A_30 = arith.addf %add3A, %add3A_29 : vector<10000x128xf32>
    %ge3A = arith.constant 0.000000e+00 : f32
    %ge3A_31 = vector.broadcast %ge3A : f32 to vector<10000x128xf32>
    %ge3A_32 = arith.cmpf oge, %add3A_30, %ge3A_31 : vector<10000x128xf32>
    %get3A_33 = arith.constant 0 : index
    %get3A_34 = arith.constant 0 : index
    %get3A_35 = vector.load %arg6[%get3A_33, %get3A_34] : memref<1x1xf32, #tpu.memory_space<vmem>>, vector<1x1xf32>
    %get3A_36 = vector.extract %get3A_35[0, 0] : f32 from vector<1x1xf32>
    %mul3A_37 = vector.broadcast %get3A_36 : f32 to vector<10000x128xf32>
    %mul3A_38 = arith.mulf %mul3A_37, %add3A_30 : vector<10000x128xf32>
    %select_n3A = arith.select %ge3A_32, %add3A_30, %mul3A_38 : vector<10000x128xi1>, vector<10000x128xf32>
    %reduce_sum3A = arith.constant dense<0.000000e+00> : vector<128xf32>
    %reduce_sum3A_39 = vector.multi_reduction <add>, %select_n3A, %reduce_sum3A [0] : vector<10000x128xf32> to vector<128xf32>
    %broadcast_in_dim3A = vector.shape_cast %reduce_sum3A_39 : vector<128xf32> to vector<1x128xf32>
    %div3A = arith.constant 1.000000e+04 : f32
    %div3A_40 = vector.broadcast %div3A : f32 to vector<1x128xf32>
    %div3A_41 = arith.divf %broadcast_in_dim3A, %div3A_40 : vector<1x128xf32>
    %sub3A_42 = vector.broadcast %div3A_41 : vector<1x128xf32> to vector<10000x128xf32>
    %sub3A_43 = arith.subf %select_n3A, %sub3A_42 : vector<10000x128xf32>
    %mul3A_44 = arith.mulf %sub3A_43, %sub3A_43 : vector<10000x128xf32>
    %reduce_sum3A_45 = arith.constant dense<0.000000e+00> : vector<128xf32>
    %reduce_sum3A_46 = vector.multi_reduction <add>, %mul3A_44, %reduce_sum3A_45 [0] : vector<10000x128xf32> to vector<128xf32>
    %broadcast_in_dim3A_47 = vector.shape_cast %reduce_sum3A_46 : vector<128xf32> to vector<1x128xf32>
    %div3A_48 = arith.constant 1.000000e+04 : f32
    %div3A_49 = vector.broadcast %div3A_48 : f32 to vector<1x128xf32>
    %div3A_50 = arith.divf %broadcast_in_dim3A_47, %div3A_49 : vector<1x128xf32>
    %add3A_51 = arith.constant 9.99999974E-6 : f32
    %add3A_52 = vector.broadcast %add3A_51 : f32 to vector<1x128xf32>
    %add3A_53 = arith.addf %div3A_50, %add3A_52 : vector<1x128xf32>
    %rsqrt3A = math.rsqrt %add3A_53 : vector<1x128xf32>
    %mul3A_54 = vector.broadcast %rsqrt3A : vector<1x128xf32> to vector<10000x128xf32>
    %mul3A_55 = arith.mulf %sub3A_43, %mul3A_54 : vector<10000x128xf32>
    %get3A_56 = arith.constant 0 : index
    %get3A_57 = arith.constant 0 : index
    %get3A_58 = vector.load %arg7[%get3A_56, %get3A_57] : memref<1x128xf32, #tpu.memory_space<vmem>>, vector<1x128xf32>
    %mul3A_59 = vector.broadcast %get3A_58 : vector<1x128xf32> to vector<10000x128xf32>
    %mul3A_60 = arith.mulf %mul3A_55, %mul3A_59 : vector<10000x128xf32>
    %get3A_61 = arith.constant 0 : index
    %get3A_62 = arith.constant 0 : index
    %get3A_63 = vector.load %arg8[%get3A_61, %get3A_62] : memref<1x128xf32, #tpu.memory_space<vmem>>, vector<1x128xf32>
    %add3A_64 = vector.broadcast %get3A_63 : vector<1x128xf32> to vector<10000x128xf32>
    %add3A_65 = arith.addf %mul3A_60, %add3A_64 : vector<10000x128xf32>
    %swap3A = arith.constant 0 : index
    %swap3A_66 = arith.constant 0 : index
    %swap3A_67 = vector.load %arg9[%swap3A, %swap3A_66] : memref<10000x128xf32, #tpu.memory_space<vmem>>, vector<10000x128xf32>
    tpu.vector_store %arg9[%swap3A, %swap3A_66], %add3A_65 {strides = array<i32>} : memref<10000x128xf32, #tpu.memory_space<vmem>>, vector<10000x128xf32>,
    return
  }
}

</mosaic_0001>

<sc_bundles>
// kernel: kernel.11.cloned.1.call-start
scs
__scs_entry_jumppad:
0x0: {  	(pc) =	sbr.rel $0x88, $3  }
0x1: {  	(tag) =	ssettag $0x0;
	lr =	simm.s32 $0x1  }
0x2: {  	[smem:$0x3F98] =	sst lr;
	_ =	strace $0xD0000000  }
0x3: {  	_ = 	snop  }
0x4: {  	_ = 	snop  }
0x5: {  	_ = 	snop  }
0x6: {  	_ = 	snop  }
0x7: {  	_ = 	snop  }
__scs_overlays_trampoline_lowered:
0x8: {  	[smem:$0x3FA7] =	sst s0  }
0x9: {  	[smem:$0x3FA8] =	sst s1  }
0xa: {  	[smem:$0x3FA9] =	sst s2  }
0xb: {  	[smem:$0x3FAA] =	sst s3  }
0xc: {  	[smem:$0x3FAB] =	sst s4  }
0xd: {  	[smem:$0x3FAC] =	sst s5  }
0xe: {  	[smem:$0x3FAD] =	sst s6  }
0xf: {  	[smem:$0x3FAE] =	sst s7  }
0x10: {  	[smem:$0x3FAF] =	sst s8  }
0x11: {  	[smem:$0x3FB0] =	sst s9;
	s0 =	simm.s32 @!p0 $0x0  }
0x12: {  	s1 =	sld [smem:$0x3F96];
	s0 =	simm.s32 @p0 $0x1  }
0x13: {  	[smem:$0x3FB1] =	sst s0;
	s0 =	simm.s32 @!p1 $0x0  }
0x14: {  	s2 =	sld [smem:$0x3F95];
	s0 =	simm.s32 @p1 $0x1  }
0x15: {  	[smem:$0x3FB2] =	sst s0;
	s0 =	simm.s32 @!p2 $0x0  }
0x16: {  	s3 =	sld [smem:$0x3FDB];
	s0 =	simm.s32 @p2 $0x1  }
0x17: {  	s4 =	simm.s32 $0x1BF5;
	[smem:$0x3FB4] =	sst s0  }
0x18: {  	s0 =	sld [smem:$0x3F97];
	_ =	swait.ge [sflag:s4], $0x0  }
0x19: {  	s7 =	sld [smem:$0x3F98]  }
0x1a: {  	s8 =	sadd.s32 $0xFFFFE003, lr  }
0x1b: {  	s9 =	sadd.s32 $0xFFFFFEF7, lr;
	s5 =	simm.s32 $0xFFFFFFFF;
	p2 =	slt.u32 s8, $0xFFFFF086  }
0x1c: {  	p1 =	slt.u32 s9, $0xF7A;
	s5 =	simm.s32 @!p2 $0x0  }
0x1d: {  	s5 =	simm.s32 @p1 $0x1;
	p0 =	seq.s32 s7, s2  }
0x1e: {  	s7 =	smul.u32 @!p0 $0xF7A, s2;
	p2 =	seq.s32 @!p0 s5, $0x0  }
0x1f: {  	s9 =	smul.u32 $0xF7A, s1;
	s8 =	simm.s32 @!p0 $0x1BF5;
	p2 =	por !p2, p0  }
0x20: {  	[sflag:s8] =	ssyncset.s32 @!p0 $0xFFFFF086;
	s6 =	sadd.s32 @!p0 s3, s7;
	s7 =	simm.s32 @!p0 $0x108  }
0x21: {  	s3 =	sadd.s32 s3, s9;
	s6 =	sadd.s32 @!p0 $0x88, s6;
	s7 =	simm.s32 @p2 $0x1082  }
0x22: {  	[simem:s7], [sflag:s8] =	dma.local @!p0 [hbm:s6], $0xF7A  }
0x23: {  	s9 =	sor.u32 $0xD0000000, s2;
	s6 =	simm.s32 $0x108;
	_ =	swait.ge @!p0 [sflag:s8], $0x0  }
0x24: {  	s3 =	sadd.s32 $0x88, s3;
	s6 =	simm.s32 @!p1 $0x1082;
	[sflag:s4] =	ssyncset.s32 $0xFFFFF086  }
0x25: {  	[simem:s6], [sflag:s4] =	dma.local [hbm:s3], $0xF7A  }
0x26: {  	[smem:$0x3F98] =	sst s1;
	(tag) =	ssettag s2;
	_ =	strace s9  }
0x27: {  	s1 =	sld [smem:$0x3FA8]  }
0x28: {  	s2 =	sld [smem:$0x3FA9]  }
0x29: {  	s4 =	sld [smem:$0x3FAB]  }
0x2a: {  	p0 =	seq.s32 s5, $0x0;
	s5 =	sld [smem:$0x3FAC]  }
0x2b: {  	s6 =	sld [smem:$0x3FAD]  }
0x2c: {  	s7 =	sld [smem:$0x3FAE]  }
0x2d: {  	s3 =	simm.s32 $0x108;
	s8 =	sld [smem:$0x3FAF]  }
0x2e: {  	s3 =	simm.s32 @!p0 $0x1082;
	s9 =	sld [smem:$0x3FB0]  }
0x2f: {  	lr =	sadd.s32 s0, s3;
	s0 =	sld [smem:$0x3FA7]  }
0x30: {  	s3 =	sld [smem:$0x3FAA]  }
0x31: {  	[smem:$0x3FB3] =	sst s10  }
0x32: {  	s10 =	sld [smem:$0x3FB1];
	_ =	sdelay $0x3  }
0x33: {  	p0 =	seq.s32 s10, $0x1;
	s10 =	sld [smem:$0x3FB3];
	_ =	sdelay $0x3  }
0x34: {  	[smem:$0x3FB3] =	sst s10  }
0x35: {  	s10 =	sld [smem:$0x3FB2];
	_ =	sdelay $0x3  }
0x36: {  	p1 =	seq.s32 s10, $0x1;
	s10 =	sld [smem:$0x3FB3];
	_ =	sdelay $0x3  }
0x37: {  	[smem:$0x3FB3] =	sst s10  }
0x38: {  	s10 =	sld [smem:$0x3FB4]  }
0x39: {  	_ = 	snop;
	(pc) =	sbr.ind lr, $3  }
0x3a: {  	_ = 	snop  }
0x3b: {  	_ = 	snop  }
0x3c: {  	p2 =	seq.s32 s10, $0x1;
	s10 =	sld [smem:$0x3FB3]  }
0x3d: {  	_ =	shalt  }
0x3e: {  	_ =	shalt  }
0x3f: {  	_ =	shalt  }
0x40: {  	_ =	shalt  }
0x41: {  	_ =	shalt  }
0x42: {  	_ =	shalt  }
0x43: {  	_ =	shalt  }
0x44: {  	_ =	shalt  }
0x45: {  	_ =	shalt  }
0x46: {  	_ =	shalt  }
0x47: {  	_ =	shalt  }
0x48: {  	_ =	shalt  }
0x49: {  	_ =	shalt  }
0x4a: {  	_ =	shalt  }
0x4b: {  	_ =	shalt  }
0x4c: {  	_ =	shalt  }
0x4d: {  	_ =	shalt  }
0x4e: {  	_ =	shalt  }
0x4f: {  	_ =	shalt  }
0x50: {  	_ =	shalt  }
0x51: {  	_ =	shalt  }
0x52: {  	_ =	shalt  }
0x53: {  	_ =	shalt  }
0x54: {  	_ =	shalt  }
0x55: {  	_ =	shalt  }
0x56: {  	_ =	shalt  }
0x57: {  	_ =	shalt  }
0x58: {  	_ =	shalt  }
0x59: {  	_ =	shalt  }
0x5a: {  	_ =	shalt  }
0x5b: {  	_ =	shalt  }
0x5c: {  	_ =	shalt  }
0x5d: {  	_ =	shalt  }
0x5e: {  	_ =	shalt  }
0x5f: {  	_ =	shalt  }
0x60: {  	_ =	shalt  }
0x61: {  	_ =	shalt  }
0x62: {  	_ =	shalt  }
0x63: {  	_ =	shalt  }
0x64: {  	_ =	shalt  }
0x65: {  	_ =	shalt  }
0x66: {  	_ =	shalt  }
0x67: {  	_ =	shalt  }
0x68: {  	_ =	shalt  }
0x69: {  	_ =	shalt  }
0x6a: {  	_ =	shalt  }
0x6b: {  	_ =	shalt  }
0x6c: {  	_ =	shalt  }
0x6d: {  	_ =	shalt  }
0x6e: {  	_ =	shalt  }
0x6f: {  	_ =	shalt  }
0x70: {  	_ =	shalt  }
0x71: {  	_ =	shalt  }
0x72: {  	_ =	shalt  }
0x73: {  	_ =	shalt  }
0x74: {  	_ =	shalt  }
0x75: {  	_ =	shalt  }
0x76: {  	_ =	shalt  }
0x77: {  	_ =	shalt  }
0x78: {  	_ =	shalt  }
0x79: {  	_ =	shalt  }
0x7a: {  	_ =	shalt  }
0x7b: {  	_ =	shalt  }
0x7c: {  	_ =	shalt  }
0x7d: {  	_ =	shalt  }
0x7e: {  	_ =	shalt  }
0x7f: {  	_ =	shalt  }
0x80: {  	_ =	shalt  }
0x81: {  	_ =	shalt  }
0x82: {  	_ =	shalt  }
0x83: {  	_ =	shalt  }
0x84: {  	_ =	shalt  }
0x85: {  	_ =	shalt  }
0x86: {  	_ =	shalt  }
0x87: {  	_ =	shalt  }
.Lfunc_end0:
.L_simem_size_0:
called_computation_lowered:
.L_overlay_start_0:
0x88: {  	s2 =	sld [smem:$0x3FD9]  }
0x89: {  	s3 =	sld [smem:$0x3FFE];
	_ =	sdelay $0x1  }
0x8a: {  	s1 =	srdreg.scid  }
0x8b: {  	s0 =	sand.u32 $0x1, s1  }
0x8c: {  	s17 =	sshll.u32 s0, $0xA;
	s2 =	sadd.s32 s3, s2  }
0x8d: {  	s2 =	sadd.s32 s2, s17  }
0x8e: {  	[smem:$0x3FBF] =	sst s2  }
0x8f: {  	_ = 	snop  }
0x90: {  	s2 =	sld [smem:$0x3FD0];
	(tm) =	ssettm $0x1  }
0x91: {  	s18 =	sld [smem:$0x3FFB];
	_ =	sdelay $0x3  }
0x92: {  	_ =	strace s18  }
0x93: {  	s3 =	sld [smem:$0x3FFC];
	_ =	sdelay $0x3  }
0x94: {  	_ =	strace s3  }
0x95: {  	s3 =	sld [smem:$0x3FFD];
	_ =	sdelay $0x3  }
0x96: {  	_ =	strace s3  }
0x97: {  	_ =	strace $0x8FFFFFFF  }
0x98: {  	s19 =	sld [smem:$0x3FDB];
	_ =	sdelay $0x1  }
0x99: {  	s4 =	simm.s32 $_scs_section_size  }
0x9a: {  	s5 =	simm.s32 $_size__tile_overlayer_lowered;
	s6 =	simm.s32 $_tile_overlayer_lowered  }
0x9b: {  	s22 =	simm.s32 $0x1BFF;
	s21 =	sshll.u32 s6, $0x1;
	s3 =	sadd.s32 s4, s19  }
0x9c: {  	s7 =	simm.s32 $0x0;
	s20 =	sshll.u32 s5, $0x1;
	s5 =	sadd.s32 s21, s3  }
0x9d: {  	[timem:s7], [sflag:s22] =	dma.local [hbm:s5], s20  }
0x9e: {  	_ =	swait.ge [sflag:s22], s20  }
0x9f: {  	s4 =	ssub.s32 $0x0, s20;
	[sflag:s22] =	ssyncset.done $0x0  }
0xa0: {  	[sflag:s22] =	ssyncadd.s32 s4;
	_ =	sdelay $0x1  }
0xa1: {  	s23 =	simm.s32 $0x1B8B  }
0xa2: {  	_ =	swait.ge [sflag:s23], $0x1  }
0xa3: {  	[sflag:s23] =	ssyncset.done $0x0  }
0xa4: {  	s25 =	simm.s32 $0x1B8E;
	s24 =	sld [smem:$0x3FFE];
	[sflag:s23] =	ssyncadd.s32 $0xFFFFFFFF  }
0xa5: {  	s26 =	simm.s32 $execute0_lowered;
	[smem:$0x3FD2] =	sst s25  }
0xa6: {  	s5 =	sshll.u32 s26, $0x1;
	_ =	strace $0x80000046;
	[dreg:$0x1] =	wrdreg $0xFFFFFFFF  }
0xa7: {  	s28 =	simm.s32 $_size_execute0_lowered;
	s3 =	sadd.s32 s3, s5;
	[dreg:$0x0] =	wrdreg $0x0  }
0xa8: {  	s5 =	sshll.u32 s28, $0x1;
	[dreg:$0x2] =	wrdreg s3  }
0xa9: {  	[dreg:$0x3] =	wrdreg s5  }
0xaa: {  	[dreg:$0x4] =	wrdreg $0xC0  }
0xab: {  	_ =	task [dreg:s7], $0x5FFFF  }
0xac: {  	[dreg:$0x1] =	wrdreg $0xFFFFFFFF  }
0xad: {  	[dreg:$0x0] =	wrdreg $0x60  }
0xae: {  	[dreg:$0x2] =	wrdreg s24  }
0xaf: {  	[dreg:$0x3] =	wrdreg s2  }
0xb0: {  	[dreg:$0x4] =	wrdreg $0x9  }
0xb1: {  	_ =	task.clear_ibuf [dreg:s7], $0x5FFFF;
	_ =	strace $0x90000046  }
0xb2: {  	s29 =	simm.s32 $0x9;
	_ =	strace $0x80000048  }
0xb3: {  	_ =	swait.ge [sflag:s29], $0x1  }
0xb4: {  	[sflag:s29] =	ssyncadd.s32 $0xFFFFFFFF  }
0xb5: {  	_ =	strace $0x90000048  }
0xb6: {  	_ =	sfence  }
0xb7: {  	s30 =	sld [smem:$0x0];
	_ =	sdelay $0x2  }
0xb8: {  	s31 =	sshll.u32 s1, $0xD;
	s1 =	sshrl.u32 s1, $0x2  }
0xb9: {  	s3 =	sand.u32 $0x4000, s31;
	s1 =	sadd.s32 s1, s30  }
0xba: {  	s0 =	sor.u32 s3, s0;
	s1 =	sshll.u32 s1, $0x11  }
0xbb: {  	s0 =	sor.u32 s1, s0  }
0xbc: {  	s0 =	sadd.s32 $0x8F2B, s0  }
0xbd: {  	[sflag:s0] =	ssyncadd.remote.s32 $0x1  }
0xbe: {  	_ =	sfence.sel $0xFFFF  }
0xbf: {  	[dreg:$0x0] =	wrdreg $0xFFFFFFFF;
	(pc) =	sbr.abs _section_cstart, $3  }
0xc0: {  	[dreg:$0x1] =	wrdreg $0xFFFFFFFF  }
0xc1: {  	_ =	task.clear_ibuf [dreg:s7], $0x2FFFF;
	_ =	strace $0x9FFFFFFF  }
0xc2: {  	(tm) =	ssettm $0x7FFFFFFF  }
0xc3: {  	_ =	shalt  }
tec
execute0_lowered:
.L_overlay_start_1:
0x0: {  	(tag) =	ssettag $0x1  }
0x1: {  	s3 =	rddreg [dreg:$0x0];
	s1 =	srdreg.scid  }
0x2: {  	s0 =	stileid.u32;
	s5 =	rddreg [dreg:$0x1];
	s9 =	simm.s32 $0x4F00  }
0x3: {  	s10 =	simm.s32 $0x80;
	s11 =	simm.s32 $0x400;
	s12 =	simm.s32 $0x0  }
0x4: {  	s4 =	sand.u32 $0x1, s1;
	s2 =	sshll.u32 s0, $0x1;
	s8 =	sshrl.u32 s0, $0x2  }
0x5: {  	s1 =	rddreg [dreg:$0x2];
	s6 =	sor.u32 s4, s2;
	s8 =	smul.u32 $0x13C00, s8  }
0x6: {  	s2 =	simm.s32 $0x0;
	s4 =	ssub.s32 $0x2, s4;
	s7 =	smul.u32 $0x4E2, s6  }
0x7: {  	[smem:$0x7FF] =	sst s2;
	s6 =	sshll.u32 s6, $0x7;
	s30 =	sshrl.u32 s4, $0x1  }
0x8: {  	_ =	strace $0x80000047;
	s6 =	sand.u32 $0x380, s6;
	s31 =	ssub.s32 s4, s30  }
0x9: {  	s7 =	sadd.s32 s7, s3;
	s6 =	sor.u32 s8, s6;
	s8 =	simm.s32 $0x2780  }
0xa: {  	s3 =	sadd.s32 $0xD200, s7;
	s6 =	sshrl.u32 s6, $0x3;
	s4 =	sadd.s32 $0x3400, s7  }
0xb: {  	v0 =	vimm.f32 $0.0e+00;
	v1 =	vimm.f32 $1.000000000e+00;
	s7 =	simm.s32 $0x1;
	s5 =	sadd.s32 s5, s6;
	s6 =	smax.u32 s31, $0x1  }
.LBB2_1:
0xc: {  	[tilespmem:s2], [sflag:$0x1] =	stream.linear.gather [hbm4b:s3+s2], $0x2710, $0x38;
	[tilespmem:$0x7680] =	vst v63  }
0xd: {  	_ =	swait.ge [sflag:s7], $0x2710  }
0xe: {  	[sflag:s7] =	ssyncset.done $0x0  }
0xf: {  	[sflag:s7] =	ssyncadd.s32 $0xFFFFD8F0  }
0x10: {  	[tilespmem:s8], [sflag:$0x1] =	stream.linear.gather [hbm4b:s4+s2], $0x2710, $0x38;
	[tilespmem:$0x7680] =	vst v63  }
0x11: {  	_ =	swait.ge [sflag:s7], $0x2710  }
0x12: {  	[sflag:s7] =	ssyncset.done $0x0  }
0x13: {  	s13 =	simm.s32 $0x0;
	[sflag:s7] =	ssyncadd.s32 $0xFFFFD8F0  }
.LBB2_2:
0x14: {  	p0 =	sne.s32 s13, $0x9C00  }
.Ltmp0:
0x15: {  	_ = 	snop;
	(pc) =	sbr.rel @p0 .LBB2_2-.Ltmp0, $3  }
0x16: {  	_ =	sdelay $0x1  }
0x17: {  	s14 =	sshra.s32 s13, $0x2  }
0x18: {  	s13 =	sadd.s32 $0x40, s13;
	[tilespmem:s14+$0x4F00] =	vst v0  }
0x19: {  	s14 =	simm.s32 $0x0  }
0x1a: {  	s13 =	simm.s32 $0x40;
	v2 =	vld [tilespmem:s14+$0x2780]  }
.LBB2_4:
0x1b: {  	p0 =	sne.s32 s13, $0x9C00;
	v3 =	vld [tilespmem:s14+$0x0];
	_ =	sdelay $0x4  }
0x1c: {  	vm0 =	vne.s32 v3, v2;
	_ =	sdelay $0x2  }
.Ltmp1:
0x1d: {  	(pc) =	sbr.rel @p0 .LBB2_4-.Ltmp1, $3  }
0x1e: {  	_ =	sdelay $0x1  }
0x1f: {  	s14 =	sshra.s32 s13, $0x2;
	[tilespmem:v3+s9+$0x0] =	vst.idx.add.f32.msk vm0, v1  }
0x20: {  	s13 =	sadd.s32 $0x40, s13;
	v2 =	vld [tilespmem:s14+$0x2780]  }
0x21: {  	v3 =	vld [tilespmem:s14+$0x0];
	_ =	sdelay $0x4  }
0x22: {  	vm0 =	vne.s32 v3, v2;
	_ =	sdelay $0x3  }
0x23: {  	s12 =	sadd.s32 $0x1, s12  }
0x24: {  	p0 =	sne.s32 s12, s6  }
.Ltmp2:
0x25: {  	[tilespmem:v3+s9+$0x0] =	vst.idx.add.f32.msk vm0, v1;
	(pc) =	sbr.rel @p0 .LBB2_1-.Ltmp2, $4  }
0x26: {  	[hbm4b:s5+s10] =	stream.strided.scatter [tilespmem:s9], [sflag:$0x1], $0x2780, s11, s10, $0x38;
	[tilespmem:$0x7680] =	vst v63  }
0x27: {  	_ =	swait.ge [sflag:s7], $0x2780  }
0x28: {  	[sflag:s7] =	ssyncset.done $0x0  }
0x29: {  	[sflag:s7] =	ssyncadd.s32 $0xFFFFD880  }
0x2a: {  	_ =	sfence.sel $0x180000  }
0x2b: {  	[bflag:$0x0] =	sbarrier.arrive $0xFFFF  }
0x2c: {  	p0 =	sne.s32 s0, $0x0;
	_ =	strace $0x90000047  }
0x2d: {  	s0 =	sadd.s32 @!p0 $0x100000, s1;
	[bflag:$0x2] =	sbarrier.arrive $0xFFFF  }
0x2e: {  	[sflag:s0] =	ssyncadd.tile.s32 @!p0 $0x1;
	_ =	shalt  }
.Lfunc_end2:
_tile_overlayer_lowered:
.L_overlay_start_2:
0x2f: {  	(tag) =	ssettag $0x2  }
0x30: {  	s0 =	rddreg [dreg:$0x0];
	s2 =	stileid.u32  }
0x31: {  	s1 =	rddreg [dreg:$0x1];
	p0 =	sne.s32 s2, $0x0  }
0x32: {  	s3 =	rddreg [dreg:$0x2];
	[bflag:$0x3] =	sbarrier.arrive $0xFFFF;
	s2 =	simm.s32 @!p0 $0x1C01  }
0x33: {  	[timem:s3], [sflag:s2] =	dma.local @!p0 [hbm:s0], s1  }
0x34: {  	s0 =	simm.s32 @!p0 $0x1  }
0x35: {  	_ =	swait.ge @!p0 [sflag:s0], s1  }
0x36: {  	s1 =	ssub.s32 @!p0 $0x0, s1;
	[sflag:s0] =	ssyncset.done @!p0 $0x0  }
0x37: {  	[sflag:s0] =	ssyncadd.s32 @!p0 s1  }
0x38: {  	[bflag:$0x3] =	sbarrier.arrive $0xFFFF  }
0x39: {  	_ =	shalt  }

// kernel: kernel.14.cloned.1.call-start
scs
__scs_entry_jumppad:
0x0: {  	(pc) =	sbr.rel $0x88, $3  }
0x1: {  	(tag) =	ssettag $0x0;
	lr =	simm.s32 $0x1  }
0x2: {  	[smem:$0x3F98] =	sst lr;
	_ =	strace $0xD0000000  }
0x3: {  	_ = 	snop  }
0x4: {  	_ = 	snop  }
0x5: {  	_ = 	snop  }
0x6: {  	_ = 	snop  }
0x7: {  	_ = 	snop  }
__scs_overlays_trampoline_lowered:
0x8: {  	[smem:$0x3FA7] =	sst s0  }
0x9: {  	[smem:$0x3FA8] =	sst s1  }
0xa: {  	[smem:$0x3FA9] =	sst s2  }
0xb: {  	[smem:$0x3FAA] =	sst s3  }
0xc: {  	[smem:$0x3FAB] =	sst s4  }
0xd: {  	[smem:$0x3FAC] =	sst s5  }
0xe: {  	[smem:$0x3FAD] =	sst s6  }
0xf: {  	[smem:$0x3FAE] =	sst s7  }
0x10: {  	[smem:$0x3FAF] =	sst s8  }
0x11: {  	[smem:$0x3FB0] =	sst s9;
	s0 =	simm.s32 @!p0 $0x0  }
0x12: {  	s1 =	sld [smem:$0x3F96];
	s0 =	simm.s32 @p0 $0x1  }
0x13: {  	[smem:$0x3FB1] =	sst s0;
	s0 =	simm.s32 @!p1 $0x0  }
0x14: {  	s2 =	sld [smem:$0x3F95];
	s0 =	simm.s32 @p1 $0x1  }
0x15: {  	[smem:$0x3FB2] =	sst s0;
	s0 =	simm.s32 @!p2 $0x0  }
0x16: {  	s3 =	sld [smem:$0x3FDB];
	s0 =	simm.s32 @p2 $0x1  }
0x17: {  	s4 =	simm.s32 $0x1BF5;
	[smem:$0x3FB4] =	sst s0  }
0x18: {  	s0 =	sld [smem:$0x3F97];
	_ =	swait.ge [sflag:s4], $0x0  }
0x19: {  	s7 =	sld [smem:$0x3F98]  }
0x1a: {  	s8 =	sadd.s32 $0xFFFFE003, lr  }
0x1b: {  	s9 =	sadd.s32 $0xFFFFFEF7, lr;
	s5 =	simm.s32 $0xFFFFFFFF;
	p2 =	slt.u32 s8, $0xFFFFF086  }
0x1c: {  	p1 =	slt.u32 s9, $0xF7A;
	s5 =	simm.s32 @!p2 $0x0  }
0x1d: {  	s5 =	simm.s32 @p1 $0x1;
	p0 =	seq.s32 s7, s2  }
0x1e: {  	s7 =	smul.u32 @!p0 $0xF7A, s2;
	p2 =	seq.s32 @!p0 s5, $0x0  }
0x1f: {  	s9 =	smul.u32 $0xF7A, s1;
	s8 =	simm.s32 @!p0 $0x1BF5;
	p2 =	por !p2, p0  }
0x20: {  	[sflag:s8] =	ssyncset.s32 @!p0 $0xFFFFF086;
	s6 =	sadd.s32 @!p0 s3, s7;
	s7 =	simm.s32 @!p0 $0x108  }
0x21: {  	s3 =	sadd.s32 s3, s9;
	s6 =	sadd.s32 @!p0 $0x88, s6;
	s7 =	simm.s32 @p2 $0x1082  }
0x22: {  	[simem:s7], [sflag:s8] =	dma.local @!p0 [hbm:s6], $0xF7A  }
0x23: {  	s9 =	sor.u32 $0xD0000000, s2;
	s6 =	simm.s32 $0x108;
	_ =	swait.ge @!p0 [sflag:s8], $0x0  }
0x24: {  	s3 =	sadd.s32 $0x88, s3;
	s6 =	simm.s32 @!p1 $0x1082;
	[sflag:s4] =	ssyncset.s32 $0xFFFFF086  }
0x25: {  	[simem:s6], [sflag:s4] =	dma.local [hbm:s3], $0xF7A  }
0x26: {  	[smem:$0x3F98] =	sst s1;
	(tag) =	ssettag s2;
	_ =	strace s9  }
0x27: {  	s1 =	sld [smem:$0x3FA8]  }
0x28: {  	s2 =	sld [smem:$0x3FA9]  }
0x29: {  	s4 =	sld [smem:$0x3FAB]  }
0x2a: {  	p0 =	seq.s32 s5, $0x0;
	s5 =	sld [smem:$0x3FAC]  }
0x2b: {  	s6 =	sld [smem:$0x3FAD]  }
0x2c: {  	s7 =	sld [smem:$0x3FAE]  }
0x2d: {  	s3 =	simm.s32 $0x108;
	s8 =	sld [smem:$0x3FAF]  }
0x2e: {  	s3 =	simm.s32 @!p0 $0x1082;
	s9 =	sld [smem:$0x3FB0]  }
0x2f: {  	lr =	sadd.s32 s0, s3;
	s0 =	sld [smem:$0x3FA7]  }
0x30: {  	s3 =	sld [smem:$0x3FAA]  }
0x31: {  	[smem:$0x3FB3] =	sst s10  }
0x32: {  	s10 =	sld [smem:$0x3FB1];
	_ =	sdelay $0x3  }
0x33: {  	p0 =	seq.s32 s10, $0x1;
	s10 =	sld [smem:$0x3FB3];
	_ =	sdelay $0x3  }
0x34: {  	[smem:$0x3FB3] =	sst s10  }
0x35: {  	s10 =	sld [smem:$0x3FB2];
	_ =	sdelay $0x3  }
0x36: {  	p1 =	seq.s32 s10, $0x1;
	s10 =	sld [smem:$0x3FB3];
	_ =	sdelay $0x3  }
0x37: {  	[smem:$0x3FB3] =	sst s10  }
0x38: {  	s10 =	sld [smem:$0x3FB4]  }
0x39: {  	_ = 	snop;
	(pc) =	sbr.ind lr, $3  }
0x3a: {  	_ = 	snop  }
0x3b: {  	_ = 	snop  }
0x3c: {  	p2 =	seq.s32 s10, $0x1;
	s10 =	sld [smem:$0x3FB3]  }
0x3d: {  	_ =	shalt  }
0x3e: {  	_ =	shalt  }
0x3f: {  	_ =	shalt  }
0x40: {  	_ =	shalt  }
0x41: {  	_ =	shalt  }
0x42: {  	_ =	shalt  }
0x43: {  	_ =	shalt  }
0x44: {  	_ =	shalt  }
0x45: {  	_ =	shalt  }
0x46: {  	_ =	shalt  }
0x47: {  	_ =	shalt  }
0x48: {  	_ =	shalt  }
0x49: {  	_ =	shalt  }
0x4a: {  	_ =	shalt  }
0x4b: {  	_ =	shalt  }
0x4c: {  	_ =	shalt  }
0x4d: {  	_ =	shalt  }
0x4e: {  	_ =	shalt  }
0x4f: {  	_ =	shalt  }
0x50: {  	_ =	shalt  }
0x51: {  	_ =	shalt  }
0x52: {  	_ =	shalt  }
0x53: {  	_ =	shalt  }
0x54: {  	_ =	shalt  }
0x55: {  	_ =	shalt  }
0x56: {  	_ =	shalt  }
0x57: {  	_ =	shalt  }
0x58: {  	_ =	shalt  }
0x59: {  	_ =	shalt  }
0x5a: {  	_ =	shalt  }
0x5b: {  	_ =	shalt  }
0x5c: {  	_ =	shalt  }
0x5d: {  	_ =	shalt  }
0x5e: {  	_ =	shalt  }
0x5f: {  	_ =	shalt  }
0x60: {  	_ =	shalt  }
0x61: {  	_ =	shalt  }
0x62: {  	_ =	shalt  }
0x63: {  	_ =	shalt  }
0x64: {  	_ =	shalt  }
0x65: {  	_ =	shalt  }
0x66: {  	_ =	shalt  }
0x67: {  	_ =	shalt  }
0x68: {  	_ =	shalt  }
0x69: {  	_ =	shalt  }
0x6a: {  	_ =	shalt  }
0x6b: {  	_ =	shalt  }
0x6c: {  	_ =	shalt  }
0x6d: {  	_ =	shalt  }
0x6e: {  	_ =	shalt  }
0x6f: {  	_ =	shalt  }
0x70: {  	_ =	shalt  }
0x71: {  	_ =	shalt  }
0x72: {  	_ =	shalt  }
0x73: {  	_ =	shalt  }
0x74: {  	_ =	shalt  }
0x75: {  	_ =	shalt  }
0x76: {  	_ =	shalt  }
0x77: {  	_ =	shalt  }
0x78: {  	_ =	shalt  }
0x79: {  	_ =	shalt  }
0x7a: {  	_ =	shalt  }
0x7b: {  	_ =	shalt  }
0x7c: {  	_ =	shalt  }
0x7d: {  	_ =	shalt  }
0x7e: {  	_ =	shalt  }
0x7f: {  	_ =	shalt  }
0x80: {  	_ =	shalt  }
0x81: {  	_ =	shalt  }
0x82: {  	_ =	shalt  }
0x83: {  	_ =	shalt  }
0x84: {  	_ =	shalt  }
0x85: {  	_ =	shalt  }
0x86: {  	_ =	shalt  }
0x87: {  	_ =	shalt  }
.Lfunc_end0:
.L_simem_size_0:
called_computation.1_lowered:
.L_overlay_start_0:
0x88: {  	s2 =	sld [smem:$0x3FD9]  }
0x89: {  	s3 =	sld [smem:$0x3FFE];
	_ =	sdelay $0x1  }
0x8a: {  	s1 =	srdreg.scid  }
0x8b: {  	s0 =	sand.u32 $0x1, s1  }
0x8c: {  	s16 =	sshll.u32 s0, $0xA;
	s2 =	sadd.s32 s3, s2  }
0x8d: {  	s2 =	sadd.s32 s2, s16  }
0x8e: {  	[smem:$0x3FBF] =	sst s2  }
0x8f: {  	_ = 	snop  }
0x90: {  	(tm) =	ssettm $0x1  }
0x91: {  	s17 =	sld [smem:$0x3FFB];
	_ =	sdelay $0x3  }
0x92: {  	_ =	strace s17  }
0x93: {  	s2 =	sld [smem:$0x3FFC];
	_ =	sdelay $0x3  }
0x94: {  	_ =	strace s2  }
0x95: {  	s2 =	sld [smem:$0x3FFD];
	_ =	sdelay $0x3  }
0x96: {  	_ =	strace s2  }
0x97: {  	_ =	strace $0x8FFFFFFF  }
0x98: {  	s18 =	sld [smem:$0x3FDB];
	_ =	sdelay $0x1  }
0x99: {  	s19 =	simm.s32 $_scs_section_size  }
0x9a: {  	s4 =	simm.s32 $_size__tile_overlayer_lowered;
	s5 =	simm.s32 $_tile_overlayer_lowered  }
0x9b: {  	s22 =	simm.s32 $0x1BFF;
	s21 =	sshll.u32 s5, $0x1;
	s2 =	sadd.s32 s19, s18  }
0x9c: {  	s6 =	simm.s32 $0x0;
	s20 =	sshll.u32 s4, $0x1;
	s4 =	sadd.s32 s21, s2  }
0x9d: {  	[timem:s6], [sflag:s22] =	dma.local [hbm:s4], s20  }
0x9e: {  	_ =	swait.ge [sflag:s22], s20  }
0x9f: {  	s3 =	ssub.s32 $0x0, s20;
	[sflag:s22] =	ssyncset.done $0x0  }
0xa0: {  	[sflag:s22] =	ssyncadd.s32 s3;
	_ =	sdelay $0x1  }
0xa1: {  	s23 =	simm.s32 $0x1B8B  }
0xa2: {  	_ =	swait.ge [sflag:s23], $0x1  }
0xa3: {  	[sflag:s23] =	ssyncset.done $0x0  }
0xa4: {  	s25 =	simm.s32 $0x1B8E;
	s24 =	sld [smem:$0x3FFE];
	[sflag:s23] =	ssyncadd.s32 $0xFFFFFFFF  }
0xa5: {  	s26 =	simm.s32 $execute0_lowered;
	[smem:$0x3FD2] =	sst s25  }
0xa6: {  	s4 =	sshll.u32 s26, $0x1;
	_ =	strace $0x80000049;
	[dreg:$0x1] =	wrdreg $0xFFFFFFFF  }
0xa7: {  	s28 =	simm.s32 $_size_execute0_lowered;
	s2 =	sadd.s32 s2, s4;
	[dreg:$0x0] =	wrdreg $0x0  }
0xa8: {  	s4 =	sshll.u32 s28, $0x1;
	[dreg:$0x2] =	wrdreg s2  }
0xa9: {  	[dreg:$0x3] =	wrdreg s4  }
0xaa: {  	[dreg:$0x4] =	wrdreg $0xC0  }
0xab: {  	_ =	task [dreg:s6], $0x5FFFF  }
0xac: {  	[dreg:$0x1] =	wrdreg $0xFFFFFFFF  }
0xad: {  	[dreg:$0x0] =	wrdreg $0x60  }
0xae: {  	[dreg:$0x2] =	wrdreg s24  }
0xaf: {  	[dreg:$0x3] =	wrdreg $0x13C400  }
0xb0: {  	[dreg:$0x4] =	wrdreg $0x9  }
0xb1: {  	_ =	task.clear_ibuf [dreg:s6], $0x5FFFF;
	_ =	strace $0x90000049  }
0xb2: {  	s29 =	simm.s32 $0x9;
	_ =	strace $0x8000004B  }
0xb3: {  	_ =	swait.ge [sflag:s29], $0x1  }
0xb4: {  	[sflag:s29] =	ssyncadd.s32 $0xFFFFFFFF  }
0xb5: {  	_ =	strace $0x9000004B  }
0xb6: {  	_ =	sfence  }
0xb7: {  	s30 =	sld [smem:$0x0];
	_ =	sdelay $0x2  }
0xb8: {  	s31 =	sshll.u32 s1, $0xD;
	s1 =	sshrl.u32 s1, $0x2  }
0xb9: {  	s3 =	sand.u32 $0x4000, s31;
	s1 =	sadd.s32 s1, s30  }
0xba: {  	s0 =	sor.u32 s3, s0;
	s1 =	sshll.u32 s1, $0x11  }
0xbb: {  	s0 =	sor.u32 s1, s0  }
0xbc: {  	s0 =	sadd.s32 $0x8F2B, s0  }
0xbd: {  	[sflag:s0] =	ssyncadd.remote.s32 $0x1  }
0xbe: {  	_ =	sfence.sel $0xFFFF  }
0xbf: {  	[dreg:$0x0] =	wrdreg $0xFFFFFFFF;
	(pc) =	sbr.abs _section_cstart, $3  }
0xc0: {  	[dreg:$0x1] =	wrdreg $0xFFFFFFFF  }
0xc1: {  	_ =	task.clear_ibuf [dreg:s6], $0x2FFFF;
	_ =	strace $0x9FFFFFFF  }
0xc2: {  	(tm) =	ssettm $0x7FFFFFFF  }
0xc3: {  	_ =	shalt  }
tec
execute0_lowered:
.L_overlay_start_1:
0x0: {  	(tag) =	ssettag $0x1  }
0x1: {  	s0 =	rddreg [dreg:$0x0]  }
0x2: {  	s2 =	srdreg.scid;
	s1 =	rddreg [dreg:$0x1]  }
0x3: {  	s5 =	stileid.u32;
	s16 =	simm.s32 $0x7D;
	s17 =	simm.s32 $0xA000  }
0x4: {  	s19 =	simm.s32 $0xBF40;
	s28 =	simm.s32 $0x2;
	s29 =	simm.s32 $0x3  }
0x5: {  	s30 =	simm.s32 $0x4;
	s31 =	simm.s32 $0x5;
	s15 =	simm.s32 $0x7  }
0x6: {  	s18 =	simm.s32 $0x8;
	s20 =	simm.s32 $0x9;
	s6 =	smul.u32 $0xA00, s5  }
0x7: {  	s3 =	sand.u32 $0x1, s2;
	s2 =	simm.s32 $0x0;
	s7 =	smul.u32 $0x9C00, s5  }
0x8: {  	s11 =	sadd.s32 $0x2B000, s0;
	s23 =	sshll.u32 s5, $0x6;
	s14 =	sadd.s32 $0x9C000, s1  }
0x9: {  	p0 =	sne.s32 s5, $0x0;
	s4 =	smul.u32 $0x138C0, s3;
	[smem:$0x7FF] =	sst s2  }
0xa: {  	s21 =	ssub.s32 $0x2, s3;
	s3 =	smul.u32 $0x9C400, s3;
	s14 =	sshrl.u32 @!p0 s14, $0x3  }
0xb: {  	_ =	strace $0x8000004A;
	s9 =	sadd.s32 s6, s0;
	s22 =	sshrl.u32 s7, $0x3  }
0xc: {  	s10 =	sshrl.u32 s21, $0x1;
	s13 =	sadd.s32 s7, s1;
	s8 =	sadd.s32 s4, s0  }
0xd: {  	s6 =	sadd.s32 s22, s0;
	s12 =	ssub.s32 s21, s10;
	s4 =	sor.u32 $0x1C0B, s23  }
0xe: {  	s0 =	sadd.s32 $0x16C00, s0;
	s24 =	sadd.s32 $0x17000, s9;
	s25 =	sadd.s32 s7, s3  }
0xf: {  	s7 =	sadd.s32 $0x21000, s9;
	s3 =	sshrl.u32 s3, $0x3;
	s21 =	simm.s32 $0xDE80  }
0x10: {  	s23 =	simm.s32 $0xFDC0;
	s22 =	simm.s32 $0xA;
	[dreg:$0x4] =	wrdreg s0  }
0x11: {  	s6 =	sadd.s32 $0x3400, s6;
	[dreg:$0x5] =	wrdreg s24;
	s0 =	sshrl.u32 s25, $0x3  }
0x12: {  	s8 =	sadd.s32 $0xA0600, s8;
	s26 =	sadd.s32 s11, s3;
	s25 =	simm.s32 $0x11D00  }
0x13: {  	s24 =	simm.s32 $0x0;
	[dreg:$0x3] =	wrdreg s6;
	s9 =	sadd.s32 s11, s0  }
0x14: {  	s10 =	sadd.s32 $0x13800, s26;
	s11 =	smax.u32 s12, $0x1;
	s12 =	sshrl.u32 s13, $0x3  }
0x15: {  	s13 =	simm.s32 $0xB;
	s26 =	simm.s32 $0x1;
	s0 =	simm.s32 $0x6  }
.LBB2_1:
0x16: {  	s3 =	rddreg [dreg:$0x3]  }
0x17: {  	[spmem:s12], [sflag:s4] =	dma.local [hbm:s3], $0x1380  }
0x18: {  	_ =	swait.ge [sflag:s13], $0x1380  }
0x19: {  	[sflag:s13] =	ssyncset.done $0x0  }
0x1a: {  	s3 =	rddreg [dreg:$0x4];
	[sflag:s13] =	ssyncadd.s32 $0xFFFFEC80  }
0x1b: {  	[spmem:s14], [sflag:s4] =	dma.local @!p0 [hbm:s3], $0x80  }
0x1c: {  	s3 =	simm.s32 @!p0 $0xB  }
0x1d: {  	_ =	swait.ge @!p0 [sflag:s3], $0x80  }
0x1e: {  	[sflag:s3] =	ssyncset.done @!p0 $0x0  }
0x1f: {  	s6 =	rddreg [dreg:$0x5];
	[sflag:s3] =	ssyncadd.s32 @!p0 $0xFFFFFF80  }
0x20: {  	[tilespmem:s2], [sflag:$0xB] =	stream.linear.gather [hbm4b:s6+s2], $0x5000, $0x38;
	[tilespmem:$0x1D880] =	vst v63  }
0x21: {  	_ =	swait.ge [sflag:s13], $0x5000  }
0x22: {  	[sflag:s13] =	ssyncset.done $0x0  }
0x23: {  	s5 =	simm.s32 $0x5000;
	[sflag:s13] =	ssyncadd.s32 $0xFFFFB000  }
0x24: {  	[tilespmem:s5], [sflag:$0xB] =	stream.linear.gather [hbm4b:s7+s2], $0x5000, $0x38;
	[tilespmem:$0x1D880] =	vst v63  }
0x25: {  	_ =	swait.ge [sflag:s13], $0x5000  }
0x26: {  	[sflag:s13] =	ssyncset.done $0x0  }
0x27: {  	[sflag:s13] =	ssyncadd.s32 $0xFFFFB000  }
0x28: {  	[bflag:$0x0] =	sbarrier.arrive $0xFFFF  }
0x29: {  	[tilespmem:s17], [sflag:$0x1] =	stream.indirect.gather [hbm4b:s8+s16], $0x40, s2, s16, $0xb8;
	[tilespmem:$0x1D880] =	vst v63  }
0x2a: {  	s6 =	simm.s32 $0x80  }
0x2b: {  	[tilespmem:s19], [sflag:$0x2] =	stream.indirect.gather [hbm4b:s8+s16], $0x40, s6, s16, $0xb8;
	[tilespmem:$0x1D880] =	vst v63  }
0x2c: {  	s5 =	simm.s32 $0x100  }
0x2d: {  	[tilespmem:s21], [sflag:$0x3] =	stream.indirect.gather [hbm4b:s8+s16], $0x40, s5, s16, $0xb8;
	[tilespmem:$0x1D880] =	vst v63  }
0x2e: {  	s6 =	simm.s32 $0x180  }
0x2f: {  	[tilespmem:s23], [sflag:$0x4] =	stream.indirect.gather [hbm4b:s8+s16], $0x40, s6, s16, $0xb8;
	[tilespmem:$0x1D880] =	vst v63  }
0x30: {  	s5 =	simm.s32 $0x200  }
0x31: {  	[tilespmem:s25], [sflag:$0x5] =	stream.indirect.gather [hbm4b:s8+s16], $0x40, s5, s16, $0xb8;
	[tilespmem:$0x1D880] =	vst v63  }
0x32: {  	_ =	swait.ge [sflag:s26], $0x1F40  }
0x33: {  	[sflag:s26] =	ssyncset.done $0x0  }
0x34: {  	s6 =	simm.s32 $0x5000;
	[sflag:s26] =	ssyncadd.s32 $0xFFFFE0C0  }
0x35: {  	[spmem:s1] =	stream.indirect.scatter.add.f32 [tilespmem:s17], [sflag:$0x6], $0x40, s6, s16, $0xb8;
	[tilespmem:$0x1D880] =	vst v63  }
0x36: {  	_ =	swait.ge [sflag:s28], $0x1F40  }
0x37: {  	[sflag:s28] =	ssyncset.done $0x0  }
0x38: {  	s5 =	simm.s32 $0x5080;
	[sflag:s28] =	ssyncadd.s32 $0xFFFFE0C0  }
0x39: {  	[spmem:s1] =	stream.indirect.scatter.add.f32 [tilespmem:s19], [sflag:$0x7], $0x40, s5, s16, $0xb8;
	[tilespmem:$0x1D880] =	vst v63  }
0x3a: {  	_ =	swait.ge [sflag:s29], $0x1F40  }
0x3b: {  	[sflag:s29] =	ssyncset.done $0x0  }
0x3c: {  	s6 =	simm.s32 $0x5100;
	[sflag:s29] =	ssyncadd.s32 $0xFFFFE0C0  }
0x3d: {  	[spmem:s1] =	stream.indirect.scatter.add.f32 [tilespmem:s21], [sflag:$0x8], $0x40, s6, s16, $0xb8;
	[tilespmem:$0x1D880] =	vst v63  }
0x3e: {  	_ =	swait.ge [sflag:s30], $0x1F40  }
0x3f: {  	[sflag:s30] =	ssyncset.done $0x0  }
0x40: {  	s5 =	simm.s32 $0x5180;
	[sflag:s30] =	ssyncadd.s32 $0xFFFFE0C0  }
0x41: {  	[spmem:s1] =	stream.indirect.scatter.add.f32 [tilespmem:s23], [sflag:$0x9], $0x40, s5, s16, $0xb8;
	[tilespmem:$0x1D880] =	vst v63  }
0x42: {  	_ =	swait.ge [sflag:s31], $0x1F40  }
0x43: {  	[sflag:s31] =	ssyncset.done $0x0  }
0x44: {  	s6 =	simm.s32 $0x5200;
	[sflag:s31] =	ssyncadd.s32 $0xFFFFE0C0  }
0x45: {  	[spmem:s1] =	stream.indirect.scatter.add.f32 [tilespmem:s25], [sflag:$0xA], $0x40, s6, s16, $0xb8;
	[tilespmem:$0x1D880] =	vst v63  }
0x46: {  	_ =	swait.ge [sflag:s0], $0x1F40  }
0x47: {  	[sflag:s0] =	ssyncset.done $0x0  }
0x48: {  	s5 =	simm.s32 $0x280;
	[sflag:s0] =	ssyncadd.s32 $0xFFFFE0C0  }
0x49: {  	[tilespmem:s17], [sflag:$0x1] =	stream.indirect.gather [hbm4b:s8+s16], $0x40, s5, s16, $0xb8;
	[tilespmem:$0x1D880] =	vst v63  }
0x4a: {  	_ =	swait.ge [sflag:s15], $0x1F40  }
0x4b: {  	[sflag:s15] =	ssyncset.done $0x0  }
0x4c: {  	s6 =	simm.s32 $0x300;
	[sflag:s15] =	ssyncadd.s32 $0xFFFFE0C0  }
0x4d: {  	[tilespmem:s19], [sflag:$0x2] =	stream.indirect.gather [hbm4b:s8+s16], $0x40, s6, s16, $0xb8;
	[tilespmem:$0x1D880] =	vst v63  }
0x4e: {  	_ =	swait.ge [sflag:s18], $0x1F40  }
0x4f: {  	[sflag:s18] =	ssyncset.done $0x0  }
0x50: {  	s5 =	simm.s32 $0x380;
	[sflag:s18] =	ssyncadd.s32 $0xFFFFE0C0  }
0x51: {  	[tilespmem:s21], [sflag:$0x3] =	stream.indirect.gather [hbm4b:s8+s16], $0x40, s5, s16, $0xb8;
	[tilespmem:$0x1D880] =	vst v63  }
0x52: {  	_ =	swait.ge [sflag:s20], $0x1F40  }
0x53: {  	[sflag:s20] =	ssyncset.done $0x0  }
0x54: {  	s6 =	simm.s32 $0x400;
	[sflag:s20] =	ssyncadd.s32 $0xFFFFE0C0  }
0x55: {  	[tilespmem:s23], [sflag:$0x4] =	stream.indirect.gather [hbm4b:s8+s16], $0x40, s6, s16, $0xb8;
	[tilespmem:$0x1D880] =	vst v63  }
0x56: {  	_ =	swait.ge [sflag:s22], $0x1F40  }
0x57: {  	[sflag:s22] =	ssyncset.done $0x0  }
0x58: {  	s3 =	simm.s32 $0xA00;
	s5 =	simm.s32 $0x480;
	[sflag:s22] =	ssyncadd.s32 $0xFFFFE0C0  }
.LBB2_2:
0x59: {  	[tilespmem:s25], [sflag:$0x5] =	stream.indirect.gather [hbm4b:s8+s16], $0x40, s5, s16, $0xb8;
	[tilespmem:$0x1D880] =	vst v63  }
0x5a: {  	s5 =	smov.u32 s3  }
0x5b: {  	p1 =	sne.s32 s3, $0x12C00;
	s3 =	sadd.s32 $0xA00, s3;
	_ =	swait.ge [sflag:s26], $0x1F40  }
0x5c: {  	s5 =	sshra.s32 s5, $0x2;
	[sflag:s26] =	ssyncset.done $0x0  }
0x5d: {  	s6 =	sadd.s32 $0x5000, s5;
	[sflag:s26] =	ssyncadd.s32 $0xFFFFE0C0  }
0x5e: {  	[spmem:s1] =	stream.indirect.scatter.add.f32 [tilespmem:s17], [sflag:$0x6], $0x40, s6, s16, $0xb8;
	[tilespmem:$0x1D880] =	vst v63  }
0x5f: {  	_ =	swait.ge [sflag:s28], $0x1F40  }
0x60: {  	[sflag:s28] =	ssyncset.done $0x0  }
0x61: {  	s6 =	sadd.s32 $0x5080, s5;
	[sflag:s28] =	ssyncadd.s32 $0xFFFFE0C0  }
0x62: {  	[spmem:s1] =	stream.indirect.scatter.add.f32 [tilespmem:s19], [sflag:$0x7], $0x40, s6, s16, $0xb8;
	[tilespmem:$0x1D880] =	vst v63  }
0x63: {  	_ =	swait.ge [sflag:s29], $0x1F40  }
0x64: {  	[sflag:s29] =	ssyncset.done $0x0  }
0x65: {  	s6 =	sadd.s32 $0x5100, s5;
	[sflag:s29] =	ssyncadd.s32 $0xFFFFE0C0  }
0x66: {  	[spmem:s1] =	stream.indirect.scatter.add.f32 [tilespmem:s21], [sflag:$0x8], $0x40, s6, s16, $0xb8;
	[tilespmem:$0x1D880] =	vst v63  }
0x67: {  	_ =	swait.ge [sflag:s30], $0x1F40  }
0x68: {  	[sflag:s30] =	ssyncset.done $0x0  }
0x69: {  	s6 =	sadd.s32 $0x5180, s5;
	[sflag:s30] =	ssyncadd.s32 $0xFFFFE0C0  }
0x6a: {  	[spmem:s1] =	stream.indirect.scatter.add.f32 [tilespmem:s23], [sflag:$0x9], $0x40, s6, s16, $0xb8;
	[tilespmem:$0x1D880] =	vst v63  }
0x6b: {  	_ =	swait.ge [sflag:s31], $0x1F40  }
0x6c: {  	[sflag:s31] =	ssyncset.done $0x0  }
0x6d: {  	s6 =	sadd.s32 $0x5200, s5;
	[sflag:s31] =	ssyncadd.s32 $0xFFFFE0C0  }
0x6e: {  	[spmem:s1] =	stream.indirect.scatter.add.f32 [tilespmem:s25], [sflag:$0xA], $0x40, s6, s16, $0xb8;
	[tilespmem:$0x1D880] =	vst v63  }
0x6f: {  	_ =	swait.ge [sflag:s0], $0x1F40  }
0x70: {  	[sflag:s0] =	ssyncset.done $0x0  }
0x71: {  	s6 =	sadd.s32 $0x280, s5;
	[sflag:s0] =	ssyncadd.s32 $0xFFFFE0C0  }
0x72: {  	[tilespmem:s17], [sflag:$0x1] =	stream.indirect.gather [hbm4b:s8+s16], $0x40, s6, s16, $0xb8;
	[tilespmem:$0x1D880] =	vst v63  }
0x73: {  	_ =	swait.ge [sflag:s15], $0x1F40  }
0x74: {  	[sflag:s15] =	ssyncset.done $0x0  }
0x75: {  	s6 =	sadd.s32 $0x300, s5;
	[sflag:s15] =	ssyncadd.s32 $0xFFFFE0C0  }
0x76: {  	[tilespmem:s19], [sflag:$0x2] =	stream.indirect.gather [hbm4b:s8+s16], $0x40, s6, s16, $0xb8;
	[tilespmem:$0x1D880] =	vst v63  }
0x77: {  	_ =	swait.ge [sflag:s18], $0x1F40  }
0x78: {  	[sflag:s18] =	ssyncset.done $0x0  }
0x79: {  	s6 =	sadd.s32 $0x380, s5;
	[sflag:s18] =	ssyncadd.s32 $0xFFFFE0C0  }
0x7a: {  	[tilespmem:s21], [sflag:$0x3] =	stream.indirect.gather [hbm4b:s8+s16], $0x40, s6, s16, $0xb8;
	[tilespmem:$0x1D880] =	vst v63  }
0x7b: {  	_ =	swait.ge [sflag:s20], $0x1F40  }
0x7c: {  	[sflag:s20] =	ssyncset.done $0x0  }
.Ltmp0:
0x7d: {  	s6 =	sadd.s32 $0x400, s5;
	[sflag:s20] =	ssyncadd.s32 $0xFFFFE0C0;
	(pc) =	sbr.rel @p1 .LBB2_2-.Ltmp0, $4  }
0x7e: {  	[tilespmem:s23], [sflag:$0x4] =	stream.indirect.gather [hbm4b:s8+s16], $0x40, s6, s16, $0xb8;
	[tilespmem:$0x1D880] =	vst v63  }
0x7f: {  	_ =	swait.ge [sflag:s22], $0x1F40  }
0x80: {  	[sflag:s22] =	ssyncset.done $0x0  }
0x81: {  	s5 =	sadd.s32 $0x480, s5;
	[sflag:s22] =	ssyncadd.s32 $0xFFFFE0C0  }
0x82: {  	[tilespmem:s25], [sflag:$0x5] =	stream.indirect.gather [hbm4b:s8+s16], $0x40, s5, s16, $0xb8;
	[tilespmem:$0x1D880] =	vst v63  }
0x83: {  	_ =	swait.ge [sflag:s26], $0x1F40  }
0x84: {  	[sflag:s26] =	ssyncset.done $0x0  }
0x85: {  	s3 =	simm.s32 $0x9D80;
	[sflag:s26] =	ssyncadd.s32 $0xFFFFE0C0  }
0x86: {  	[spmem:s1] =	stream.indirect.scatter.add.f32 [tilespmem:s17], [sflag:$0x6], $0x40, s3, s16, $0xb8;
	[tilespmem:$0x1D880] =	vst v63  }
0x87: {  	_ =	swait.ge [sflag:s28], $0x1F40  }
0x88: {  	[sflag:s28] =	ssyncset.done $0x0  }
0x89: {  	s5 =	simm.s32 $0x9E00;
	[sflag:s28] =	ssyncadd.s32 $0xFFFFE0C0  }
0x8a: {  	[spmem:s1] =	stream.indirect.scatter.add.f32 [tilespmem:s19], [sflag:$0x7], $0x40, s5, s16, $0xb8;
	[tilespmem:$0x1D880] =	vst v63  }
0x8b: {  	_ =	swait.ge [sflag:s29], $0x1F40  }
0x8c: {  	[sflag:s29] =	ssyncset.done $0x0  }
0x8d: {  	s6 =	simm.s32 $0x9E80;
	[sflag:s29] =	ssyncadd.s32 $0xFFFFE0C0  }
0x8e: {  	[spmem:s1] =	stream.indirect.scatter.add.f32 [tilespmem:s21], [sflag:$0x8], $0x40, s6, s16, $0xb8;
	[tilespmem:$0x1D880] =	vst v63  }
0x8f: {  	_ =	swait.ge [sflag:s30], $0x1F40  }
0x90: {  	[sflag:s30] =	ssyncset.done $0x0  }
0x91: {  	s5 =	simm.s32 $0x9F00;
	[sflag:s30] =	ssyncadd.s32 $0xFFFFE0C0  }
0x92: {  	[spmem:s1] =	stream.indirect.scatter.add.f32 [tilespmem:s23], [sflag:$0x9], $0x40, s5, s16, $0xb8;
	[tilespmem:$0x1D880] =	vst v63  }
0x93: {  	_ =	swait.ge [sflag:s31], $0x1F40  }
0x94: {  	[sflag:s31] =	ssyncset.done $0x0  }
0x95: {  	s6 =	simm.s32 $0x9F80;
	[sflag:s31] =	ssyncadd.s32 $0xFFFFE0C0  }
0x96: {  	[spmem:s1] =	stream.indirect.scatter.add.f32 [tilespmem:s25], [sflag:$0xA], $0x40, s6, s16, $0xb8;
	[tilespmem:$0x1D880] =	vst v63  }
0x97: {  	_ =	swait.ge [sflag:s0], $0x1F40  }
0x98: {  	[sflag:s0] =	ssyncset.done $0x0  }
0x99: {  	[sflag:s0] =	ssyncadd.s32 $0xFFFFE0C0  }
0x9a: {  	_ =	swait.ge [sflag:s15], $0x1F40  }
0x9b: {  	[sflag:s15] =	ssyncset.done $0x0  }
0x9c: {  	[sflag:s15] =	ssyncadd.s32 $0xFFFFE0C0  }
0x9d: {  	_ =	swait.ge [sflag:s18], $0x1F40  }
0x9e: {  	[sflag:s18] =	ssyncset.done $0x0  }
0x9f: {  	[sflag:s18] =	ssyncadd.s32 $0xFFFFE0C0  }
0xa0: {  	_ =	swait.ge [sflag:s20], $0x1F40  }
0xa1: {  	[sflag:s20] =	ssyncset.done $0x0  }
0xa2: {  	[sflag:s20] =	ssyncadd.s32 $0xFFFFE0C0  }
0xa3: {  	_ =	swait.ge [sflag:s22], $0x1F40  }
0xa4: {  	[sflag:s22] =	ssyncset.done $0x0  }
0xa5: {  	[sflag:s22] =	ssyncadd.s32 $0xFFFFE0C0  }
0xa6: {  	[bflag:$0x0] =	sbarrier.arrive $0xFFFF  }
0xa7: {  	[hbm:s9], [sflag:s4] =	dma.local [spmem:s12], $0x1380  }
0xa8: {  	s24 =	sadd.s32 $0x1, s24;
	_ =	swait.ge [sflag:s13], $0x1380  }
0xa9: {  	p1 =	sne.s32 s24, s11;
	[sflag:s13] =	ssyncset.done $0x0  }
.Ltmp1:
0xaa: {  	s3 =	simm.s32 @!p0 $0xB;
	[sflag:s13] =	ssyncadd.s32 $0xFFFFEC80;
	(pc) =	sbr.rel @p1 .LBB2_1-.Ltmp1, $4  }
0xab: {  	[hbm:s10], [sflag:s4] =	dma.local @!p0 [spmem:s14], $0x80  }
0xac: {  	_ =	swait.ge @!p0 [sflag:s3], $0x80  }
0xad: {  	[sflag:s3] =	ssyncset.done @!p0 $0x0  }
0xae: {  	[sflag:s3] =	ssyncadd.s32 @!p0 $0xFFFFFF80  }
0xaf: {  	_ =	sfence.sel $0x180000  }
0xb0: {  	[bflag:$0x0] =	sbarrier.arrive $0xFFFF  }
0xb1: {  	_ =	strace $0x9000004A  }
0xb2: {  	[bflag:$0x2] =	sbarrier.arrive $0xFFFF  }
0xb3: {  	s0 =	rddreg [dreg:$0x2]  }
0xb4: {  	s0 =	sadd.s32 @!p0 $0x100000, s0  }
0xb5: {  	[sflag:s0] =	ssyncadd.tile.s32 @!p0 $0x1;
	_ =	shalt  }
.Lfunc_end2:
_tile_overlayer_lowered:
.L_overlay_start_2:
0xb6: {  	(tag) =	ssettag $0x2  }
0xb7: {  	s0 =	rddreg [dreg:$0x0];
	s2 =	stileid.u32  }
0xb8: {  	s1 =	rddreg [dreg:$0x1];
	p0 =	sne.s32 s2, $0x0  }
0xb9: {  	s3 =	rddreg [dreg:$0x2];
	[bflag:$0x3] =	sbarrier.arrive $0xFFFF;
	s2 =	simm.s32 @!p0 $0x1C0B  }
0xba: {  	[timem:s3], [sflag:s2] =	dma.local @!p0 [hbm:s0], s1  }
0xbb: {  	s0 =	simm.s32 @!p0 $0xB  }
0xbc: {  	_ =	swait.ge @!p0 [sflag:s0], s1  }
0xbd: {  	s1 =	ssub.s32 @!p0 $0x0, s1;
	[sflag:s0] =	ssyncset.done @!p0 $0x0  }
0xbe: {  	[sflag:s0] =	ssyncadd.s32 @!p0 s1  }
0xbf: {  	[bflag:$0x3] =	sbarrier.arrive $0xFFFF  }
0xc0: {  	_ =	shalt  }

// kernel: kernel.17.cloned.1.call-start
scs
__scs_entry_jumppad:
0x0: {  	(pc) =	sbr.rel $0x88, $3  }
0x1: {  	(tag) =	ssettag $0x0;
	lr =	simm.s32 $0x1  }
0x2: {  	[smem:$0x3F98] =	sst lr;
	_ =	strace $0xD0000000  }
0x3: {  	_ = 	snop  }
0x4: {  	_ = 	snop  }
0x5: {  	_ = 	snop  }
0x6: {  	_ = 	snop  }
0x7: {  	_ = 	snop  }
__scs_overlays_trampoline_lowered:
0x8: {  	[smem:$0x3FA7] =	sst s0  }
0x9: {  	[smem:$0x3FA8] =	sst s1  }
0xa: {  	[smem:$0x3FA9] =	sst s2  }
0xb: {  	[smem:$0x3FAA] =	sst s3  }
0xc: {  	[smem:$0x3FAB] =	sst s4  }
0xd: {  	[smem:$0x3FAC] =	sst s5  }
0xe: {  	[smem:$0x3FAD] =	sst s6  }
0xf: {  	[smem:$0x3FAE] =	sst s7  }
0x10: {  	[smem:$0x3FAF] =	sst s8  }
0x11: {  	[smem:$0x3FB0] =	sst s9;
	s0 =	simm.s32 @!p0 $0x0  }
0x12: {  	s1 =	sld [smem:$0x3F96];
	s0 =	simm.s32 @p0 $0x1  }
0x13: {  	[smem:$0x3FB1] =	sst s0;
	s0 =	simm.s32 @!p1 $0x0  }
0x14: {  	s2 =	sld [smem:$0x3F95];
	s0 =	simm.s32 @p1 $0x1  }
0x15: {  	[smem:$0x3FB2] =	sst s0;
	s0 =	simm.s32 @!p2 $0x0  }
0x16: {  	s3 =	sld [smem:$0x3FDB];
	s0 =	simm.s32 @p2 $0x1  }
0x17: {  	s4 =	simm.s32 $0x1BF5;
	[smem:$0x3FB4] =	sst s0  }
0x18: {  	s0 =	sld [smem:$0x3F97];
	_ =	swait.ge [sflag:s4], $0x0  }
0x19: {  	s7 =	sld [smem:$0x3F98]  }
0x1a: {  	s8 =	sadd.s32 $0xFFFFE003, lr  }
0x1b: {  	s9 =	sadd.s32 $0xFFFFFEF7, lr;
	s5 =	simm.s32 $0xFFFFFFFF;
	p2 =	slt.u32 s8, $0xFFFFF086  }
0x1c: {  	p1 =	slt.u32 s9, $0xF7A;
	s5 =	simm.s32 @!p2 $0x0  }
0x1d: {  	s5 =	simm.s32 @p1 $0x1;
	p0 =	seq.s32 s7, s2  }
0x1e: {  	s7 =	smul.u32 @!p0 $0xF7A, s2;
	p2 =	seq.s32 @!p0 s5, $0x0  }
0x1f: {  	s9 =	smul.u32 $0xF7A, s1;
	s8 =	simm.s32 @!p0 $0x1BF5;
	p2 =	por !p2, p0  }
0x20: {  	[sflag:s8] =	ssyncset.s32 @!p0 $0xFFFFF086;
	s6 =	sadd.s32 @!p0 s3, s7;
	s7 =	simm.s32 @!p0 $0x108  }
0x21: {  	s3 =	sadd.s32 s3, s9;
	s6 =	sadd.s32 @!p0 $0x88, s6;
	s7 =	simm.s32 @p2 $0x1082  }
0x22: {  	[simem:s7], [sflag:s8] =	dma.local @!p0 [hbm:s6], $0xF7A  }
0x23: {  	s9 =	sor.u32 $0xD0000000, s2;
	s6 =	simm.s32 $0x108;
	_ =	swait.ge @!p0 [sflag:s8], $0x0  }
0x24: {  	s3 =	sadd.s32 $0x88, s3;
	s6 =	simm.s32 @!p1 $0x1082;
	[sflag:s4] =	ssyncset.s32 $0xFFFFF086  }
0x25: {  	[simem:s6], [sflag:s4] =	dma.local [hbm:s3], $0xF7A  }
0x26: {  	[smem:$0x3F98] =	sst s1;
	(tag) =	ssettag s2;
	_ =	strace s9  }
0x27: {  	s1 =	sld [smem:$0x3FA8]  }
0x28: {  	s2 =	sld [smem:$0x3FA9]  }
0x29: {  	s4 =	sld [smem:$0x3FAB]  }
0x2a: {  	p0 =	seq.s32 s5, $0x0;
	s5 =	sld [smem:$0x3FAC]  }
0x2b: {  	s6 =	sld [smem:$0x3FAD]  }
0x2c: {  	s7 =	sld [smem:$0x3FAE]  }
0x2d: {  	s3 =	simm.s32 $0x108;
	s8 =	sld [smem:$0x3FAF]  }
0x2e: {  	s3 =	simm.s32 @!p0 $0x1082;
	s9 =	sld [smem:$0x3FB0]  }
0x2f: {  	lr =	sadd.s32 s0, s3;
	s0 =	sld [smem:$0x3FA7]  }
0x30: {  	s3 =	sld [smem:$0x3FAA]  }
0x31: {  	[smem:$0x3FB3] =	sst s10  }
0x32: {  	s10 =	sld [smem:$0x3FB1];
	_ =	sdelay $0x3  }
0x33: {  	p0 =	seq.s32 s10, $0x1;
	s10 =	sld [smem:$0x3FB3];
	_ =	sdelay $0x3  }
0x34: {  	[smem:$0x3FB3] =	sst s10  }
0x35: {  	s10 =	sld [smem:$0x3FB2];
	_ =	sdelay $0x3  }
0x36: {  	p1 =	seq.s32 s10, $0x1;
	s10 =	sld [smem:$0x3FB3];
	_ =	sdelay $0x3  }
0x37: {  	[smem:$0x3FB3] =	sst s10  }
0x38: {  	s10 =	sld [smem:$0x3FB4]  }
0x39: {  	_ = 	snop;
	(pc) =	sbr.ind lr, $3  }
0x3a: {  	_ = 	snop  }
0x3b: {  	_ = 	snop  }
0x3c: {  	p2 =	seq.s32 s10, $0x1;
	s10 =	sld [smem:$0x3FB3]  }
0x3d: {  	_ =	shalt  }
0x3e: {  	_ =	shalt  }
0x3f: {  	_ =	shalt  }
0x40: {  	_ =	shalt  }
0x41: {  	_ =	shalt  }
0x42: {  	_ =	shalt  }
0x43: {  	_ =	shalt  }
0x44: {  	_ =	shalt  }
0x45: {  	_ =	shalt  }
0x46: {  	_ =	shalt  }
0x47: {  	_ =	shalt  }
0x48: {  	_ =	shalt  }
0x49: {  	_ =	shalt  }
0x4a: {  	_ =	shalt  }
0x4b: {  	_ =	shalt  }
0x4c: {  	_ =	shalt  }
0x4d: {  	_ =	shalt  }
0x4e: {  	_ =	shalt  }
0x4f: {  	_ =	shalt  }
0x50: {  	_ =	shalt  }
0x51: {  	_ =	shalt  }
0x52: {  	_ =	shalt  }
0x53: {  	_ =	shalt  }
0x54: {  	_ =	shalt  }
0x55: {  	_ =	shalt  }
0x56: {  	_ =	shalt  }
0x57: {  	_ =	shalt  }
0x58: {  	_ =	shalt  }
0x59: {  	_ =	shalt  }
0x5a: {  	_ =	shalt  }
0x5b: {  	_ =	shalt  }
0x5c: {  	_ =	shalt  }
0x5d: {  	_ =	shalt  }
0x5e: {  	_ =	shalt  }
0x5f: {  	_ =	shalt  }
0x60: {  	_ =	shalt  }
0x61: {  	_ =	shalt  }
0x62: {  	_ =	shalt  }
0x63: {  	_ =	shalt  }
0x64: {  	_ =	shalt  }
0x65: {  	_ =	shalt  }
0x66: {  	_ =	shalt  }
0x67: {  	_ =	shalt  }
0x68: {  	_ =	shalt  }
0x69: {  	_ =	shalt  }
0x6a: {  	_ =	shalt  }
0x6b: {  	_ =	shalt  }
0x6c: {  	_ =	shalt  }
0x6d: {  	_ =	shalt  }
0x6e: {  	_ =	shalt  }
0x6f: {  	_ =	shalt  }
0x70: {  	_ =	shalt  }
0x71: {  	_ =	shalt  }
0x72: {  	_ =	shalt  }
0x73: {  	_ =	shalt  }
0x74: {  	_ =	shalt  }
0x75: {  	_ =	shalt  }
0x76: {  	_ =	shalt  }
0x77: {  	_ =	shalt  }
0x78: {  	_ =	shalt  }
0x79: {  	_ =	shalt  }
0x7a: {  	_ =	shalt  }
0x7b: {  	_ =	shalt  }
0x7c: {  	_ =	shalt  }
0x7d: {  	_ =	shalt  }
0x7e: {  	_ =	shalt  }
0x7f: {  	_ =	shalt  }
0x80: {  	_ =	shalt  }
0x81: {  	_ =	shalt  }
0x82: {  	_ =	shalt  }
0x83: {  	_ =	shalt  }
0x84: {  	_ =	shalt  }
0x85: {  	_ =	shalt  }
0x86: {  	_ =	shalt  }
0x87: {  	_ =	shalt  }
.Lfunc_end0:
.L_simem_size_0:
called_computation.2_lowered:
.L_overlay_start_0:
0x88: {  	s2 =	sld [smem:$0x3FD9]  }
0x89: {  	s3 =	sld [smem:$0x3FFE];
	_ =	sdelay $0x1  }
0x8a: {  	s1 =	srdreg.scid  }
0x8b: {  	s0 =	sand.u32 $0x1, s1  }
0x8c: {  	s16 =	sshll.u32 s0, $0xA;
	s2 =	sadd.s32 s3, s2  }
0x8d: {  	s2 =	sadd.s32 s2, s16  }
0x8e: {  	[smem:$0x3FBF] =	sst s2  }
0x8f: {  	_ = 	snop  }
0x90: {  	(tm) =	ssettm $0x1  }
0x91: {  	s17 =	sld [smem:$0x3FFB];
	_ =	sdelay $0x3  }
0x92: {  	_ =	strace s17  }
0x93: {  	s2 =	sld [smem:$0x3FFC];
	_ =	sdelay $0x3  }
0x94: {  	_ =	strace s2  }
0x95: {  	s2 =	sld [smem:$0x3FFD];
	_ =	sdelay $0x3  }
0x96: {  	_ =	strace s2  }
0x97: {  	_ =	strace $0x8FFFFFFF  }
0x98: {  	s18 =	sld [smem:$0x3FDB];
	_ =	sdelay $0x1  }
0x99: {  	s19 =	simm.s32 $_scs_section_size  }
0x9a: {  	s4 =	simm.s32 $_size__tile_overlayer_lowered;
	s5 =	simm.s32 $_tile_overlayer_lowered  }
0x9b: {  	s22 =	simm.s32 $0x1BFF;
	s21 =	sshll.u32 s5, $0x1;
	s2 =	sadd.s32 s19, s18  }
0x9c: {  	s6 =	simm.s32 $0x0;
	s20 =	sshll.u32 s4, $0x1;
	s4 =	sadd.s32 s21, s2  }
0x9d: {  	[timem:s6], [sflag:s22] =	dma.local [hbm:s4], s20  }
0x9e: {  	_ =	swait.ge [sflag:s22], s20  }
0x9f: {  	s3 =	ssub.s32 $0x0, s20;
	[sflag:s22] =	ssyncset.done $0x0  }
0xa0: {  	[sflag:s22] =	ssyncadd.s32 s3;
	_ =	sdelay $0x1  }
0xa1: {  	s23 =	simm.s32 $0x1B8B  }
0xa2: {  	_ =	swait.ge [sflag:s23], $0x1  }
0xa3: {  	[sflag:s23] =	ssyncset.done $0x0  }
0xa4: {  	s25 =	simm.s32 $0x1B8E;
	s24 =	sld [smem:$0x3FFE];
	[sflag:s23] =	ssyncadd.s32 $0xFFFFFFFF  }
0xa5: {  	s26 =	simm.s32 $execute0_lowered;
	[smem:$0x3FD2] =	sst s25  }
0xa6: {  	s4 =	sshll.u32 s26, $0x1;
	_ =	strace $0x8000004C;
	[dreg:$0x1] =	wrdreg $0xFFFFFFFF  }
0xa7: {  	s28 =	simm.s32 $_size_execute0_lowered;
	s2 =	sadd.s32 s2, s4;
	[dreg:$0x0] =	wrdreg $0x0  }
0xa8: {  	s4 =	sshll.u32 s28, $0x1;
	[dreg:$0x2] =	wrdreg s2  }
0xa9: {  	[dreg:$0x3] =	wrdreg s4  }
0xaa: {  	[dreg:$0x4] =	wrdreg $0xC0  }
0xab: {  	_ =	task [dreg:s6], $0x5FFFF  }
0xac: {  	[dreg:$0x1] =	wrdreg $0xFFFFFFFF  }
0xad: {  	[dreg:$0x0] =	wrdreg $0x60  }
0xae: {  	[dreg:$0x2] =	wrdreg s24  }
0xaf: {  	[dreg:$0x3] =	wrdreg $0x13C400  }
0xb0: {  	[dreg:$0x4] =	wrdreg $0x9  }
0xb1: {  	_ =	task.clear_ibuf [dreg:s6], $0x5FFFF;
	_ =	strace $0x9000004C  }
0xb2: {  	s29 =	simm.s32 $0x9;
	_ =	strace $0x8000004E  }
0xb3: {  	_ =	swait.ge [sflag:s29], $0x1  }
0xb4: {  	[sflag:s29] =	ssyncadd.s32 $0xFFFFFFFF  }
0xb5: {  	_ =	strace $0x9000004E  }
0xb6: {  	_ =	sfence  }
0xb7: {  	s30 =	sld [smem:$0x0];
	_ =	sdelay $0x2  }
0xb8: {  	s31 =	sshll.u32 s1, $0xD;
	s1 =	sshrl.u32 s1, $0x2  }
0xb9: {  	s3 =	sand.u32 $0x4000, s31;
	s1 =	sadd.s32 s1, s30  }
0xba: {  	s0 =	sor.u32 s3, s0;
	s1 =	sshll.u32 s1, $0x11  }
0xbb: {  	s0 =	sor.u32 s1, s0  }
0xbc: {  	s0 =	sadd.s32 $0x8F2B, s0  }
0xbd: {  	[sflag:s0] =	ssyncadd.remote.s32 $0x1  }
0xbe: {  	_ =	sfence.sel $0xFFFF  }
0xbf: {  	[dreg:$0x0] =	wrdreg $0xFFFFFFFF;
	(pc) =	sbr.abs _section_cstart, $3  }
0xc0: {  	[dreg:$0x1] =	wrdreg $0xFFFFFFFF  }
0xc1: {  	_ =	task.clear_ibuf [dreg:s6], $0x2FFFF;
	_ =	strace $0x9FFFFFFF  }
0xc2: {  	(tm) =	ssettm $0x7FFFFFFF  }
0xc3: {  	_ =	shalt  }
tec
execute0_lowered:
.L_overlay_start_1:
0x0: {  	(tag) =	ssettag $0x1  }
0x1: {  	s0 =	rddreg [dreg:$0x0]  }
0x2: {  	s2 =	srdreg.scid;
	s1 =	rddreg [dreg:$0x1]  }
0x3: {  	s5 =	stileid.u32;
	s16 =	simm.s32 $0x7D;
	s17 =	simm.s32 $0xA000  }
0x4: {  	s19 =	simm.s32 $0xBF40;
	s28 =	simm.s32 $0x2;
	s29 =	simm.s32 $0x3  }
0x5: {  	s30 =	simm.s32 $0x4;
	s31 =	simm.s32 $0x5;
	s15 =	simm.s32 $0x7  }
0x6: {  	s18 =	simm.s32 $0x8;
	s20 =	simm.s32 $0x9;
	s6 =	smul.u32 $0xA00, s5  }
0x7: {  	s3 =	sand.u32 $0x1, s2;
	s2 =	simm.s32 $0x0;
	s7 =	smul.u32 $0x9C00, s5  }
0x8: {  	s11 =	sadd.s32 $0xC7800, s0;
	s23 =	sshll.u32 s5, $0x6;
	s14 =	sadd.s32 $0x9C000, s1  }
0x9: {  	p0 =	sne.s32 s5, $0x0;
	s4 =	smul.u32 $0x138C0, s3;
	[smem:$0x7FF] =	sst s2  }
0xa: {  	s21 =	ssub.s32 $0x2, s3;
	s3 =	smul.u32 $0x9C400, s3;
	s14 =	sshrl.u32 @!p0 s14, $0x3  }
0xb: {  	_ =	strace $0x8000004D;
	s9 =	sadd.s32 s6, s0;
	s22 =	sshrl.u32 s7, $0x3  }
0xc: {  	s10 =	sshrl.u32 s21, $0x1;
	s13 =	sadd.s32 s7, s1;
	s8 =	sadd.s32 s4, s0  }
0xd: {  	s6 =	sadd.s32 s22, s0;
	s12 =	ssub.s32 s21, s10;
	s4 =	sor.u32 $0x1C0B, s23  }
0xe: {  	s0 =	sadd.s32 $0x16C00, s0;
	s24 =	sadd.s32 $0x17000, s9;
	s25 =	sadd.s32 s7, s3  }
0xf: {  	s7 =	sadd.s32 $0x21000, s9;
	s3 =	sshrl.u32 s3, $0x3;
	s21 =	simm.s32 $0xDE80  }
0x10: {  	s23 =	simm.s32 $0xFDC0;
	s22 =	simm.s32 $0xA;
	[dreg:$0x4] =	wrdreg s0  }
0x11: {  	s6 =	sadd.s32 $0x3400, s6;
	[dreg:$0x5] =	wrdreg s24;
	s0 =	sshrl.u32 s25, $0x3  }
0x12: {  	s8 =	sadd.s32 $0xA0600, s8;
	s26 =	sadd.s32 s11, s3;
	s25 =	simm.s32 $0x11D00  }
0x13: {  	s24 =	simm.s32 $0x0;
	[dreg:$0x3] =	wrdreg s6;
	s9 =	sadd.s32 s11, s0  }
0x14: {  	s10 =	sadd.s32 $0x13800, s26;
	s11 =	smax.u32 s12, $0x1;
	s12 =	sshrl.u32 s13, $0x3  }
0x15: {  	s13 =	simm.s32 $0xB;
	s26 =	simm.s32 $0x1;
	s0 =	simm.s32 $0x6  }
.LBB2_1:
0x16: {  	s3 =	rddreg [dreg:$0x3]  }
0x17: {  	[spmem:s12], [sflag:s4] =	dma.local [hbm:s3], $0x1380  }
0x18: {  	_ =	swait.ge [sflag:s13], $0x1380  }
0x19: {  	[sflag:s13] =	ssyncset.done $0x0  }
0x1a: {  	s3 =	rddreg [dreg:$0x4];
	[sflag:s13] =	ssyncadd.s32 $0xFFFFEC80  }
0x1b: {  	[spmem:s14], [sflag:s4] =	dma.local @!p0 [hbm:s3], $0x80  }
0x1c: {  	s3 =	simm.s32 @!p0 $0xB  }
0x1d: {  	_ =	swait.ge @!p0 [sflag:s3], $0x80  }
0x1e: {  	[sflag:s3] =	ssyncset.done @!p0 $0x0  }
0x1f: {  	s6 =	rddreg [dreg:$0x5];
	[sflag:s3] =	ssyncadd.s32 @!p0 $0xFFFFFF80  }
0x20: {  	[tilespmem:s2], [sflag:$0xB] =	stream.linear.gather [hbm4b:s6+s2], $0x5000, $0x38;
	[tilespmem:$0x1D880] =	vst v63  }
0x21: {  	_ =	swait.ge [sflag:s13], $0x5000  }
0x22: {  	[sflag:s13] =	ssyncset.done $0x0  }
0x23: {  	s5 =	simm.s32 $0x5000;
	[sflag:s13] =	ssyncadd.s32 $0xFFFFB000  }
0x24: {  	[tilespmem:s5], [sflag:$0xB] =	stream.linear.gather [hbm4b:s7+s2], $0x5000, $0x38;
	[tilespmem:$0x1D880] =	vst v63  }
0x25: {  	_ =	swait.ge [sflag:s13], $0x5000  }
0x26: {  	[sflag:s13] =	ssyncset.done $0x0  }
0x27: {  	[sflag:s13] =	ssyncadd.s32 $0xFFFFB000  }
0x28: {  	[bflag:$0x0] =	sbarrier.arrive $0xFFFF  }
0x29: {  	[tilespmem:s17], [sflag:$0x1] =	stream.indirect.gather [hbm4b:s8+s16], $0x40, s2, s16, $0xb8;
	[tilespmem:$0x1D880] =	vst v63  }
0x2a: {  	s6 =	simm.s32 $0x80  }
0x2b: {  	[tilespmem:s19], [sflag:$0x2] =	stream.indirect.gather [hbm4b:s8+s16], $0x40, s6, s16, $0xb8;
	[tilespmem:$0x1D880] =	vst v63  }
0x2c: {  	s5 =	simm.s32 $0x100  }
0x2d: {  	[tilespmem:s21], [sflag:$0x3] =	stream.indirect.gather [hbm4b:s8+s16], $0x40, s5, s16, $0xb8;
	[tilespmem:$0x1D880] =	vst v63  }
0x2e: {  	s6 =	simm.s32 $0x180  }
0x2f: {  	[tilespmem:s23], [sflag:$0x4] =	stream.indirect.gather [hbm4b:s8+s16], $0x40, s6, s16, $0xb8;
	[tilespmem:$0x1D880] =	vst v63  }
0x30: {  	s5 =	simm.s32 $0x200  }
0x31: {  	[tilespmem:s25], [sflag:$0x5] =	stream.indirect.gather [hbm4b:s8+s16], $0x40, s5, s16, $0xb8;
	[tilespmem:$0x1D880] =	vst v63  }
0x32: {  	_ =	swait.ge [sflag:s26], $0x1F40  }
0x33: {  	[sflag:s26] =	ssyncset.done $0x0  }
0x34: {  	s6 =	simm.s32 $0x5000;
	[sflag:s26] =	ssyncadd.s32 $0xFFFFE0C0  }
0x35: {  	[spmem:s1] =	stream.indirect.scatter.add.f32 [tilespmem:s17], [sflag:$0x6], $0x40, s6, s16, $0xb8;
	[tilespmem:$0x1D880] =	vst v63  }
0x36: {  	_ =	swait.ge [sflag:s28], $0x1F40  }
0x37: {  	[sflag:s28] =	ssyncset.done $0x0  }
0x38: {  	s5 =	simm.s32 $0x5080;
	[sflag:s28] =	ssyncadd.s32 $0xFFFFE0C0  }
0x39: {  	[spmem:s1] =	stream.indirect.scatter.add.f32 [tilespmem:s19], [sflag:$0x7], $0x40, s5, s16, $0xb8;
	[tilespmem:$0x1D880] =	vst v63  }
0x3a: {  	_ =	swait.ge [sflag:s29], $0x1F40  }
0x3b: {  	[sflag:s29] =	ssyncset.done $0x0  }
0x3c: {  	s6 =	simm.s32 $0x5100;
	[sflag:s29] =	ssyncadd.s32 $0xFFFFE0C0  }
0x3d: {  	[spmem:s1] =	stream.indirect.scatter.add.f32 [tilespmem:s21], [sflag:$0x8], $0x40, s6, s16, $0xb8;
	[tilespmem:$0x1D880] =	vst v63  }
0x3e: {  	_ =	swait.ge [sflag:s30], $0x1F40  }
0x3f: {  	[sflag:s30] =	ssyncset.done $0x0  }
0x40: {  	s5 =	simm.s32 $0x5180;
	[sflag:s30] =	ssyncadd.s32 $0xFFFFE0C0  }
0x41: {  	[spmem:s1] =	stream.indirect.scatter.add.f32 [tilespmem:s23], [sflag:$0x9], $0x40, s5, s16, $0xb8;
	[tilespmem:$0x1D880] =	vst v63  }
0x42: {  	_ =	swait.ge [sflag:s31], $0x1F40  }
0x43: {  	[sflag:s31] =	ssyncset.done $0x0  }
0x44: {  	s6 =	simm.s32 $0x5200;
	[sflag:s31] =	ssyncadd.s32 $0xFFFFE0C0  }
0x45: {  	[spmem:s1] =	stream.indirect.scatter.add.f32 [tilespmem:s25], [sflag:$0xA], $0x40, s6, s16, $0xb8;
	[tilespmem:$0x1D880] =	vst v63  }
0x46: {  	_ =	swait.ge [sflag:s0], $0x1F40  }
0x47: {  	[sflag:s0] =	ssyncset.done $0x0  }
0x48: {  	s5 =	simm.s32 $0x280;
	[sflag:s0] =	ssyncadd.s32 $0xFFFFE0C0  }
0x49: {  	[tilespmem:s17], [sflag:$0x1] =	stream.indirect.gather [hbm4b:s8+s16], $0x40, s5, s16, $0xb8;
	[tilespmem:$0x1D880] =	vst v63  }
0x4a: {  	_ =	swait.ge [sflag:s15], $0x1F40  }
0x4b: {  	[sflag:s15] =	ssyncset.done $0x0  }
0x4c: {  	s6 =	simm.s32 $0x300;
	[sflag:s15] =	ssyncadd.s32 $0xFFFFE0C0  }
0x4d: {  	[tilespmem:s19], [sflag:$0x2] =	stream.indirect.gather [hbm4b:s8+s16], $0x40, s6, s16, $0xb8;
	[tilespmem:$0x1D880] =	vst v63  }
0x4e: {  	_ =	swait.ge [sflag:s18], $0x1F40  }
0x4f: {  	[sflag:s18] =	ssyncset.done $0x0  }
0x50: {  	s5 =	simm.s32 $0x380;
	[sflag:s18] =	ssyncadd.s32 $0xFFFFE0C0  }
0x51: {  	[tilespmem:s21], [sflag:$0x3] =	stream.indirect.gather [hbm4b:s8+s16], $0x40, s5, s16, $0xb8;
	[tilespmem:$0x1D880] =	vst v63  }
0x52: {  	_ =	swait.ge [sflag:s20], $0x1F40  }
0x53: {  	[sflag:s20] =	ssyncset.done $0x0  }
0x54: {  	s6 =	simm.s32 $0x400;
	[sflag:s20] =	ssyncadd.s32 $0xFFFFE0C0  }
0x55: {  	[tilespmem:s23], [sflag:$0x4] =	stream.indirect.gather [hbm4b:s8+s16], $0x40, s6, s16, $0xb8;
	[tilespmem:$0x1D880] =	vst v63  }
0x56: {  	_ =	swait.ge [sflag:s22], $0x1F40  }
0x57: {  	[sflag:s22] =	ssyncset.done $0x0  }
0x58: {  	s3 =	simm.s32 $0xA00;
	s5 =	simm.s32 $0x480;
	[sflag:s22] =	ssyncadd.s32 $0xFFFFE0C0  }
.LBB2_2:
0x59: {  	[tilespmem:s25], [sflag:$0x5] =	stream.indirect.gather [hbm4b:s8+s16], $0x40, s5, s16, $0xb8;
	[tilespmem:$0x1D880] =	vst v63  }
0x5a: {  	s5 =	smov.u32 s3  }
0x5b: {  	p1 =	sne.s32 s3, $0x12C00;
	s3 =	sadd.s32 $0xA00, s3;
	_ =	swait.ge [sflag:s26], $0x1F40  }
0x5c: {  	s5 =	sshra.s32 s5, $0x2;
	[sflag:s26] =	ssyncset.done $0x0  }
0x5d: {  	s6 =	sadd.s32 $0x5000, s5;
	[sflag:s26] =	ssyncadd.s32 $0xFFFFE0C0  }
0x5e: {  	[spmem:s1] =	stream.indirect.scatter.add.f32 [tilespmem:s17], [sflag:$0x6], $0x40, s6, s16, $0xb8;
	[tilespmem:$0x1D880] =	vst v63  }
0x5f: {  	_ =	swait.ge [sflag:s28], $0x1F40  }
0x60: {  	[sflag:s28] =	ssyncset.done $0x0  }
0x61: {  	s6 =	sadd.s32 $0x5080, s5;
	[sflag:s28] =	ssyncadd.s32 $0xFFFFE0C0  }
0x62: {  	[spmem:s1] =	stream.indirect.scatter.add.f32 [tilespmem:s19], [sflag:$0x7], $0x40, s6, s16, $0xb8;
	[tilespmem:$0x1D880] =	vst v63  }
0x63: {  	_ =	swait.ge [sflag:s29], $0x1F40  }
0x64: {  	[sflag:s29] =	ssyncset.done $0x0  }
0x65: {  	s6 =	sadd.s32 $0x5100, s5;
	[sflag:s29] =	ssyncadd.s32 $0xFFFFE0C0  }
0x66: {  	[spmem:s1] =	stream.indirect.scatter.add.f32 [tilespmem:s21], [sflag:$0x8], $0x40, s6, s16, $0xb8;
	[tilespmem:$0x1D880] =	vst v63  }
0x67: {  	_ =	swait.ge [sflag:s30], $0x1F40  }
0x68: {  	[sflag:s30] =	ssyncset.done $0x0  }
0x69: {  	s6 =	sadd.s32 $0x5180, s5;
	[sflag:s30] =	ssyncadd.s32 $0xFFFFE0C0  }
0x6a: {  	[spmem:s1] =	stream.indirect.scatter.add.f32 [tilespmem:s23], [sflag:$0x9], $0x40, s6, s16, $0xb8;
	[tilespmem:$0x1D880] =	vst v63  }
0x6b: {  	_ =	swait.ge [sflag:s31], $0x1F40  }
0x6c: {  	[sflag:s31] =	ssyncset.done $0x0  }
0x6d: {  	s6 =	sadd.s32 $0x5200, s5;
	[sflag:s31] =	ssyncadd.s32 $0xFFFFE0C0  }
0x6e: {  	[spmem:s1] =	stream.indirect.scatter.add.f32 [tilespmem:s25], [sflag:$0xA], $0x40, s6, s16, $0xb8;
	[tilespmem:$0x1D880] =	vst v63  }
0x6f: {  	_ =	swait.ge [sflag:s0], $0x1F40  }
0x70: {  	[sflag:s0] =	ssyncset.done $0x0  }
0x71: {  	s6 =	sadd.s32 $0x280, s5;
	[sflag:s0] =	ssyncadd.s32 $0xFFFFE0C0  }
0x72: {  	[tilespmem:s17], [sflag:$0x1] =	stream.indirect.gather [hbm4b:s8+s16], $0x40, s6, s16, $0xb8;
	[tilespmem:$0x1D880] =	vst v63  }
0x73: {  	_ =	swait.ge [sflag:s15], $0x1F40  }
0x74: {  	[sflag:s15] =	ssyncset.done $0x0  }
0x75: {  	s6 =	sadd.s32 $0x300, s5;
	[sflag:s15] =	ssyncadd.s32 $0xFFFFE0C0  }
0x76: {  	[tilespmem:s19], [sflag:$0x2] =	stream.indirect.gather [hbm4b:s8+s16], $0x40, s6, s16, $0xb8;
	[tilespmem:$0x1D880] =	vst v63  }
0x77: {  	_ =	swait.ge [sflag:s18], $0x1F40  }
0x78: {  	[sflag:s18] =	ssyncset.done $0x0  }
0x79: {  	s6 =	sadd.s32 $0x380, s5;
	[sflag:s18] =	ssyncadd.s32 $0xFFFFE0C0  }
0x7a: {  	[tilespmem:s21], [sflag:$0x3] =	stream.indirect.gather [hbm4b:s8+s16], $0x40, s6, s16, $0xb8;
	[tilespmem:$0x1D880] =	vst v63  }
0x7b: {  	_ =	swait.ge [sflag:s20], $0x1F40  }
0x7c: {  	[sflag:s20] =	ssyncset.done $0x0  }
.Ltmp0:
0x7d: {  	s6 =	sadd.s32 $0x400, s5;
	[sflag:s20] =	ssyncadd.s32 $0xFFFFE0C0;
	(pc) =	sbr.rel @p1 .LBB2_2-.Ltmp0, $4  }
0x7e: {  	[tilespmem:s23], [sflag:$0x4] =	stream.indirect.gather [hbm4b:s8+s16], $0x40, s6, s16, $0xb8;
	[tilespmem:$0x1D880] =	vst v63  }
0x7f: {  	_ =	swait.ge [sflag:s22], $0x1F40  }
0x80: {  	[sflag:s22] =	ssyncset.done $0x0  }
0x81: {  	s5 =	sadd.s32 $0x480, s5;
	[sflag:s22] =	ssyncadd.s32 $0xFFFFE0C0  }
0x82: {  	[tilespmem:s25], [sflag:$0x5] =	stream.indirect.gather [hbm4b:s8+s16], $0x40, s5, s16, $0xb8;
	[tilespmem:$0x1D880] =	vst v63  }
0x83: {  	_ =	swait.ge [sflag:s26], $0x1F40  }
0x84: {  	[sflag:s26] =	ssyncset.done $0x0  }
0x85: {  	s3 =	simm.s32 $0x9D80;
	[sflag:s26] =	ssyncadd.s32 $0xFFFFE0C0  }
0x86: {  	[spmem:s1] =	stream.indirect.scatter.add.f32 [tilespmem:s17], [sflag:$0x6], $0x40, s3, s16, $0xb8;
	[tilespmem:$0x1D880] =	vst v63  }
0x87: {  	_ =	swait.ge [sflag:s28], $0x1F40  }
0x88: {  	[sflag:s28] =	ssyncset.done $0x0  }
0x89: {  	s5 =	simm.s32 $0x9E00;
	[sflag:s28] =	ssyncadd.s32 $0xFFFFE0C0  }
0x8a: {  	[spmem:s1] =	stream.indirect.scatter.add.f32 [tilespmem:s19], [sflag:$0x7], $0x40, s5, s16, $0xb8;
	[tilespmem:$0x1D880] =	vst v63  }
0x8b: {  	_ =	swait.ge [sflag:s29], $0x1F40  }
0x8c: {  	[sflag:s29] =	ssyncset.done $0x0  }
0x8d: {  	s6 =	simm.s32 $0x9E80;
	[sflag:s29] =	ssyncadd.s32 $0xFFFFE0C0  }
0x8e: {  	[spmem:s1] =	stream.indirect.scatter.add.f32 [tilespmem:s21], [sflag:$0x8], $0x40, s6, s16, $0xb8;
	[tilespmem:$0x1D880] =	vst v63  }
0x8f: {  	_ =	swait.ge [sflag:s30], $0x1F40  }
0x90: {  	[sflag:s30] =	ssyncset.done $0x0  }
0x91: {  	s5 =	simm.s32 $0x9F00;
	[sflag:s30] =	ssyncadd.s32 $0xFFFFE0C0  }
0x92: {  	[spmem:s1] =	stream.indirect.scatter.add.f32 [tilespmem:s23], [sflag:$0x9], $0x40, s5, s16, $0xb8;
	[tilespmem:$0x1D880] =	vst v63  }
0x93: {  	_ =	swait.ge [sflag:s31], $0x1F40  }
0x94: {  	[sflag:s31] =	ssyncset.done $0x0  }
0x95: {  	s6 =	simm.s32 $0x9F80;
	[sflag:s31] =	ssyncadd.s32 $0xFFFFE0C0  }
0x96: {  	[spmem:s1] =	stream.indirect.scatter.add.f32 [tilespmem:s25], [sflag:$0xA], $0x40, s6, s16, $0xb8;
	[tilespmem:$0x1D880] =	vst v63  }
0x97: {  	_ =	swait.ge [sflag:s0], $0x1F40  }
0x98: {  	[sflag:s0] =	ssyncset.done $0x0  }
0x99: {  	[sflag:s0] =	ssyncadd.s32 $0xFFFFE0C0  }
0x9a: {  	_ =	swait.ge [sflag:s15], $0x1F40  }
0x9b: {  	[sflag:s15] =	ssyncset.done $0x0  }
0x9c: {  	[sflag:s15] =	ssyncadd.s32 $0xFFFFE0C0  }
0x9d: {  	_ =	swait.ge [sflag:s18], $0x1F40  }
0x9e: {  	[sflag:s18] =	ssyncset.done $0x0  }
0x9f: {  	[sflag:s18] =	ssyncadd.s32 $0xFFFFE0C0  }
0xa0: {  	_ =	swait.ge [sflag:s20], $0x1F40  }
0xa1: {  	[sflag:s20] =	ssyncset.done $0x0  }
0xa2: {  	[sflag:s20] =	ssyncadd.s32 $0xFFFFE0C0  }
0xa3: {  	_ =	swait.ge [sflag:s22], $0x1F40  }
0xa4: {  	[sflag:s22] =	ssyncset.done $0x0  }
0xa5: {  	[sflag:s22] =	ssyncadd.s32 $0xFFFFE0C0  }
0xa6: {  	[bflag:$0x0] =	sbarrier.arrive $0xFFFF  }
0xa7: {  	[hbm:s9], [sflag:s4] =	dma.local [spmem:s12], $0x1380  }
0xa8: {  	s24 =	sadd.s32 $0x1, s24;
	_ =	swait.ge [sflag:s13], $0x1380  }
0xa9: {  	p1 =	sne.s32 s24, s11;
	[sflag:s13] =	ssyncset.done $0x0  }
.Ltmp1:
0xaa: {  	s3 =	simm.s32 @!p0 $0xB;
	[sflag:s13] =	ssyncadd.s32 $0xFFFFEC80;
	(pc) =	sbr.rel @p1 .LBB2_1-.Ltmp1, $4  }
0xab: {  	[hbm:s10], [sflag:s4] =	dma.local @!p0 [spmem:s14], $0x80  }
0xac: {  	_ =	swait.ge @!p0 [sflag:s3], $0x80  }
0xad: {  	[sflag:s3] =	ssyncset.done @!p0 $0x0  }
0xae: {  	[sflag:s3] =	ssyncadd.s32 @!p0 $0xFFFFFF80  }
0xaf: {  	_ =	sfence.sel $0x180000  }
0xb0: {  	[bflag:$0x0] =	sbarrier.arrive $0xFFFF  }
0xb1: {  	_ =	strace $0x9000004D  }
0xb2: {  	[bflag:$0x2] =	sbarrier.arrive $0xFFFF  }
0xb3: {  	s0 =	rddreg [dreg:$0x2]  }
0xb4: {  	s0 =	sadd.s32 @!p0 $0x100000, s0  }
0xb5: {  	[sflag:s0] =	ssyncadd.tile.s32 @!p0 $0x1;
	_ =	shalt  }
.Lfunc_end2:
_tile_overlayer_lowered:
.L_overlay_start_2:
0xb6: {  	(tag) =	ssettag $0x2  }
0xb7: {  	s0 =	rddreg [dreg:$0x0];
	s2 =	stileid.u32  }
0xb8: {  	s1 =	rddreg [dreg:$0x1];
	p0 =	sne.s32 s2, $0x0  }
0xb9: {  	s3 =	rddreg [dreg:$0x2];
	[bflag:$0x3] =	sbarrier.arrive $0xFFFF;
	s2 =	simm.s32 @!p0 $0x1C0B  }
0xba: {  	[timem:s3], [sflag:s2] =	dma.local @!p0 [hbm:s0], s1  }
0xbb: {  	s0 =	simm.s32 @!p0 $0xB  }
0xbc: {  	_ =	swait.ge @!p0 [sflag:s0], s1  }
0xbd: {  	s1 =	ssub.s32 @!p0 $0x0, s1;
	[sflag:s0] =	ssyncset.done @!p0 $0x0  }
0xbe: {  	[sflag:s0] =	ssyncadd.s32 @!p0 s1  }
0xbf: {  	[bflag:$0x3] =	sbarrier.arrive $0xFFFF  }
0xc0: {  	_ =	shalt  }

</sc_bundles>
